<compile_context>
chip_gen: v7x
topology: tpu7x:2x2x1
jax: 0.10.2.dev20260603
libtpu: 0.0.44.dev20260713+nightly
codegen_flags: <defaults>
</compile_context>

<pallas_src>
import functools

import jax
import jax.numpy as jnp
from jax import lax
from jax.experimental import pallas as pl
from jax.experimental.pallas import tpu as pltpu
from jax.experimental.pallas import tpu_sc as plsc

N = 10000
D = 128
E = 320000

NC = 2
NS = 16
NW = NC * NS
CHUNK = 80
HALVES = 2
I2 = 63
ITERS = HALVES * I2
EPW = ITERS * CHUNK
NBUF = 3
RPT = 632
NP = RPT * NS


def _spmm_sc_body(h_hbm, ei_hbm, zeros_hbm, out_hbm,
                  src_v, dst_v, acc_sh, *bufs_and_sems):
    rows = bufs_and_sems[0:NBUF]
    gsem = bufs_and_sems[NBUF:2 * NBUF]
    ssem = bufs_and_sems[2 * NBUF:3 * NBUF]
    c = lax.axis_index("c")
    s = lax.axis_index("s")
    wid = c * NS + s
    rbase = s * RPT

    def gstart(i, b):
        pltpu.async_copy(h_hbm.at[src_v.at[i]], rows[b], gsem[b])

    def gwait(b):
        pltpu.make_async_copy(h_hbm.at[src_v.at[0]], rows[b], gsem[b]).wait()

    def sstart(i, b):
        pltpu.async_copy(rows[b], acc_sh.at[dst_v.at[i]], ssem[b], add=True)

    def swait(b):
        pltpu.make_async_copy(rows[b], acc_sh.at[dst_v.at[0]], ssem[b]).wait()

    pltpu.sync_copy(zeros_hbm, acc_sh.at[pl.ds(rbase, RPT)])
    plsc.subcore_barrier()

    for half in range(HALVES):
        pltpu.sync_copy(ei_hbm.at[0, wid, half], src_v)
        pltpu.sync_copy(ei_hbm.at[1, wid, half], dst_v)
        gstart(0, 0)

        def body(j, carry):
            for b in range(NBUF):
                i = j * NBUF + b
                nb = (b + 1) % NBUF
                @pl.when(i >= NBUF - 1)
                def _():
                    swait(nb)

                @pl.when(i < I2 - 1)
                def _():
                    gstart(i + 1, nb)

                gwait(b)
                sstart(i, b)
            return carry

        lax.fori_loop(0, I2 // NBUF, body, 0)
        for k in range(NBUF - 1, 0, -1):
            swait((I2 - k) % NBUF)

    plsc.subcore_barrier()
    pltpu.sync_copy(acc_sh.at[pl.ds(rbase, RPT)],
                    out_hbm.at[c, pl.ds(rbase, RPT)])


_spmm_sc = pl.kernel(
    _spmm_sc_body,
    out_type=jax.ShapeDtypeStruct((NC, NP, D), jnp.float32),
    mesh=plsc.VectorSubcoreMesh(core_axis_name="c", subcore_axis_name="s"),
    scratch_types=[
        pltpu.VMEM((I2, CHUNK), jnp.int32),
        pltpu.VMEM((I2, CHUNK), jnp.int32),
        pltpu.VMEM_SHARED((NP, D), jnp.float32),
    ] + [pltpu.VMEM((CHUNK, D), jnp.float32)] * NBUF
      + [pltpu.SemaphoreType.DMA] * (2 * NBUF),
)


def _bn_relu(h, g, b):
    mean = jnp.mean(h, axis=0, keepdims=True)
    var = jnp.mean((h - mean) ** 2, axis=0, keepdims=True)
    return jnp.maximum((h - mean) * lax.rsqrt(var + 1e-5) * g + b, 0.0)


def _stage1_body(x_ref, p0_ref, p1_ref, wa_ref, wb_ref, b_ref, g_ref,
                 beta_ref, o_ref):
    agg = p0_ref[...] + p1_ref[...]
    h = (jnp.dot(x_ref[...], wa_ref[...], preferred_element_type=jnp.float32)
         + jnp.dot(agg, wb_ref[...], preferred_element_type=jnp.float32)
         + b_ref[...])
    o_ref[...] = _bn_relu(h, g_ref[...], beta_ref[...])


def _stage2_body(p0_ref, p1_ref, w_ref, b_ref, g_ref, beta_ref, o_ref):
    agg = p0_ref[...] + p1_ref[...]
    h = jnp.dot(agg, w_ref[...], preferred_element_type=jnp.float32) + b_ref[...]
    o_ref[...] = _bn_relu(h, g_ref[...], beta_ref[...])


def _stage3_body(p0_ref, p1_ref, wt_ref, bt_ref, wl_ref, bl_ref, g2_ref,
                 beta2_ref, g3_ref, beta3_ref, o_ref):
    agg = p0_ref[...] + p1_ref[...]
    h = jnp.dot(agg, wt_ref[...], preferred_element_type=jnp.float32) + bt_ref[...]
    h = _bn_relu(h, g2_ref[...], beta2_ref[...])
    h = jnp.maximum(
        jnp.dot(h, wl_ref[...], preferred_element_type=jnp.float32) + bl_ref[...],
        0.0)
    o_ref[...] = _bn_relu(h, g3_ref[...], beta3_ref[...])


_out_nd = jax.ShapeDtypeStruct((N, D), jnp.float32)
_stage1 = pl.pallas_call(_stage1_body, out_shape=_out_nd)
_stage2 = pl.pallas_call(_stage2_body, out_shape=_out_nd)
_stage3 = pl.pallas_call(_stage3_body, out_shape=_out_nd)


def kernel(x, edge_index, W_unite, b_unite, W_graph, b_graph, W_trans,
           b_trans, W_lin, b_lin, g1, beta1, g2, beta2, g3, beta3):
    ppw = EPW - E // NW
    lanes = jnp.arange(ppw, dtype=jnp.int32)[None, :]
    wids = jnp.arange(NW, dtype=jnp.int32)[:, None]
    pad_src = (wids * 313 + lanes * 7) % N
    pad_dst = N + (wids * 13 + lanes) % (NP - N)
    pad = jnp.stack([pad_src, pad_dst])
    ei5 = jnp.concatenate(
        [edge_index.reshape(2, NW, E // NW), pad], axis=2).reshape(
        2, NW, HALVES, I2, CHUNK)
    zeros = jnp.zeros((RPT, D), jnp.float32)
    row = lambda v: v.reshape(1, D)

    p = _spmm_sc(x, ei5, zeros)[:, :N]
    h = _stage1(x, p[0], p[1], W_unite[:D], W_unite[D:], row(b_unite),
                row(g1), row(beta1))
    p = _spmm_sc(h, ei5, zeros)[:, :N]
    h = _stage2(p[0], p[1], W_graph, row(b_graph), row(g2), row(beta2))
    p = _spmm_sc(h, ei5, zeros)[:, :N]
    h = _stage3(p[0], p[1], W_trans, row(b_trans), W_lin, row(b_lin),
                row(g2), row(beta2), row(g3), row(beta3))
    return h

# --- scband reference (transcript-rebuilt; emitter-appended) ---
"""Pipeline reference for scband-sub-graph-40664750359214 (READ-ONLY COPY).

The authoritative reference and input builder live on the scoring server;
editing this copy changes nothing except your own understanding.
"""

import jax, jax.numpy as jnp
import numpy as np

N = 10000
D = 128
E = 320000
H = 128


def setup_inputs(seed: int = 0) -> dict:
    key = jax.random.key(seed)
    ks = jax.random.split(key, 12)
    x = jax.random.normal(ks[0], (N, D), dtype=jnp.float32)
    edge_index = jax.random.randint(ks[1], (2, E), 0, N, dtype=jnp.int32)
    s = 0.05
    W_unite = jax.random.normal(ks[2], (2 * D, H), dtype=jnp.float32) * s
    b_unite = jnp.zeros((H,), dtype=jnp.float32)
    W_graph = jax.random.normal(ks[3], (H, H), dtype=jnp.float32) * s
    b_graph = jnp.zeros((H,), dtype=jnp.float32)
    W_trans = jax.random.normal(ks[4], (H, H), dtype=jnp.float32) * s
    b_trans = jnp.zeros((H,), dtype=jnp.float32)
    W_lin = jax.random.normal(ks[5], (H, H), dtype=jnp.float32) * s
    b_lin = jnp.zeros((H,), dtype=jnp.float32)
    g1 = jnp.ones((H,), dtype=jnp.float32)
    beta1 = jnp.zeros((H,), dtype=jnp.float32)
    g2 = jnp.ones((H,), dtype=jnp.float32)
    beta2 = jnp.zeros((H,), dtype=jnp.float32)
    g3 = jnp.ones((H,), dtype=jnp.float32)
    beta3 = jnp.zeros((H,), dtype=jnp.float32)
    return {"x": x, "edge_index": edge_index, "W_unite": W_unite, "b_unite": b_unite,
            "W_graph": W_graph, "b_graph": b_graph, "W_trans": W_trans, "b_trans": b_trans,
            "W_lin": W_lin, "b_lin": b_lin, "g1": g1, "beta1": beta1,
            "g2": g2, "beta2": beta2, "g3": g3, "beta3": beta3}


def _bn(h, g, b):
    mean = jnp.mean(h, axis=0, keepdims=True)
    var = jnp.var(h, axis=0, keepdims=True)
    return (h - mean) / jnp.sqrt(var + 1e-5) * g + b


def reference(x, edge_index, W_unite, b_unite, W_graph, b_graph, W_trans, b_trans,
              W_lin, b_lin, g1, beta1, g2, beta2, g3, beta3):
    src = edge_index[0]
    dst = edge_index[1]
    # linmaps1 + LazyUnite: lift node features, gather from neighborhoods, reduce, mix
    agg = jax.ops.segment_sum(jnp.take(x, src, axis=0), dst, num_segments=N)
    h = jnp.concatenate([x, agg], axis=1) @ W_unite + b_unite
    h = jax.nn.relu(_bn(h, g1, beta1))
    # dropout1: eval-mode identity
    # LazyHigherGraphConv: neighborhood aggregation + linear
    agg = jax.ops.segment_sum(jnp.take(h, src, axis=0), dst, num_segments=N)
    h = agg @ W_graph + b_graph
    h = jax.nn.relu(_bn(h, g2, beta2))
    # LazyTransfer: transfer over reference domains (neighborhood scatter) + linear
    agg = jax.ops.segment_sum(jnp.take(h, src, axis=0), dst, num_segments=N)
    h = agg @ W_trans + b_trans
    h = jax.nn.relu(_bn(h, g2, beta2))  # batchnorm2 reused twice in original module
    h = jax.nn.relu(h @ W_lin + b_lin)
    h = jax.nn.relu(_bn(h, g3, beta3))
    return h

if __name__ == "__main__":
    import jax
    _d = setup_inputs()
    print(jax.jit(kernel)(*tuple(_d.values())))

</pallas_src>

<mosaic_0001>
#map = affine_map<(d0, d1) -> (0, 0)>
#map1 = affine_map<(d0, d1) -> (0, 0, 0, 0, 0)>
#map2 = affine_map<(d0, d1) -> (0, 0, 0)>
module attributes {stable_mosaic.version = 14 : i64} {
  func.func @_spmm_sc_body(%arg0: i32, %arg1: i32, %arg2: memref<10000x128xf32, #tpu.memory_space<hbm>>, %arg3: memref<2x32x2x63x80xi32, #tpu.memory_space<hbm>>, %arg4: memref<632x128xf32, #tpu.memory_space<hbm>>, %arg5: memref<2x10112x128xf32, #tpu.memory_space<hbm>>, %arg6: memref<63x80xi32, #tpu.memory_space<vmem>>, %arg7: memref<63x80xi32, #tpu.memory_space<vmem>>, %arg8: memref<10112x128xf32, #tpu.memory_space<vmem_shared>>, %arg9: memref<80x128xf32, #tpu.memory_space<vmem>>, %arg10: memref<80x128xf32, #tpu.memory_space<vmem>>, %arg11: memref<80x128xf32, #tpu.memory_space<vmem>>, %arg12: memref<!tpu.dma_semaphore, #tpu.memory_space<semaphore_mem>>, %arg13: memref<!tpu.dma_semaphore, #tpu.memory_space<semaphore_mem>>, %arg14: memref<!tpu.dma_semaphore, #tpu.memory_space<semaphore_mem>>, %arg15: memref<!tpu.dma_semaphore, #tpu.memory_space<semaphore_mem>>, %arg16: memref<!tpu.dma_semaphore, #tpu.memory_space<semaphore_mem>>, %arg17: memref<!tpu.dma_semaphore, #tpu.memory_space<semaphore_mem>>) attributes {dimension_semantics = [#tpu.dimension_semantics<core_parallel>, #tpu.dimension_semantics<subcore_parallel>], iteration_bounds = array<i64: 2, 16>, scalar_prefetch = 0 : i64, scratch_operands = 12 : i64, tpu.core_type = #tpu.core_type<sc_vector_subcore>, window_params = [{transform_indices = #map}, {transform_indices = #map1}, {transform_indices = #map}, {transform_indices = #map2}]} {
    %mul3A = arith.constant 16 : i32
    %mul3A_0 = arith.muli %arg0, %mul3A : i32
    %add3A = arith.addi %mul3A_0, %arg1 : i32
    %mul3A_1 = arith.constant 632 : i32
    %mul3A_2 = arith.muli %arg1, %mul3A_1 : i32
    "tpu.region"() ({
      %run_scoped3A_62 = tpu.sem_alloc : memref<!tpu.dma_semaphore, #tpu.memory_space<semaphore_mem>>
      %dma_start3A_63 = arith.constant 0 : i32
      %dma_start3A_64 = tpu.memref_slice %arg8[%mul3A_2, %dma_start3A_63] : memref<10112x128xf32, #tpu.memory_space<vmem_shared>> -> memref<632x128xf32, #tpu.memory_space<vmem_shared>>
      tpu.enqueue_dma source(%arg4 : memref<632x128xf32, #tpu.memory_space<hbm>>) target(%dma_start3A_64 : memref<632x128xf32, #tpu.memory_space<vmem_shared>>) target_semaphore(%run_scoped3A_62 : memref<!tpu.dma_semaphore, #tpu.memory_space<semaphore_mem>>)
      %dma_wait3A_65 = arith.constant 0 : i32
      %dma_wait3A_66 = tpu.memref_slice %arg8[%mul3A_2, %dma_wait3A_65] : memref<10112x128xf32, #tpu.memory_space<vmem_shared>> -> memref<632x128xf32, #tpu.memory_space<vmem_shared>>
      tpu.wait_dma2 semaphore(%run_scoped3A_62 : memref<!tpu.dma_semaphore, #tpu.memory_space<semaphore_mem>>) src(%arg4 : memref<632x128xf32, #tpu.memory_space<hbm>>) dst(%dma_wait3A_66 : memref<632x128xf32, #tpu.memory_space<vmem_shared>>)
      tpu.yield
    }) : () -> ()
    %barrier3A = arith.constant 0 : index
    tpu.barrier barrier_id(%barrier3A)
    %run_scoped3A = arith.constant 0 : i32
    %run_scoped3A_3 = arith.constant 0 : i32
    "tpu.region"() ({
      %run_scoped3A_62 = tpu.sem_alloc : memref<!tpu.dma_semaphore, #tpu.memory_space<semaphore_mem>>
      %dma_start3A_63 = arith.constant 0 : i32
      %dma_start3A_64 = arith.constant 0 : i32
      %dma_start3A_65 = tpu.memref_slice %arg3[%run_scoped3A, %add3A, %run_scoped3A_3, %dma_start3A_63, %dma_start3A_64] : memref<2x32x2x63x80xi32, #tpu.memory_space<hbm>> -> memref<1x1x1x63x80xi32, #tpu.memory_space<hbm>>
      %dma_start3A_66 = tpu.memref_squeeze %dma_start3A_65 : memref<1x1x1x63x80xi32, #tpu.memory_space<hbm>> -> memref<63x80xi32, #tpu.memory_space<hbm>>
      %dma_start3A_67 = arith.constant 0 : i32
      %dma_start3A_68 = arith.constant 0 : i32
      %dma_start3A_69 = tpu.memref_slice %arg3[%run_scoped3A, %add3A, %run_scoped3A_3, %dma_start3A_67, %dma_start3A_68] : memref<2x32x2x63x80xi32, #tpu.memory_space<hbm>> -> memref<1x1x1x63x80xi32, #tpu.memory_space<hbm>>
      %dma_start3A_70 = tpu.memref_squeeze %dma_start3A_69 : memref<1x1x1x63x80xi32, #tpu.memory_space<hbm>> -> memref<63x80xi32, #tpu.memory_space<hbm>>
      tpu.enqueue_dma source(%dma_start3A_70 : memref<63x80xi32, #tpu.memory_space<hbm>>) target(%arg6 : memref<63x80xi32, #tpu.memory_space<vmem>>) target_semaphore(%run_scoped3A_62 : memref<!tpu.dma_semaphore, #tpu.memory_space<semaphore_mem>>)
      %dma_wait3A_71 = arith.constant 0 : i32
      %dma_wait3A_72 = arith.constant 0 : i32
      %dma_wait3A_73 = tpu.memref_slice %arg3[%run_scoped3A, %add3A, %run_scoped3A_3, %dma_wait3A_71, %dma_wait3A_72] : memref<2x32x2x63x80xi32, #tpu.memory_space<hbm>> -> memref<1x1x1x63x80xi32, #tpu.memory_space<hbm>>
      %dma_wait3A_74 = tpu.memref_squeeze %dma_wait3A_73 : memref<1x1x1x63x80xi32, #tpu.memory_space<hbm>> -> memref<63x80xi32, #tpu.memory_space<hbm>>
      %dma_wait3A_75 = arith.constant 0 : i32
      %dma_wait3A_76 = arith.constant 0 : i32
      %dma_wait3A_77 = tpu.memref_slice %arg3[%run_scoped3A, %add3A, %run_scoped3A_3, %dma_wait3A_75, %dma_wait3A_76] : memref<2x32x2x63x80xi32, #tpu.memory_space<hbm>> -> memref<1x1x1x63x80xi32, #tpu.memory_space<hbm>>
      %dma_wait3A_78 = tpu.memref_squeeze %dma_wait3A_77 : memref<1x1x1x63x80xi32, #tpu.memory_space<hbm>> -> memref<63x80xi32, #tpu.memory_space<hbm>>
      tpu.wait_dma2 semaphore(%run_scoped3A_62 : memref<!tpu.dma_semaphore, #tpu.memory_space<semaphore_mem>>) src(%dma_wait3A_78 : memref<63x80xi32, #tpu.memory_space<hbm>>) dst(%arg6 : memref<63x80xi32, #tpu.memory_space<vmem>>)
      tpu.yield
    }) : () -> ()
    %run_scoped3A_4 = arith.constant 1 : i32
    %run_scoped3A_5 = arith.constant 0 : i32
    "tpu.region"() ({
      %run_scoped3A_62 = tpu.sem_alloc : memref<!tpu.dma_semaphore, #tpu.memory_space<semaphore_mem>>
      %dma_start3A_63 = arith.constant 0 : i32
      %dma_start3A_64 = arith.constant 0 : i32
      %dma_start3A_65 = tpu.memref_slice %arg3[%run_scoped3A_4, %add3A, %run_scoped3A_5, %dma_start3A_63, %dma_start3A_64] : memref<2x32x2x63x80xi32, #tpu.memory_space<hbm>> -> memref<1x1x1x63x80xi32, #tpu.memory_space<hbm>>
      %dma_start3A_66 = tpu.memref_squeeze %dma_start3A_65 : memref<1x1x1x63x80xi32, #tpu.memory_space<hbm>> -> memref<63x80xi32, #tpu.memory_space<hbm>>
      %dma_start3A_67 = arith.constant 0 : i32
      %dma_start3A_68 = arith.constant 0 : i32
      %dma_start3A_69 = tpu.memref_slice %arg3[%run_scoped3A_4, %add3A, %run_scoped3A_5, %dma_start3A_67, %dma_start3A_68] : memref<2x32x2x63x80xi32, #tpu.memory_space<hbm>> -> memref<1x1x1x63x80xi32, #tpu.memory_space<hbm>>
      %dma_start3A_70 = tpu.memref_squeeze %dma_start3A_69 : memref<1x1x1x63x80xi32, #tpu.memory_space<hbm>> -> memref<63x80xi32, #tpu.memory_space<hbm>>
      tpu.enqueue_dma source(%dma_start3A_70 : memref<63x80xi32, #tpu.memory_space<hbm>>) target(%arg7 : memref<63x80xi32, #tpu.memory_space<vmem>>) target_semaphore(%run_scoped3A_62 : memref<!tpu.dma_semaphore, #tpu.memory_space<semaphore_mem>>)
      %dma_wait3A_71 = arith.constant 0 : i32
      %dma_wait3A_72 = arith.constant 0 : i32
      %dma_wait3A_73 = tpu.memref_slice %arg3[%run_scoped3A_4, %add3A, %run_scoped3A_5, %dma_wait3A_71, %dma_wait3A_72] : memref<2x32x2x63x80xi32, #tpu.memory_space<hbm>> -> memref<1x1x1x63x80xi32, #tpu.memory_space<hbm>>
      %dma_wait3A_74 = tpu.memref_squeeze %dma_wait3A_73 : memref<1x1x1x63x80xi32, #tpu.memory_space<hbm>> -> memref<63x80xi32, #tpu.memory_space<hbm>>
      %dma_wait3A_75 = arith.constant 0 : i32
      %dma_wait3A_76 = arith.constant 0 : i32
      %dma_wait3A_77 = tpu.memref_slice %arg3[%run_scoped3A_4, %add3A, %run_scoped3A_5, %dma_wait3A_75, %dma_wait3A_76] : memref<2x32x2x63x80xi32, #tpu.memory_space<hbm>> -> memref<1x1x1x63x80xi32, #tpu.memory_space<hbm>>
      %dma_wait3A_78 = tpu.memref_squeeze %dma_wait3A_77 : memref<1x1x1x63x80xi32, #tpu.memory_space<hbm>> -> memref<63x80xi32, #tpu.memory_space<hbm>>
      tpu.wait_dma2 semaphore(%run_scoped3A_62 : memref<!tpu.dma_semaphore, #tpu.memory_space<semaphore_mem>>) src(%dma_wait3A_78 : memref<63x80xi32, #tpu.memory_space<hbm>>) dst(%arg7 : memref<63x80xi32, #tpu.memory_space<vmem>>)
      tpu.yield
    }) : () -> ()
    %dma_start3A = arith.constant 0 : i32
    %dma_start3A_6 = arith.constant 0 : i32
    %dma_start3A_7 = tpu.memref_slice %arg6[%dma_start3A, %dma_start3A_6] : memref<63x80xi32, #tpu.memory_space<vmem>> -> memref<1x80xi32, #tpu.memory_space<vmem>>
    %dma_start3A_8 = tpu.memref_squeeze %dma_start3A_7 : memref<1x80xi32, #tpu.memory_space<vmem>> -> memref<80xi32, #tpu.memory_space<vmem>>
    %dma_start3A_9 = arith.constant 0 : i32
    %dma_start3A_10 = arith.constant 0 : i32
    %dma_start3A_11 = tpu.memref_slice %arg2[%dma_start3A_9, %dma_start3A_10] : memref<10000x128xf32, #tpu.memory_space<hbm>> -> memref<10000x128xf32, #tpu.memory_space<hbm>>
    tpu.enqueue_indirect_dma source(%dma_start3A_11 : memref<10000x128xf32, #tpu.memory_space<hbm>>) target(%arg9 : memref<80x128xf32, #tpu.memory_space<vmem>>) offsets(%dma_start3A_8 : memref<80xi32, #tpu.memory_space<vmem>>) semaphore(%arg12 : memref<!tpu.dma_semaphore, #tpu.memory_space<semaphore_mem>>)
    %scan3A = arith.constant 0 : i32
    %scan3A_12 = arith.constant 0 : i32
    %scan3A_13 = arith.constant 21 : i32
    %scan3A_14 = arith.addi %scan3A_12, %scan3A_13 : i32
    %scan3A_15 = arith.constant 1 : i32
    scf.for %scan3A_62 = %scan3A_12 to %scan3A_14 step %scan3A_15  : i32 {
      %mul3A_63 = arith.constant 3 : i32
      %mul3A_64 = arith.muli %scan3A_62, %mul3A_63 : i32
      %add3A_65 = arith.constant 0 : i32
      %add3A_66 = arith.addi %mul3A_64, %add3A_65 : i32
      %ge3A = arith.constant 2 : i32
      %ge3A_67 = arith.cmpi sge, %add3A_66, %ge3A : i32
      %convert_element_type3A = arith.extui %ge3A_67 : i1 to i32
      %cond3A = arith.constant 0 : i32
      %cond3A_68 = arith.cmpi ne, %convert_element_type3A, %cond3A : i32
      scf.if %cond3A_68 {
        %dma_wait3A_140 = arith.constant 0 : i32
        %dma_wait3A_141 = arith.constant 0 : i32
        %dma_wait3A_142 = tpu.memref_slice %arg7[%dma_wait3A_140, %dma_wait3A_141] : memref<63x80xi32, #tpu.memory_space<vmem>> -> memref<1x80xi32, #tpu.memory_space<vmem>>
        %dma_wait3A_143 = tpu.memref_squeeze %dma_wait3A_142 : memref<1x80xi32, #tpu.memory_space<vmem>> -> memref<80xi32, #tpu.memory_space<vmem>>
        %dma_wait3A_144 = arith.constant 0 : i32
        %dma_wait3A_145 = arith.constant 0 : i32
        %dma_wait3A_146 = tpu.memref_slice %arg8[%dma_wait3A_144, %dma_wait3A_145] : memref<10112x128xf32, #tpu.memory_space<vmem_shared>> -> memref<10112x128xf32, #tpu.memory_space<vmem_shared>>
        tpu.wait_indirect_dma semaphore(%arg16 : memref<!tpu.dma_semaphore, #tpu.memory_space<semaphore_mem>>) src(%arg10 : memref<80x128xf32, #tpu.memory_space<vmem>>) dst(%dma_wait3A_146 : memref<10112x128xf32, #tpu.memory_space<vmem_shared>>)
      } else {
      }
      %lt3A = arith.constant 62 : i32
      %lt3A_69 = arith.cmpi slt, %add3A_66, %lt3A : i32
      %convert_element_type3A_70 = arith.extui %lt3A_69 : i1 to i32
      %cond3A_71 = arith.constant 0 : i32
      %cond3A_72 = arith.cmpi ne, %convert_element_type3A_70, %cond3A_71 : i32
      scf.if %cond3A_72 {
        %add3A_140 = arith.constant 1 : i32
        %add3A_141 = arith.addi %add3A_66, %add3A_140 : i32
        %dma_start3A_142 = arith.constant 0 : i32
        %dma_start3A_143 = tpu.memref_slice %arg6[%add3A_141, %dma_start3A_142] : memref<63x80xi32, #tpu.memory_space<vmem>> -> memref<1x80xi32, #tpu.memory_space<vmem>>
        %dma_start3A_144 = tpu.memref_squeeze %dma_start3A_143 : memref<1x80xi32, #tpu.memory_space<vmem>> -> memref<80xi32, #tpu.memory_space<vmem>>
        %dma_start3A_145 = arith.constant 0 : i32
        %dma_start3A_146 = arith.constant 0 : i32
        %dma_start3A_147 = tpu.memref_slice %arg2[%dma_start3A_145, %dma_start3A_146] : memref<10000x128xf32, #tpu.memory_space<hbm>> -> memref<10000x128xf32, #tpu.memory_space<hbm>>
        tpu.enqueue_indirect_dma source(%dma_start3A_147 : memref<10000x128xf32, #tpu.memory_space<hbm>>) target(%arg10 : memref<80x128xf32, #tpu.memory_space<vmem>>) offsets(%dma_start3A_144 : memref<80xi32, #tpu.memory_space<vmem>>) semaphore(%arg13 : memref<!tpu.dma_semaphore, #tpu.memory_space<semaphore_mem>>)
      } else {
      }
      %dma_wait3A_73 = arith.constant 0 : i32
      %dma_wait3A_74 = arith.constant 0 : i32
      %dma_wait3A_75 = tpu.memref_slice %arg6[%dma_wait3A_73, %dma_wait3A_74] : memref<63x80xi32, #tpu.memory_space<vmem>> -> memref<1x80xi32, #tpu.memory_space<vmem>>
      %dma_wait3A_76 = tpu.memref_squeeze %dma_wait3A_75 : memref<1x80xi32, #tpu.memory_space<vmem>> -> memref<80xi32, #tpu.memory_space<vmem>>
      %dma_wait3A_77 = arith.constant 0 : i32
      %dma_wait3A_78 = arith.constant 0 : i32
      %dma_wait3A_79 = tpu.memref_slice %arg2[%dma_wait3A_77, %dma_wait3A_78] : memref<10000x128xf32, #tpu.memory_space<hbm>> -> memref<10000x128xf32, #tpu.memory_space<hbm>>
      tpu.wait_indirect_dma semaphore(%arg12 : memref<!tpu.dma_semaphore, #tpu.memory_space<semaphore_mem>>) src(%dma_wait3A_79 : memref<10000x128xf32, #tpu.memory_space<hbm>>) dst(%arg9 : memref<80x128xf32, #tpu.memory_space<vmem>>)
      %dma_start3A_80 = arith.constant 0 : i32
      %dma_start3A_81 = tpu.memref_slice %arg7[%add3A_66, %dma_start3A_80] : memref<63x80xi32, #tpu.memory_space<vmem>> -> memref<1x80xi32, #tpu.memory_space<vmem>>
      %dma_start3A_82 = tpu.memref_squeeze %dma_start3A_81 : memref<1x80xi32, #tpu.memory_space<vmem>> -> memref<80xi32, #tpu.memory_space<vmem>>
      %dma_start3A_83 = arith.constant 0 : i32
      %dma_start3A_84 = arith.constant 0 : i32
      %dma_start3A_85 = tpu.memref_slice %arg8[%dma_start3A_83, %dma_start3A_84] : memref<10112x128xf32, #tpu.memory_space<vmem_shared>> -> memref<10112x128xf32, #tpu.memory_space<vmem_shared>>
      tpu.enqueue_indirect_dma source(%arg9 : memref<80x128xf32, #tpu.memory_space<vmem>>) target(%dma_start3A_85 : memref<10112x128xf32, #tpu.memory_space<vmem_shared>>) offsets(%dma_start3A_82 : memref<80xi32, #tpu.memory_space<vmem>>) semaphore(%arg15 : memref<!tpu.dma_semaphore, #tpu.memory_space<semaphore_mem>>) {add = true}
      %mul3A_86 = arith.constant 3 : i32
      %mul3A_87 = arith.muli %scan3A_62, %mul3A_86 : i32
      %add3A_88 = arith.constant 1 : i32
      %add3A_89 = arith.addi %mul3A_87, %add3A_88 : i32
      %ge3A_90 = arith.constant 2 : i32
      %ge3A_91 = arith.cmpi sge, %add3A_89, %ge3A_90 : i32
      %convert_element_type3A_92 = arith.extui %ge3A_91 : i1 to i32
      %cond3A_93 = arith.constant 0 : i32
      %cond3A_94 = arith.cmpi ne, %convert_element_type3A_92, %cond3A_93 : i32
      scf.if %cond3A_94 {
        %dma_wait3A_140 = arith.constant 0 : i32
        %dma_wait3A_141 = arith.constant 0 : i32
        %dma_wait3A_142 = tpu.memref_slice %arg7[%dma_wait3A_140, %dma_wait3A_141] : memref<63x80xi32, #tpu.memory_space<vmem>> -> memref<1x80xi32, #tpu.memory_space<vmem>>
        %dma_wait3A_143 = tpu.memref_squeeze %dma_wait3A_142 : memref<1x80xi32, #tpu.memory_space<vmem>> -> memref<80xi32, #tpu.memory_space<vmem>>
        %dma_wait3A_144 = arith.constant 0 : i32
        %dma_wait3A_145 = arith.constant 0 : i32
        %dma_wait3A_146 = tpu.memref_slice %arg8[%dma_wait3A_144, %dma_wait3A_145] : memref<10112x128xf32, #tpu.memory_space<vmem_shared>> -> memref<10112x128xf32, #tpu.memory_space<vmem_shared>>
        tpu.wait_indirect_dma semaphore(%arg17 : memref<!tpu.dma_semaphore, #tpu.memory_space<semaphore_mem>>) src(%arg11 : memref<80x128xf32, #tpu.memory_space<vmem>>) dst(%dma_wait3A_146 : memref<10112x128xf32, #tpu.memory_space<vmem_shared>>)
      } else {
      }
      %lt3A_95 = arith.constant 62 : i32
      %lt3A_96 = arith.cmpi slt, %add3A_89, %lt3A_95 : i32
      %convert_element_type3A_97 = arith.extui %lt3A_96 : i1 to i32
      %cond3A_98 = arith.constant 0 : i32
      %cond3A_99 = arith.cmpi ne, %convert_element_type3A_97, %cond3A_98 : i32
      scf.if %cond3A_99 {
        %add3A_140 = arith.constant 1 : i32
        %add3A_141 = arith.addi %add3A_89, %add3A_140 : i32
        %dma_start3A_142 = arith.constant 0 : i32
        %dma_start3A_143 = tpu.memref_slice %arg6[%add3A_141, %dma_start3A_142] : memref<63x80xi32, #tpu.memory_space<vmem>> -> memref<1x80xi32, #tpu.memory_space<vmem>>
        %dma_start3A_144 = tpu.memref_squeeze %dma_start3A_143 : memref<1x80xi32, #tpu.memory_space<vmem>> -> memref<80xi32, #tpu.memory_space<vmem>>
        %dma_start3A_145 = arith.constant 0 : i32
        %dma_start3A_146 = arith.constant 0 : i32
        %dma_start3A_147 = tpu.memref_slice %arg2[%dma_start3A_145, %dma_start3A_146] : memref<10000x128xf32, #tpu.memory_space<hbm>> -> memref<10000x128xf32, #tpu.memory_space<hbm>>
        tpu.enqueue_indirect_dma source(%dma_start3A_147 : memref<10000x128xf32, #tpu.memory_space<hbm>>) target(%arg11 : memref<80x128xf32, #tpu.memory_space<vmem>>) offsets(%dma_start3A_144 : memref<80xi32, #tpu.memory_space<vmem>>) semaphore(%arg14 : memref<!tpu.dma_semaphore, #tpu.memory_space<semaphore_mem>>)
      } else {
      }
      %dma_wait3A_100 = arith.constant 0 : i32
      %dma_wait3A_101 = arith.constant 0 : i32
      %dma_wait3A_102 = tpu.memref_slice %arg6[%dma_wait3A_100, %dma_wait3A_101] : memref<63x80xi32, #tpu.memory_space<vmem>> -> memref<1x80xi32, #tpu.memory_space<vmem>>
      %dma_wait3A_103 = tpu.memref_squeeze %dma_wait3A_102 : memref<1x80xi32, #tpu.memory_space<vmem>> -> memref<80xi32, #tpu.memory_space<vmem>>
      %dma_wait3A_104 = arith.constant 0 : i32
      %dma_wait3A_105 = arith.constant 0 : i32
      %dma_wait3A_106 = tpu.memref_slice %arg2[%dma_wait3A_104, %dma_wait3A_105] : memref<10000x128xf32, #tpu.memory_space<hbm>> -> memref<10000x128xf32, #tpu.memory_space<hbm>>
      tpu.wait_indirect_dma semaphore(%arg13 : memref<!tpu.dma_semaphore, #tpu.memory_space<semaphore_mem>>) src(%dma_wait3A_106 : memref<10000x128xf32, #tpu.memory_space<hbm>>) dst(%arg10 : memref<80x128xf32, #tpu.memory_space<vmem>>)
      %dma_start3A_107 = arith.constant 0 : i32
      %dma_start3A_108 = tpu.memref_slice %arg7[%add3A_89, %dma_start3A_107] : memref<63x80xi32, #tpu.memory_space<vmem>> -> memref<1x80xi32, #tpu.memory_space<vmem>>
      %dma_start3A_109 = tpu.memref_squeeze %dma_start3A_108 : memref<1x80xi32, #tpu.memory_space<vmem>> -> memref<80xi32, #tpu.memory_space<vmem>>
      %dma_start3A_110 = arith.constant 0 : i32
      %dma_start3A_111 = arith.constant 0 : i32
      %dma_start3A_112 = tpu.memref_slice %arg8[%dma_start3A_110, %dma_start3A_111] : memref<10112x128xf32, #tpu.memory_space<vmem_shared>> -> memref<10112x128xf32, #tpu.memory_space<vmem_shared>>
      tpu.enqueue_indirect_dma source(%arg10 : memref<80x128xf32, #tpu.memory_space<vmem>>) target(%dma_start3A_112 : memref<10112x128xf32, #tpu.memory_space<vmem_shared>>) offsets(%dma_start3A_109 : memref<80xi32, #tpu.memory_space<vmem>>) semaphore(%arg16 : memref<!tpu.dma_semaphore, #tpu.memory_space<semaphore_mem>>) {add = true}
      %mul3A_113 = arith.constant 3 : i32
      %mul3A_114 = arith.muli %scan3A_62, %mul3A_113 : i32
      %add3A_115 = arith.constant 2 : i32
      %add3A_116 = arith.addi %mul3A_114, %add3A_115 : i32
      %ge3A_117 = arith.constant 2 : i32
      %ge3A_118 = arith.cmpi sge, %add3A_116, %ge3A_117 : i32
      %convert_element_type3A_119 = arith.extui %ge3A_118 : i1 to i32
      %cond3A_120 = arith.constant 0 : i32
      %cond3A_121 = arith.cmpi ne, %convert_element_type3A_119, %cond3A_120 : i32
      scf.if %cond3A_121 {
        %dma_wait3A_140 = arith.constant 0 : i32
        %dma_wait3A_141 = arith.constant 0 : i32
        %dma_wait3A_142 = tpu.memref_slice %arg7[%dma_wait3A_140, %dma_wait3A_141] : memref<63x80xi32, #tpu.memory_space<vmem>> -> memref<1x80xi32, #tpu.memory_space<vmem>>
        %dma_wait3A_143 = tpu.memref_squeeze %dma_wait3A_142 : memref<1x80xi32, #tpu.memory_space<vmem>> -> memref<80xi32, #tpu.memory_space<vmem>>
        %dma_wait3A_144 = arith.constant 0 : i32
        %dma_wait3A_145 = arith.constant 0 : i32
        %dma_wait3A_146 = tpu.memref_slice %arg8[%dma_wait3A_144, %dma_wait3A_145] : memref<10112x128xf32, #tpu.memory_space<vmem_shared>> -> memref<10112x128xf32, #tpu.memory_space<vmem_shared>>
        tpu.wait_indirect_dma semaphore(%arg15 : memref<!tpu.dma_semaphore, #tpu.memory_space<semaphore_mem>>) src(%arg9 : memref<80x128xf32, #tpu.memory_space<vmem>>) dst(%dma_wait3A_146 : memref<10112x128xf32, #tpu.memory_space<vmem_shared>>)
      } else {
      }
      %lt3A_122 = arith.constant 62 : i32
      %lt3A_123 = arith.cmpi slt, %add3A_116, %lt3A_122 : i32
      %convert_element_type3A_124 = arith.extui %lt3A_123 : i1 to i32
      %cond3A_125 = arith.constant 0 : i32
      %cond3A_126 = arith.cmpi ne, %convert_element_type3A_124, %cond3A_125 : i32
      scf.if %cond3A_126 {
        %add3A_140 = arith.constant 1 : i32
        %add3A_141 = arith.addi %add3A_116, %add3A_140 : i32
        %dma_start3A_142 = arith.constant 0 : i32
        %dma_start3A_143 = tpu.memref_slice %arg6[%add3A_141, %dma_start3A_142] : memref<63x80xi32, #tpu.memory_space<vmem>> -> memref<1x80xi32, #tpu.memory_space<vmem>>
        %dma_start3A_144 = tpu.memref_squeeze %dma_start3A_143 : memref<1x80xi32, #tpu.memory_space<vmem>> -> memref<80xi32, #tpu.memory_space<vmem>>
        %dma_start3A_145 = arith.constant 0 : i32
        %dma_start3A_146 = arith.constant 0 : i32
        %dma_start3A_147 = tpu.memref_slice %arg2[%dma_start3A_145, %dma_start3A_146] : memref<10000x128xf32, #tpu.memory_space<hbm>> -> memref<10000x128xf32, #tpu.memory_space<hbm>>
        tpu.enqueue_indirect_dma source(%dma_start3A_147 : memref<10000x128xf32, #tpu.memory_space<hbm>>) target(%arg9 : memref<80x128xf32, #tpu.memory_space<vmem>>) offsets(%dma_start3A_144 : memref<80xi32, #tpu.memory_space<vmem>>) semaphore(%arg12 : memref<!tpu.dma_semaphore, #tpu.memory_space<semaphore_mem>>)
      } else {
      }
      %dma_wait3A_127 = arith.constant 0 : i32
      %dma_wait3A_128 = arith.constant 0 : i32
      %dma_wait3A_129 = tpu.memref_slice %arg6[%dma_wait3A_127, %dma_wait3A_128] : memref<63x80xi32, #tpu.memory_space<vmem>> -> memref<1x80xi32, #tpu.memory_space<vmem>>
      %dma_wait3A_130 = tpu.memref_squeeze %dma_wait3A_129 : memref<1x80xi32, #tpu.memory_space<vmem>> -> memref<80xi32, #tpu.memory_space<vmem>>
      %dma_wait3A_131 = arith.constant 0 : i32
      %dma_wait3A_132 = arith.constant 0 : i32
      %dma_wait3A_133 = tpu.memref_slice %arg2[%dma_wait3A_131, %dma_wait3A_132] : memref<10000x128xf32, #tpu.memory_space<hbm>> -> memref<10000x128xf32, #tpu.memory_space<hbm>>
      tpu.wait_indirect_dma semaphore(%arg14 : memref<!tpu.dma_semaphore, #tpu.memory_space<semaphore_mem>>) src(%dma_wait3A_133 : memref<10000x128xf32, #tpu.memory_space<hbm>>) dst(%arg11 : memref<80x128xf32, #tpu.memory_space<vmem>>)
      %dma_start3A_134 = arith.constant 0 : i32
      %dma_start3A_135 = tpu.memref_slice %arg7[%add3A_116, %dma_start3A_134] : memref<63x80xi32, #tpu.memory_space<vmem>> -> memref<1x80xi32, #tpu.memory_space<vmem>>
      %dma_start3A_136 = tpu.memref_squeeze %dma_start3A_135 : memref<1x80xi32, #tpu.memory_space<vmem>> -> memref<80xi32, #tpu.memory_space<vmem>>
      %dma_start3A_137 = arith.constant 0 : i32
      %dma_start3A_138 = arith.constant 0 : i32
      %dma_start3A_139 = tpu.memref_slice %arg8[%dma_start3A_137, %dma_start3A_138] : memref<10112x128xf32, #tpu.memory_space<vmem_shared>> -> memref<10112x128xf32, #tpu.memory_space<vmem_shared>>
      tpu.enqueue_indirect_dma source(%arg11 : memref<80x128xf32, #tpu.memory_space<vmem>>) target(%dma_start3A_139 : memref<10112x128xf32, #tpu.memory_space<vmem_shared>>) offsets(%dma_start3A_136 : memref<80xi32, #tpu.memory_space<vmem>>) semaphore(%arg17 : memref<!tpu.dma_semaphore, #tpu.memory_space<semaphore_mem>>) {add = true}
    }
    %scan3A_16 = arith.constant 21 : i32
    %dma_wait3A = arith.constant 0 : i32
    %dma_wait3A_17 = arith.constant 0 : i32
    %dma_wait3A_18 = tpu.memref_slice %arg7[%dma_wait3A, %dma_wait3A_17] : memref<63x80xi32, #tpu.memory_space<vmem>> -> memref<1x80xi32, #tpu.memory_space<vmem>>
    %dma_wait3A_19 = tpu.memref_squeeze %dma_wait3A_18 : memref<1x80xi32, #tpu.memory_space<vmem>> -> memref<80xi32, #tpu.memory_space<vmem>>
    %dma_wait3A_20 = arith.constant 0 : i32
    %dma_wait3A_21 = arith.constant 0 : i32
    %dma_wait3A_22 = tpu.memref_slice %arg8[%dma_wait3A_20, %dma_wait3A_21] : memref<10112x128xf32, #tpu.memory_space<vmem_shared>> -> memref<10112x128xf32, #tpu.memory_space<vmem_shared>>
    tpu.wait_indirect_dma semaphore(%arg16 : memref<!tpu.dma_semaphore, #tpu.memory_space<semaphore_mem>>) src(%arg10 : memref<80x128xf32, #tpu.memory_space<vmem>>) dst(%dma_wait3A_22 : memref<10112x128xf32, #tpu.memory_space<vmem_shared>>)
    %dma_wait3A_23 = arith.constant 0 : i32
    %dma_wait3A_24 = arith.constant 0 : i32
    %dma_wait3A_25 = tpu.memref_slice %arg7[%dma_wait3A_23, %dma_wait3A_24] : memref<63x80xi32, #tpu.memory_space<vmem>> -> memref<1x80xi32, #tpu.memory_space<vmem>>
    %dma_wait3A_26 = tpu.memref_squeeze %dma_wait3A_25 : memref<1x80xi32, #tpu.memory_space<vmem>> -> memref<80xi32, #tpu.memory_space<vmem>>
    %dma_wait3A_27 = arith.constant 0 : i32
    %dma_wait3A_28 = arith.constant 0 : i32
    %dma_wait3A_29 = tpu.memref_slice %arg8[%dma_wait3A_27, %dma_wait3A_28] : memref<10112x128xf32, #tpu.memory_space<vmem_shared>> -> memref<10112x128xf32, #tpu.memory_space<vmem_shared>>
    tpu.wait_indirect_dma semaphore(%arg17 : memref<!tpu.dma_semaphore, #tpu.memory_space<semaphore_mem>>) src(%arg11 : memref<80x128xf32, #tpu.memory_space<vmem>>) dst(%dma_wait3A_29 : memref<10112x128xf32, #tpu.memory_space<vmem_shared>>)
    %run_scoped3A_30 = arith.constant 0 : i32
    %run_scoped3A_31 = arith.constant 1 : i32
    "tpu.region"() ({
      %run_scoped3A_62 = tpu.sem_alloc : memref<!tpu.dma_semaphore, #tpu.memory_space<semaphore_mem>>
      %dma_start3A_63 = arith.constant 0 : i32
      %dma_start3A_64 = arith.constant 0 : i32
      %dma_start3A_65 = tpu.memref_slice %arg3[%run_scoped3A_30, %add3A, %run_scoped3A_31, %dma_start3A_63, %dma_start3A_64] : memref<2x32x2x63x80xi32, #tpu.memory_space<hbm>> -> memref<1x1x1x63x80xi32, #tpu.memory_space<hbm>>
      %dma_start3A_66 = tpu.memref_squeeze %dma_start3A_65 : memref<1x1x1x63x80xi32, #tpu.memory_space<hbm>> -> memref<63x80xi32, #tpu.memory_space<hbm>>
      %dma_start3A_67 = arith.constant 0 : i32
      %dma_start3A_68 = arith.constant 0 : i32
      %dma_start3A_69 = tpu.memref_slice %arg3[%run_scoped3A_30, %add3A, %run_scoped3A_31, %dma_start3A_67, %dma_start3A_68] : memref<2x32x2x63x80xi32, #tpu.memory_space<hbm>> -> memref<1x1x1x63x80xi32, #tpu.memory_space<hbm>>
      %dma_start3A_70 = tpu.memref_squeeze %dma_start3A_69 : memref<1x1x1x63x80xi32, #tpu.memory_space<hbm>> -> memref<63x80xi32, #tpu.memory_space<hbm>>
      tpu.enqueue_dma source(%dma_start3A_70 : memref<63x80xi32, #tpu.memory_space<hbm>>) target(%arg6 : memref<63x80xi32, #tpu.memory_space<vmem>>) target_semaphore(%run_scoped3A_62 : memref<!tpu.dma_semaphore, #tpu.memory_space<semaphore_mem>>)
      %dma_wait3A_71 = arith.constant 0 : i32
      %dma_wait3A_72 = arith.constant 0 : i32
      %dma_wait3A_73 = tpu.memref_slice %arg3[%run_scoped3A_30, %add3A, %run_scoped3A_31, %dma_wait3A_71, %dma_wait3A_72] : memref<2x32x2x63x80xi32, #tpu.memory_space<hbm>> -> memref<1x1x1x63x80xi32, #tpu.memory_space<hbm>>
      %dma_wait3A_74 = tpu.memref_squeeze %dma_wait3A_73 : memref<1x1x1x63x80xi32, #tpu.memory_space<hbm>> -> memref<63x80xi32, #tpu.memory_space<hbm>>
      %dma_wait3A_75 = arith.constant 0 : i32
      %dma_wait3A_76 = arith.constant 0 : i32
      %dma_wait3A_77 = tpu.memref_slice %arg3[%run_scoped3A_30, %add3A, %run_scoped3A_31, %dma_wait3A_75, %dma_wait3A_76] : memref<2x32x2x63x80xi32, #tpu.memory_space<hbm>> -> memref<1x1x1x63x80xi32, #tpu.memory_space<hbm>>
      %dma_wait3A_78 = tpu.memref_squeeze %dma_wait3A_77 : memref<1x1x1x63x80xi32, #tpu.memory_space<hbm>> -> memref<63x80xi32, #tpu.memory_space<hbm>>
      tpu.wait_dma2 semaphore(%run_scoped3A_62 : memref<!tpu.dma_semaphore, #tpu.memory_space<semaphore_mem>>) src(%dma_wait3A_78 : memref<63x80xi32, #tpu.memory_space<hbm>>) dst(%arg6 : memref<63x80xi32, #tpu.memory_space<vmem>>)
      tpu.yield
    }) : () -> ()
    %run_scoped3A_32 = arith.constant 1 : i32
    %run_scoped3A_33 = arith.constant 1 : i32
    "tpu.region"() ({
      %run_scoped3A_62 = tpu.sem_alloc : memref<!tpu.dma_semaphore, #tpu.memory_space<semaphore_mem>>
      %dma_start3A_63 = arith.constant 0 : i32
      %dma_start3A_64 = arith.constant 0 : i32
      %dma_start3A_65 = tpu.memref_slice %arg3[%run_scoped3A_32, %add3A, %run_scoped3A_33, %dma_start3A_63, %dma_start3A_64] : memref<2x32x2x63x80xi32, #tpu.memory_space<hbm>> -> memref<1x1x1x63x80xi32, #tpu.memory_space<hbm>>
      %dma_start3A_66 = tpu.memref_squeeze %dma_start3A_65 : memref<1x1x1x63x80xi32, #tpu.memory_space<hbm>> -> memref<63x80xi32, #tpu.memory_space<hbm>>
      %dma_start3A_67 = arith.constant 0 : i32
      %dma_start3A_68 = arith.constant 0 : i32
      %dma_start3A_69 = tpu.memref_slice %arg3[%run_scoped3A_32, %add3A, %run_scoped3A_33, %dma_start3A_67, %dma_start3A_68] : memref<2x32x2x63x80xi32, #tpu.memory_space<hbm>> -> memref<1x1x1x63x80xi32, #tpu.memory_space<hbm>>
      %dma_start3A_70 = tpu.memref_squeeze %dma_start3A_69 : memref<1x1x1x63x80xi32, #tpu.memory_space<hbm>> -> memref<63x80xi32, #tpu.memory_space<hbm>>
      tpu.enqueue_dma source(%dma_start3A_70 : memref<63x80xi32, #tpu.memory_space<hbm>>) target(%arg7 : memref<63x80xi32, #tpu.memory_space<vmem>>) target_semaphore(%run_scoped3A_62 : memref<!tpu.dma_semaphore, #tpu.memory_space<semaphore_mem>>)
      %dma_wait3A_71 = arith.constant 0 : i32
      %dma_wait3A_72 = arith.constant 0 : i32
      %dma_wait3A_73 = tpu.memref_slice %arg3[%run_scoped3A_32, %add3A, %run_scoped3A_33, %dma_wait3A_71, %dma_wait3A_72] : memref<2x32x2x63x80xi32, #tpu.memory_space<hbm>> -> memref<1x1x1x63x80xi32, #tpu.memory_space<hbm>>
      %dma_wait3A_74 = tpu.memref_squeeze %dma_wait3A_73 : memref<1x1x1x63x80xi32, #tpu.memory_space<hbm>> -> memref<63x80xi32, #tpu.memory_space<hbm>>
      %dma_wait3A_75 = arith.constant 0 : i32
      %dma_wait3A_76 = arith.constant 0 : i32
      %dma_wait3A_77 = tpu.memref_slice %arg3[%run_scoped3A_32, %add3A, %run_scoped3A_33, %dma_wait3A_75, %dma_wait3A_76] : memref<2x32x2x63x80xi32, #tpu.memory_space<hbm>> -> memref<1x1x1x63x80xi32, #tpu.memory_space<hbm>>
      %dma_wait3A_78 = tpu.memref_squeeze %dma_wait3A_77 : memref<1x1x1x63x80xi32, #tpu.memory_space<hbm>> -> memref<63x80xi32, #tpu.memory_space<hbm>>
      tpu.wait_dma2 semaphore(%run_scoped3A_62 : memref<!tpu.dma_semaphore, #tpu.memory_space<semaphore_mem>>) src(%dma_wait3A_78 : memref<63x80xi32, #tpu.memory_space<hbm>>) dst(%arg7 : memref<63x80xi32, #tpu.memory_space<vmem>>)
      tpu.yield
    }) : () -> ()
    %dma_start3A_34 = arith.constant 0 : i32
    %dma_start3A_35 = arith.constant 0 : i32
    %dma_start3A_36 = tpu.memref_slice %arg6[%dma_start3A_34, %dma_start3A_35] : memref<63x80xi32, #tpu.memory_space<vmem>> -> memref<1x80xi32, #tpu.memory_space<vmem>>
    %dma_start3A_37 = tpu.memref_squeeze %dma_start3A_36 : memref<1x80xi32, #tpu.memory_space<vmem>> -> memref<80xi32, #tpu.memory_space<vmem>>
    %dma_start3A_38 = arith.constant 0 : i32
    %dma_start3A_39 = arith.constant 0 : i32
    %dma_start3A_40 = tpu.memref_slice %arg2[%dma_start3A_38, %dma_start3A_39] : memref<10000x128xf32, #tpu.memory_space<hbm>> -> memref<10000x128xf32, #tpu.memory_space<hbm>>
    tpu.enqueue_indirect_dma source(%dma_start3A_40 : memref<10000x128xf32, #tpu.memory_space<hbm>>) target(%arg9 : memref<80x128xf32, #tpu.memory_space<vmem>>) offsets(%dma_start3A_37 : memref<80xi32, #tpu.memory_space<vmem>>) semaphore(%arg12 : memref<!tpu.dma_semaphore, #tpu.memory_space<semaphore_mem>>)
    %scan3A_41 = arith.constant 0 : i32
    %scan3A_42 = arith.constant 0 : i32
    %scan3A_43 = arith.constant 21 : i32
    %scan3A_44 = arith.addi %scan3A_42, %scan3A_43 : i32
    %scan3A_45 = arith.constant 1 : i32
    scf.for %scan3A_62 = %scan3A_42 to %scan3A_44 step %scan3A_45  : i32 {
      %mul3A_63 = arith.constant 3 : i32
      %mul3A_64 = arith.muli %scan3A_62, %mul3A_63 : i32
      %add3A_65 = arith.constant 0 : i32
      %add3A_66 = arith.addi %mul3A_64, %add3A_65 : i32
      %ge3A = arith.constant 2 : i32
      %ge3A_67 = arith.cmpi sge, %add3A_66, %ge3A : i32
      %convert_element_type3A = arith.extui %ge3A_67 : i1 to i32
      %cond3A = arith.constant 0 : i32
      %cond3A_68 = arith.cmpi ne, %convert_element_type3A, %cond3A : i32
      scf.if %cond3A_68 {
        %dma_wait3A_140 = arith.constant 0 : i32
        %dma_wait3A_141 = arith.constant 0 : i32
        %dma_wait3A_142 = tpu.memref_slice %arg7[%dma_wait3A_140, %dma_wait3A_141] : memref<63x80xi32, #tpu.memory_space<vmem>> -> memref<1x80xi32, #tpu.memory_space<vmem>>
        %dma_wait3A_143 = tpu.memref_squeeze %dma_wait3A_142 : memref<1x80xi32, #tpu.memory_space<vmem>> -> memref<80xi32, #tpu.memory_space<vmem>>
        %dma_wait3A_144 = arith.constant 0 : i32
        %dma_wait3A_145 = arith.constant 0 : i32
        %dma_wait3A_146 = tpu.memref_slice %arg8[%dma_wait3A_144, %dma_wait3A_145] : memref<10112x128xf32, #tpu.memory_space<vmem_shared>> -> memref<10112x128xf32, #tpu.memory_space<vmem_shared>>
        tpu.wait_indirect_dma semaphore(%arg16 : memref<!tpu.dma_semaphore, #tpu.memory_space<semaphore_mem>>) src(%arg10 : memref<80x128xf32, #tpu.memory_space<vmem>>) dst(%dma_wait3A_146 : memref<10112x128xf32, #tpu.memory_space<vmem_shared>>)
      } else {
      }
      %lt3A = arith.constant 62 : i32
      %lt3A_69 = arith.cmpi slt, %add3A_66, %lt3A : i32
      %convert_element_type3A_70 = arith.extui %lt3A_69 : i1 to i32
      %cond3A_71 = arith.constant 0 : i32
      %cond3A_72 = arith.cmpi ne, %convert_element_type3A_70, %cond3A_71 : i32
      scf.if %cond3A_72 {
        %add3A_140 = arith.constant 1 : i32
        %add3A_141 = arith.addi %add3A_66, %add3A_140 : i32
        %dma_start3A_142 = arith.constant 0 : i32
        %dma_start3A_143 = tpu.memref_slice %arg6[%add3A_141, %dma_start3A_142] : memref<63x80xi32, #tpu.memory_space<vmem>> -> memref<1x80xi32, #tpu.memory_space<vmem>>
        %dma_start3A_144 = tpu.memref_squeeze %dma_start3A_143 : memref<1x80xi32, #tpu.memory_space<vmem>> -> memref<80xi32, #tpu.memory_space<vmem>>
        %dma_start3A_145 = arith.constant 0 : i32
        %dma_start3A_146 = arith.constant 0 : i32
        %dma_start3A_147 = tpu.memref_slice %arg2[%dma_start3A_145, %dma_start3A_146] : memref<10000x128xf32, #tpu.memory_space<hbm>> -> memref<10000x128xf32, #tpu.memory_space<hbm>>
        tpu.enqueue_indirect_dma source(%dma_start3A_147 : memref<10000x128xf32, #tpu.memory_space<hbm>>) target(%arg10 : memref<80x128xf32, #tpu.memory_space<vmem>>) offsets(%dma_start3A_144 : memref<80xi32, #tpu.memory_space<vmem>>) semaphore(%arg13 : memref<!tpu.dma_semaphore, #tpu.memory_space<semaphore_mem>>)
      } else {
      }
      %dma_wait3A_73 = arith.constant 0 : i32
      %dma_wait3A_74 = arith.constant 0 : i32
      %dma_wait3A_75 = tpu.memref_slice %arg6[%dma_wait3A_73, %dma_wait3A_74] : memref<63x80xi32, #tpu.memory_space<vmem>> -> memref<1x80xi32, #tpu.memory_space<vmem>>
      %dma_wait3A_76 = tpu.memref_squeeze %dma_wait3A_75 : memref<1x80xi32, #tpu.memory_space<vmem>> -> memref<80xi32, #tpu.memory_space<vmem>>
      %dma_wait3A_77 = arith.constant 0 : i32
      %dma_wait3A_78 = arith.constant 0 : i32
      %dma_wait3A_79 = tpu.memref_slice %arg2[%dma_wait3A_77, %dma_wait3A_78] : memref<10000x128xf32, #tpu.memory_space<hbm>> -> memref<10000x128xf32, #tpu.memory_space<hbm>>
      tpu.wait_indirect_dma semaphore(%arg12 : memref<!tpu.dma_semaphore, #tpu.memory_space<semaphore_mem>>) src(%dma_wait3A_79 : memref<10000x128xf32, #tpu.memory_space<hbm>>) dst(%arg9 : memref<80x128xf32, #tpu.memory_space<vmem>>)
      %dma_start3A_80 = arith.constant 0 : i32
      %dma_start3A_81 = tpu.memref_slice %arg7[%add3A_66, %dma_start3A_80] : memref<63x80xi32, #tpu.memory_space<vmem>> -> memref<1x80xi32, #tpu.memory_space<vmem>>
      %dma_start3A_82 = tpu.memref_squeeze %dma_start3A_81 : memref<1x80xi32, #tpu.memory_space<vmem>> -> memref<80xi32, #tpu.memory_space<vmem>>
      %dma_start3A_83 = arith.constant 0 : i32
      %dma_start3A_84 = arith.constant 0 : i32
      %dma_start3A_85 = tpu.memref_slice %arg8[%dma_start3A_83, %dma_start3A_84] : memref<10112x128xf32, #tpu.memory_space<vmem_shared>> -> memref<10112x128xf32, #tpu.memory_space<vmem_shared>>
      tpu.enqueue_indirect_dma source(%arg9 : memref<80x128xf32, #tpu.memory_space<vmem>>) target(%dma_start3A_85 : memref<10112x128xf32, #tpu.memory_space<vmem_shared>>) offsets(%dma_start3A_82 : memref<80xi32, #tpu.memory_space<vmem>>) semaphore(%arg15 : memref<!tpu.dma_semaphore, #tpu.memory_space<semaphore_mem>>) {add = true}
      %mul3A_86 = arith.constant 3 : i32
      %mul3A_87 = arith.muli %scan3A_62, %mul3A_86 : i32
      %add3A_88 = arith.constant 1 : i32
      %add3A_89 = arith.addi %mul3A_87, %add3A_88 : i32
      %ge3A_90 = arith.constant 2 : i32
      %ge3A_91 = arith.cmpi sge, %add3A_89, %ge3A_90 : i32
      %convert_element_type3A_92 = arith.extui %ge3A_91 : i1 to i32
      %cond3A_93 = arith.constant 0 : i32
      %cond3A_94 = arith.cmpi ne, %convert_element_type3A_92, %cond3A_93 : i32
      scf.if %cond3A_94 {
        %dma_wait3A_140 = arith.constant 0 : i32
        %dma_wait3A_141 = arith.constant 0 : i32
        %dma_wait3A_142 = tpu.memref_slice %arg7[%dma_wait3A_140, %dma_wait3A_141] : memref<63x80xi32, #tpu.memory_space<vmem>> -> memref<1x80xi32, #tpu.memory_space<vmem>>
        %dma_wait3A_143 = tpu.memref_squeeze %dma_wait3A_142 : memref<1x80xi32, #tpu.memory_space<vmem>> -> memref<80xi32, #tpu.memory_space<vmem>>
        %dma_wait3A_144 = arith.constant 0 : i32
        %dma_wait3A_145 = arith.constant 0 : i32
        %dma_wait3A_146 = tpu.memref_slice %arg8[%dma_wait3A_144, %dma_wait3A_145] : memref<10112x128xf32, #tpu.memory_space<vmem_shared>> -> memref<10112x128xf32, #tpu.memory_space<vmem_shared>>
        tpu.wait_indirect_dma semaphore(%arg17 : memref<!tpu.dma_semaphore, #tpu.memory_space<semaphore_mem>>) src(%arg11 : memref<80x128xf32, #tpu.memory_space<vmem>>) dst(%dma_wait3A_146 : memref<10112x128xf32, #tpu.memory_space<vmem_shared>>)
      } else {
      }
      %lt3A_95 = arith.constant 62 : i32
      %lt3A_96 = arith.cmpi slt, %add3A_89, %lt3A_95 : i32
      %convert_element_type3A_97 = arith.extui %lt3A_96 : i1 to i32
      %cond3A_98 = arith.constant 0 : i32
      %cond3A_99 = arith.cmpi ne, %convert_element_type3A_97, %cond3A_98 : i32
      scf.if %cond3A_99 {
        %add3A_140 = arith.constant 1 : i32
        %add3A_141 = arith.addi %add3A_89, %add3A_140 : i32
        %dma_start3A_142 = arith.constant 0 : i32
        %dma_start3A_143 = tpu.memref_slice %arg6[%add3A_141, %dma_start3A_142] : memref<63x80xi32, #tpu.memory_space<vmem>> -> memref<1x80xi32, #tpu.memory_space<vmem>>
        %dma_start3A_144 = tpu.memref_squeeze %dma_start3A_143 : memref<1x80xi32, #tpu.memory_space<vmem>> -> memref<80xi32, #tpu.memory_space<vmem>>
        %dma_start3A_145 = arith.constant 0 : i32
        %dma_start3A_146 = arith.constant 0 : i32
        %dma_start3A_147 = tpu.memref_slice %arg2[%dma_start3A_145, %dma_start3A_146] : memref<10000x128xf32, #tpu.memory_space<hbm>> -> memref<10000x128xf32, #tpu.memory_space<hbm>>
        tpu.enqueue_indirect_dma source(%dma_start3A_147 : memref<10000x128xf32, #tpu.memory_space<hbm>>) target(%arg11 : memref<80x128xf32, #tpu.memory_space<vmem>>) offsets(%dma_start3A_144 : memref<80xi32, #tpu.memory_space<vmem>>) semaphore(%arg14 : memref<!tpu.dma_semaphore, #tpu.memory_space<semaphore_mem>>)
      } else {
      }
      %dma_wait3A_100 = arith.constant 0 : i32
      %dma_wait3A_101 = arith.constant 0 : i32
      %dma_wait3A_102 = tpu.memref_slice %arg6[%dma_wait3A_100, %dma_wait3A_101] : memref<63x80xi32, #tpu.memory_space<vmem>> -> memref<1x80xi32, #tpu.memory_space<vmem>>
      %dma_wait3A_103 = tpu.memref_squeeze %dma_wait3A_102 : memref<1x80xi32, #tpu.memory_space<vmem>> -> memref<80xi32, #tpu.memory_space<vmem>>
      %dma_wait3A_104 = arith.constant 0 : i32
      %dma_wait3A_105 = arith.constant 0 : i32
      %dma_wait3A_106 = tpu.memref_slice %arg2[%dma_wait3A_104, %dma_wait3A_105] : memref<10000x128xf32, #tpu.memory_space<hbm>> -> memref<10000x128xf32, #tpu.memory_space<hbm>>
      tpu.wait_indirect_dma semaphore(%arg13 : memref<!tpu.dma_semaphore, #tpu.memory_space<semaphore_mem>>) src(%dma_wait3A_106 : memref<10000x128xf32, #tpu.memory_space<hbm>>) dst(%arg10 : memref<80x128xf32, #tpu.memory_space<vmem>>)
      %dma_start3A_107 = arith.constant 0 : i32
      %dma_start3A_108 = tpu.memref_slice %arg7[%add3A_89, %dma_start3A_107] : memref<63x80xi32, #tpu.memory_space<vmem>> -> memref<1x80xi32, #tpu.memory_space<vmem>>
      %dma_start3A_109 = tpu.memref_squeeze %dma_start3A_108 : memref<1x80xi32, #tpu.memory_space<vmem>> -> memref<80xi32, #tpu.memory_space<vmem>>
      %dma_start3A_110 = arith.constant 0 : i32
      %dma_start3A_111 = arith.constant 0 : i32
      %dma_start3A_112 = tpu.memref_slice %arg8[%dma_start3A_110, %dma_start3A_111] : memref<10112x128xf32, #tpu.memory_space<vmem_shared>> -> memref<10112x128xf32, #tpu.memory_space<vmem_shared>>
      tpu.enqueue_indirect_dma source(%arg10 : memref<80x128xf32, #tpu.memory_space<vmem>>) target(%dma_start3A_112 : memref<10112x128xf32, #tpu.memory_space<vmem_shared>>) offsets(%dma_start3A_109 : memref<80xi32, #tpu.memory_space<vmem>>) semaphore(%arg16 : memref<!tpu.dma_semaphore, #tpu.memory_space<semaphore_mem>>) {add = true}
      %mul3A_113 = arith.constant 3 : i32
      %mul3A_114 = arith.muli %scan3A_62, %mul3A_113 : i32
      %add3A_115 = arith.constant 2 : i32
      %add3A_116 = arith.addi %mul3A_114, %add3A_115 : i32
      %ge3A_117 = arith.constant 2 : i32
      %ge3A_118 = arith.cmpi sge, %add3A_116, %ge3A_117 : i32
      %convert_element_type3A_119 = arith.extui %ge3A_118 : i1 to i32
      %cond3A_120 = arith.constant 0 : i32
      %cond3A_121 = arith.cmpi ne, %convert_element_type3A_119, %cond3A_120 : i32
      scf.if %cond3A_121 {
        %dma_wait3A_140 = arith.constant 0 : i32
        %dma_wait3A_141 = arith.constant 0 : i32
        %dma_wait3A_142 = tpu.memref_slice %arg7[%dma_wait3A_140, %dma_wait3A_141] : memref<63x80xi32, #tpu.memory_space<vmem>> -> memref<1x80xi32, #tpu.memory_space<vmem>>
        %dma_wait3A_143 = tpu.memref_squeeze %dma_wait3A_142 : memref<1x80xi32, #tpu.memory_space<vmem>> -> memref<80xi32, #tpu.memory_space<vmem>>
        %dma_wait3A_144 = arith.constant 0 : i32
        %dma_wait3A_145 = arith.constant 0 : i32
        %dma_wait3A_146 = tpu.memref_slice %arg8[%dma_wait3A_144, %dma_wait3A_145] : memref<10112x128xf32, #tpu.memory_space<vmem_shared>> -> memref<10112x128xf32, #tpu.memory_space<vmem_shared>>
        tpu.wait_indirect_dma semaphore(%arg15 : memref<!tpu.dma_semaphore, #tpu.memory_space<semaphore_mem>>) src(%arg9 : memref<80x128xf32, #tpu.memory_space<vmem>>) dst(%dma_wait3A_146 : memref<10112x128xf32, #tpu.memory_space<vmem_shared>>)
      } else {
      }
      %lt3A_122 = arith.constant 62 : i32
      %lt3A_123 = arith.cmpi slt, %add3A_116, %lt3A_122 : i32
      %convert_element_type3A_124 = arith.extui %lt3A_123 : i1 to i32
      %cond3A_125 = arith.constant 0 : i32
      %cond3A_126 = arith.cmpi ne, %convert_element_type3A_124, %cond3A_125 : i32
      scf.if %cond3A_126 {
        %add3A_140 = arith.constant 1 : i32
        %add3A_141 = arith.addi %add3A_116, %add3A_140 : i32
        %dma_start3A_142 = arith.constant 0 : i32
        %dma_start3A_143 = tpu.memref_slice %arg6[%add3A_141, %dma_start3A_142] : memref<63x80xi32, #tpu.memory_space<vmem>> -> memref<1x80xi32, #tpu.memory_space<vmem>>
        %dma_start3A_144 = tpu.memref_squeeze %dma_start3A_143 : memref<1x80xi32, #tpu.memory_space<vmem>> -> memref<80xi32, #tpu.memory_space<vmem>>
        %dma_start3A_145 = arith.constant 0 : i32
        %dma_start3A_146 = arith.constant 0 : i32
        %dma_start3A_147 = tpu.memref_slice %arg2[%dma_start3A_145, %dma_start3A_146] : memref<10000x128xf32, #tpu.memory_space<hbm>> -> memref<10000x128xf32, #tpu.memory_space<hbm>>
        tpu.enqueue_indirect_dma source(%dma_start3A_147 : memref<10000x128xf32, #tpu.memory_space<hbm>>) target(%arg9 : memref<80x128xf32, #tpu.memory_space<vmem>>) offsets(%dma_start3A_144 : memref<80xi32, #tpu.memory_space<vmem>>) semaphore(%arg12 : memref<!tpu.dma_semaphore, #tpu.memory_space<semaphore_mem>>)
      } else {
      }
      %dma_wait3A_127 = arith.constant 0 : i32
      %dma_wait3A_128 = arith.constant 0 : i32
      %dma_wait3A_129 = tpu.memref_slice %arg6[%dma_wait3A_127, %dma_wait3A_128] : memref<63x80xi32, #tpu.memory_space<vmem>> -> memref<1x80xi32, #tpu.memory_space<vmem>>
      %dma_wait3A_130 = tpu.memref_squeeze %dma_wait3A_129 : memref<1x80xi32, #tpu.memory_space<vmem>> -> memref<80xi32, #tpu.memory_space<vmem>>
      %dma_wait3A_131 = arith.constant 0 : i32
      %dma_wait3A_132 = arith.constant 0 : i32
      %dma_wait3A_133 = tpu.memref_slice %arg2[%dma_wait3A_131, %dma_wait3A_132] : memref<10000x128xf32, #tpu.memory_space<hbm>> -> memref<10000x128xf32, #tpu.memory_space<hbm>>
      tpu.wait_indirect_dma semaphore(%arg14 : memref<!tpu.dma_semaphore, #tpu.memory_space<semaphore_mem>>) src(%dma_wait3A_133 : memref<10000x128xf32, #tpu.memory_space<hbm>>) dst(%arg11 : memref<80x128xf32, #tpu.memory_space<vmem>>)
      %dma_start3A_134 = arith.constant 0 : i32
      %dma_start3A_135 = tpu.memref_slice %arg7[%add3A_116, %dma_start3A_134] : memref<63x80xi32, #tpu.memory_space<vmem>> -> memref<1x80xi32, #tpu.memory_space<vmem>>
      %dma_start3A_136 = tpu.memref_squeeze %dma_start3A_135 : memref<1x80xi32, #tpu.memory_space<vmem>> -> memref<80xi32, #tpu.memory_space<vmem>>
      %dma_start3A_137 = arith.constant 0 : i32
      %dma_start3A_138 = arith.constant 0 : i32
      %dma_start3A_139 = tpu.memref_slice %arg8[%dma_start3A_137, %dma_start3A_138] : memref<10112x128xf32, #tpu.memory_space<vmem_shared>> -> memref<10112x128xf32, #tpu.memory_space<vmem_shared>>
      tpu.enqueue_indirect_dma source(%arg11 : memref<80x128xf32, #tpu.memory_space<vmem>>) target(%dma_start3A_139 : memref<10112x128xf32, #tpu.memory_space<vmem_shared>>) offsets(%dma_start3A_136 : memref<80xi32, #tpu.memory_space<vmem>>) semaphore(%arg17 : memref<!tpu.dma_semaphore, #tpu.memory_space<semaphore_mem>>) {add = true}
    }
    %scan3A_46 = arith.constant 21 : i32
    %dma_wait3A_47 = arith.constant 0 : i32
    %dma_wait3A_48 = arith.constant 0 : i32
    %dma_wait3A_49 = tpu.memref_slice %arg7[%dma_wait3A_47, %dma_wait3A_48] : memref<63x80xi32, #tpu.memory_space<vmem>> -> memref<1x80xi32, #tpu.memory_space<vmem>>
    %dma_wait3A_50 = tpu.memref_squeeze %dma_wait3A_49 : memref<1x80xi32, #tpu.memory_space<vmem>> -> memref<80xi32, #tpu.memory_space<vmem>>
    %dma_wait3A_51 = arith.constant 0 : i32
    %dma_wait3A_52 = arith.constant 0 : i32
    %dma_wait3A_53 = tpu.memref_slice %arg8[%dma_wait3A_51, %dma_wait3A_52] : memref<10112x128xf32, #tpu.memory_space<vmem_shared>> -> memref<10112x128xf32, #tpu.memory_space<vmem_shared>>
    tpu.wait_indirect_dma semaphore(%arg16 : memref<!tpu.dma_semaphore, #tpu.memory_space<semaphore_mem>>) src(%arg10 : memref<80x128xf32, #tpu.memory_space<vmem>>) dst(%dma_wait3A_53 : memref<10112x128xf32, #tpu.memory_space<vmem_shared>>)
    %dma_wait3A_54 = arith.constant 0 : i32
    %dma_wait3A_55 = arith.constant 0 : i32
    %dma_wait3A_56 = tpu.memref_slice %arg7[%dma_wait3A_54, %dma_wait3A_55] : memref<63x80xi32, #tpu.memory_space<vmem>> -> memref<1x80xi32, #tpu.memory_space<vmem>>
    %dma_wait3A_57 = tpu.memref_squeeze %dma_wait3A_56 : memref<1x80xi32, #tpu.memory_space<vmem>> -> memref<80xi32, #tpu.memory_space<vmem>>
    %dma_wait3A_58 = arith.constant 0 : i32
    %dma_wait3A_59 = arith.constant 0 : i32
    %dma_wait3A_60 = tpu.memref_slice %arg8[%dma_wait3A_58, %dma_wait3A_59] : memref<10112x128xf32, #tpu.memory_space<vmem_shared>> -> memref<10112x128xf32, #tpu.memory_space<vmem_shared>>
    tpu.wait_indirect_dma semaphore(%arg17 : memref<!tpu.dma_semaphore, #tpu.memory_space<semaphore_mem>>) src(%arg11 : memref<80x128xf32, #tpu.memory_space<vmem>>) dst(%dma_wait3A_60 : memref<10112x128xf32, #tpu.memory_space<vmem_shared>>)
    %barrier3A_61 = arith.constant 0 : index
    tpu.barrier barrier_id(%barrier3A_61)
    "tpu.region"() ({
      %run_scoped3A_62 = tpu.sem_alloc : memref<!tpu.dma_semaphore, #tpu.memory_space<semaphore_mem>>
      %dma_start3A_63 = arith.constant 0 : i32
      %dma_start3A_64 = tpu.memref_slice %arg5[%arg0, %mul3A_2, %dma_start3A_63] : memref<2x10112x128xf32, #tpu.memory_space<hbm>> -> memref<1x632x128xf32, #tpu.memory_space<hbm>>
      %dma_start3A_65 = tpu.memref_squeeze %dma_start3A_64 : memref<1x632x128xf32, #tpu.memory_space<hbm>> -> memref<632x128xf32, #tpu.memory_space<hbm>>
      %dma_start3A_66 = arith.constant 0 : i32
      %dma_start3A_67 = tpu.memref_slice %arg8[%mul3A_2, %dma_start3A_66] : memref<10112x128xf32, #tpu.memory_space<vmem_shared>> -> memref<632x128xf32, #tpu.memory_space<vmem_shared>>
      tpu.enqueue_dma source(%dma_start3A_67 : memref<632x128xf32, #tpu.memory_space<vmem_shared>>) target(%dma_start3A_65 : memref<632x128xf32, #tpu.memory_space<hbm>>) target_semaphore(%run_scoped3A_62 : memref<!tpu.dma_semaphore, #tpu.memory_space<semaphore_mem>>)
      %dma_wait3A_68 = arith.constant 0 : i32
      %dma_wait3A_69 = tpu.memref_slice %arg5[%arg0, %mul3A_2, %dma_wait3A_68] : memref<2x10112x128xf32, #tpu.memory_space<hbm>> -> memref<1x632x128xf32, #tpu.memory_space<hbm>>
      %dma_wait3A_70 = tpu.memref_squeeze %dma_wait3A_69 : memref<1x632x128xf32, #tpu.memory_space<hbm>> -> memref<632x128xf32, #tpu.memory_space<hbm>>
      %dma_wait3A_71 = arith.constant 0 : i32
      %dma_wait3A_72 = tpu.memref_slice %arg8[%mul3A_2, %dma_wait3A_71] : memref<10112x128xf32, #tpu.memory_space<vmem_shared>> -> memref<632x128xf32, #tpu.memory_space<vmem_shared>>
      tpu.wait_dma2 semaphore(%run_scoped3A_62 : memref<!tpu.dma_semaphore, #tpu.memory_space<semaphore_mem>>) src(%dma_wait3A_72 : memref<632x128xf32, #tpu.memory_space<vmem_shared>>) dst(%dma_wait3A_70 : memref<632x128xf32, #tpu.memory_space<hbm>>)
      tpu.yield
    }) : () -> ()
    return
  }
}

#map = affine_map<(d0, d1) -> (0, 0)>
#map1 = affine_map<(d0, d1) -> (0, 0, 0, 0, 0)>
#map2 = affine_map<(d0, d1) -> (0, 0, 0)>
module attributes {stable_mosaic.version = 14 : i64} {
  func.func @_spmm_sc_body(%arg0: i32, %arg1: i32, %arg2: memref<10000x128xf32, #tpu.memory_space<hbm>>, %arg3: memref<2x32x2x63x80xi32, #tpu.memory_space<hbm>>, %arg4: memref<632x128xf32, #tpu.memory_space<hbm>>, %arg5: memref<2x10112x128xf32, #tpu.memory_space<hbm>>, %arg6: memref<63x80xi32, #tpu.memory_space<vmem>>, %arg7: memref<63x80xi32, #tpu.memory_space<vmem>>, %arg8: memref<10112x128xf32, #tpu.memory_space<vmem_shared>>, %arg9: memref<80x128xf32, #tpu.memory_space<vmem>>, %arg10: memref<80x128xf32, #tpu.memory_space<vmem>>, %arg11: memref<80x128xf32, #tpu.memory_space<vmem>>, %arg12: memref<!tpu.dma_semaphore, #tpu.memory_space<semaphore_mem>>, %arg13: memref<!tpu.dma_semaphore, #tpu.memory_space<semaphore_mem>>, %arg14: memref<!tpu.dma_semaphore, #tpu.memory_space<semaphore_mem>>, %arg15: memref<!tpu.dma_semaphore, #tpu.memory_space<semaphore_mem>>, %arg16: memref<!tpu.dma_semaphore, #tpu.memory_space<semaphore_mem>>, %arg17: memref<!tpu.dma_semaphore, #tpu.memory_space<semaphore_mem>>) attributes {dimension_semantics = [#tpu.dimension_semantics<core_parallel>, #tpu.dimension_semantics<subcore_parallel>], iteration_bounds = array<i64: 2, 16>, scalar_prefetch = 0 : i64, scratch_operands = 12 : i64, tpu.core_type = #tpu.core_type<sc_vector_subcore>, window_params = [{transform_indices = #map}, {transform_indices = #map1}, {transform_indices = #map}, {transform_indices = #map2}]} {
    %mul3A = arith.constant 16 : i32
    %mul3A_0 = arith.muli %arg0, %mul3A : i32
    %add3A = arith.addi %mul3A_0, %arg1 : i32
    %mul3A_1 = arith.constant 632 : i32
    %mul3A_2 = arith.muli %arg1, %mul3A_1 : i32
    "tpu.region"() ({
      %run_scoped3A_62 = tpu.sem_alloc : memref<!tpu.dma_semaphore, #tpu.memory_space<semaphore_mem>>
      %dma_start3A_63 = arith.constant 0 : i32
      %dma_start3A_64 = tpu.memref_slice %arg8[%mul3A_2, %dma_start3A_63] : memref<10112x128xf32, #tpu.memory_space<vmem_shared>> -> memref<632x128xf32, #tpu.memory_space<vmem_shared>>
      tpu.enqueue_dma source(%arg4 : memref<632x128xf32, #tpu.memory_space<hbm>>) target(%dma_start3A_64 : memref<632x128xf32, #tpu.memory_space<vmem_shared>>) target_semaphore(%run_scoped3A_62 : memref<!tpu.dma_semaphore, #tpu.memory_space<semaphore_mem>>)
      %dma_wait3A_65 = arith.constant 0 : i32
      %dma_wait3A_66 = tpu.memref_slice %arg8[%mul3A_2, %dma_wait3A_65] : memref<10112x128xf32, #tpu.memory_space<vmem_shared>> -> memref<632x128xf32, #tpu.memory_space<vmem_shared>>
      tpu.wait_dma2 semaphore(%run_scoped3A_62 : memref<!tpu.dma_semaphore, #tpu.memory_space<semaphore_mem>>) src(%arg4 : memref<632x128xf32, #tpu.memory_space<hbm>>) dst(%dma_wait3A_66 : memref<632x128xf32, #tpu.memory_space<vmem_shared>>)
      tpu.yield
    }) : () -> ()
    %barrier3A = arith.constant 0 : index
    tpu.barrier barrier_id(%barrier3A)
    %run_scoped3A = arith.constant 0 : i32
    %run_scoped3A_3 = arith.constant 0 : i32
    "tpu.region"() ({
      %run_scoped3A_62 = tpu.sem_alloc : memref<!tpu.dma_semaphore, #tpu.memory_space<semaphore_mem>>
      %dma_start3A_63 = arith.constant 0 : i32
      %dma_start3A_64 = arith.constant 0 : i32
      %dma_start3A_65 = tpu.memref_slice %arg3[%run_scoped3A, %add3A, %run_scoped3A_3, %dma_start3A_63, %dma_start3A_64] : memref<2x32x2x63x80xi32, #tpu.memory_space<hbm>> -> memref<1x1x1x63x80xi32, #tpu.memory_space<hbm>>
      %dma_start3A_66 = tpu.memref_squeeze %dma_start3A_65 : memref<1x1x1x63x80xi32, #tpu.memory_space<hbm>> -> memref<63x80xi32, #tpu.memory_space<hbm>>
      %dma_start3A_67 = arith.constant 0 : i32
      %dma_start3A_68 = arith.constant 0 : i32
      %dma_start3A_69 = tpu.memref_slice %arg3[%run_scoped3A, %add3A, %run_scoped3A_3, %dma_start3A_67, %dma_start3A_68] : memref<2x32x2x63x80xi32, #tpu.memory_space<hbm>> -> memref<1x1x1x63x80xi32, #tpu.memory_space<hbm>>
      %dma_start3A_70 = tpu.memref_squeeze %dma_start3A_69 : memref<1x1x1x63x80xi32, #tpu.memory_space<hbm>> -> memref<63x80xi32, #tpu.memory_space<hbm>>
      tpu.enqueue_dma source(%dma_start3A_70 : memref<63x80xi32, #tpu.memory_space<hbm>>) target(%arg6 : memref<63x80xi32, #tpu.memory_space<vmem>>) target_semaphore(%run_scoped3A_62 : memref<!tpu.dma_semaphore, #tpu.memory_space<semaphore_mem>>)
      %dma_wait3A_71 = arith.constant 0 : i32
      %dma_wait3A_72 = arith.constant 0 : i32
      %dma_wait3A_73 = tpu.memref_slice %arg3[%run_scoped3A, %add3A, %run_scoped3A_3, %dma_wait3A_71, %dma_wait3A_72] : memref<2x32x2x63x80xi32, #tpu.memory_space<hbm>> -> memref<1x1x1x63x80xi32, #tpu.memory_space<hbm>>
      %dma_wait3A_74 = tpu.memref_squeeze %dma_wait3A_73 : memref<1x1x1x63x80xi32, #tpu.memory_space<hbm>> -> memref<63x80xi32, #tpu.memory_space<hbm>>
      %dma_wait3A_75 = arith.constant 0 : i32
      %dma_wait3A_76 = arith.constant 0 : i32
      %dma_wait3A_77 = tpu.memref_slice %arg3[%run_scoped3A, %add3A, %run_scoped3A_3, %dma_wait3A_75, %dma_wait3A_76] : memref<2x32x2x63x80xi32, #tpu.memory_space<hbm>> -> memref<1x1x1x63x80xi32, #tpu.memory_space<hbm>>
      %dma_wait3A_78 = tpu.memref_squeeze %dma_wait3A_77 : memref<1x1x1x63x80xi32, #tpu.memory_space<hbm>> -> memref<63x80xi32, #tpu.memory_space<hbm>>
      tpu.wait_dma2 semaphore(%run_scoped3A_62 : memref<!tpu.dma_semaphore, #tpu.memory_space<semaphore_mem>>) src(%dma_wait3A_78 : memref<63x80xi32, #tpu.memory_space<hbm>>) dst(%arg6 : memref<63x80xi32, #tpu.memory_space<vmem>>)
      tpu.yield
    }) : () -> ()
    %run_scoped3A_4 = arith.constant 1 : i32
    %run_scoped3A_5 = arith.constant 0 : i32
    "tpu.region"() ({
      %run_scoped3A_62 = tpu.sem_alloc : memref<!tpu.dma_semaphore, #tpu.memory_space<semaphore_mem>>
      %dma_start3A_63 = arith.constant 0 : i32
      %dma_start3A_64 = arith.constant 0 : i32
      %dma_start3A_65 = tpu.memref_slice %arg3[%run_scoped3A_4, %add3A, %run_scoped3A_5, %dma_start3A_63, %dma_start3A_64] : memref<2x32x2x63x80xi32, #tpu.memory_space<hbm>> -> memref<1x1x1x63x80xi32, #tpu.memory_space<hbm>>
      %dma_start3A_66 = tpu.memref_squeeze %dma_start3A_65 : memref<1x1x1x63x80xi32, #tpu.memory_space<hbm>> -> memref<63x80xi32, #tpu.memory_space<hbm>>
      %dma_start3A_67 = arith.constant 0 : i32
      %dma_start3A_68 = arith.constant 0 : i32
      %dma_start3A_69 = tpu.memref_slice %arg3[%run_scoped3A_4, %add3A, %run_scoped3A_5, %dma_start3A_67, %dma_start3A_68] : memref<2x32x2x63x80xi32, #tpu.memory_space<hbm>> -> memref<1x1x1x63x80xi32, #tpu.memory_space<hbm>>
      %dma_start3A_70 = tpu.memref_squeeze %dma_start3A_69 : memref<1x1x1x63x80xi32, #tpu.memory_space<hbm>> -> memref<63x80xi32, #tpu.memory_space<hbm>>
      tpu.enqueue_dma source(%dma_start3A_70 : memref<63x80xi32, #tpu.memory_space<hbm>>) target(%arg7 : memref<63x80xi32, #tpu.memory_space<vmem>>) target_semaphore(%run_scoped3A_62 : memref<!tpu.dma_semaphore, #tpu.memory_space<semaphore_mem>>)
      %dma_wait3A_71 = arith.constant 0 : i32
      %dma_wait3A_72 = arith.constant 0 : i32
      %dma_wait3A_73 = tpu.memref_slice %arg3[%run_scoped3A_4, %add3A, %run_scoped3A_5, %dma_wait3A_71, %dma_wait3A_72] : memref<2x32x2x63x80xi32, #tpu.memory_space<hbm>> -> memref<1x1x1x63x80xi32, #tpu.memory_space<hbm>>
      %dma_wait3A_74 = tpu.memref_squeeze %dma_wait3A_73 : memref<1x1x1x63x80xi32, #tpu.memory_space<hbm>> -> memref<63x80xi32, #tpu.memory_space<hbm>>
      %dma_wait3A_75 = arith.constant 0 : i32
      %dma_wait3A_76 = arith.constant 0 : i32
      %dma_wait3A_77 = tpu.memref_slice %arg3[%run_scoped3A_4, %add3A, %run_scoped3A_5, %dma_wait3A_75, %dma_wait3A_76] : memref<2x32x2x63x80xi32, #tpu.memory_space<hbm>> -> memref<1x1x1x63x80xi32, #tpu.memory_space<hbm>>
      %dma_wait3A_78 = tpu.memref_squeeze %dma_wait3A_77 : memref<1x1x1x63x80xi32, #tpu.memory_space<hbm>> -> memref<63x80xi32, #tpu.memory_space<hbm>>
      tpu.wait_dma2 semaphore(%run_scoped3A_62 : memref<!tpu.dma_semaphore, #tpu.memory_space<semaphore_mem>>) src(%dma_wait3A_78 : memref<63x80xi32, #tpu.memory_space<hbm>>) dst(%arg7 : memref<63x80xi32, #tpu.memory_space<vmem>>)
      tpu.yield
    }) : () -> ()
    %dma_start3A = arith.constant 0 : i32
    %dma_start3A_6 = arith.constant 0 : i32
    %dma_start3A_7 = tpu.memref_slice %arg6[%dma_start3A, %dma_start3A_6] : memref<63x80xi32, #tpu.memory_space<vmem>> -> memref<1x80xi32, #tpu.memory_space<vmem>>
    %dma_start3A_8 = tpu.memref_squeeze %dma_start3A_7 : memref<1x80xi32, #tpu.memory_space<vmem>> -> memref<80xi32, #tpu.memory_space<vmem>>
    %dma_start3A_9 = arith.constant 0 : i32
    %dma_start3A_10 = arith.constant 0 : i32
    %dma_start3A_11 = tpu.memref_slice %arg2[%dma_start3A_9, %dma_start3A_10] : memref<10000x128xf32, #tpu.memory_space<hbm>> -> memref<10000x128xf32, #tpu.memory_space<hbm>>
    tpu.enqueue_indirect_dma source(%dma_start3A_11 : memref<10000x128xf32, #tpu.memory_space<hbm>>) target(%arg9 : memref<80x128xf32, #tpu.memory_space<vmem>>) offsets(%dma_start3A_8 : memref<80xi32, #tpu.memory_space<vmem>>) semaphore(%arg12 : memref<!tpu.dma_semaphore, #tpu.memory_space<semaphore_mem>>)
    %scan3A = arith.constant 0 : i32
    %scan3A_12 = arith.constant 0 : i32
    %scan3A_13 = arith.constant 21 : i32
    %scan3A_14 = arith.addi %scan3A_12, %scan3A_13 : i32
    %scan3A_15 = arith.constant 1 : i32
    scf.for %scan3A_62 = %scan3A_12 to %scan3A_14 step %scan3A_15  : i32 {
      %mul3A_63 = arith.constant 3 : i32
      %mul3A_64 = arith.muli %scan3A_62, %mul3A_63 : i32
      %add3A_65 = arith.constant 0 : i32
      %add3A_66 = arith.addi %mul3A_64, %add3A_65 : i32
      %ge3A = arith.constant 2 : i32
      %ge3A_67 = arith.cmpi sge, %add3A_66, %ge3A : i32
      %convert_element_type3A = arith.extui %ge3A_67 : i1 to i32
      %cond3A = arith.constant 0 : i32
      %cond3A_68 = arith.cmpi ne, %convert_element_type3A, %cond3A : i32
      scf.if %cond3A_68 {
        %dma_wait3A_140 = arith.constant 0 : i32
        %dma_wait3A_141 = arith.constant 0 : i32
        %dma_wait3A_142 = tpu.memref_slice %arg7[%dma_wait3A_140, %dma_wait3A_141] : memref<63x80xi32, #tpu.memory_space<vmem>> -> memref<1x80xi32, #tpu.memory_space<vmem>>
        %dma_wait3A_143 = tpu.memref_squeeze %dma_wait3A_142 : memref<1x80xi32, #tpu.memory_space<vmem>> -> memref<80xi32, #tpu.memory_space<vmem>>
        %dma_wait3A_144 = arith.constant 0 : i32
        %dma_wait3A_145 = arith.constant 0 : i32
        %dma_wait3A_146 = tpu.memref_slice %arg8[%dma_wait3A_144, %dma_wait3A_145] : memref<10112x128xf32, #tpu.memory_space<vmem_shared>> -> memref<10112x128xf32, #tpu.memory_space<vmem_shared>>
        tpu.wait_indirect_dma semaphore(%arg16 : memref<!tpu.dma_semaphore, #tpu.memory_space<semaphore_mem>>) src(%arg10 : memref<80x128xf32, #tpu.memory_space<vmem>>) dst(%dma_wait3A_146 : memref<10112x128xf32, #tpu.memory_space<vmem_shared>>)
      } else {
      }
      %lt3A = arith.constant 62 : i32
      %lt3A_69 = arith.cmpi slt, %add3A_66, %lt3A : i32
      %convert_element_type3A_70 = arith.extui %lt3A_69 : i1 to i32
      %cond3A_71 = arith.constant 0 : i32
      %cond3A_72 = arith.cmpi ne, %convert_element_type3A_70, %cond3A_71 : i32
      scf.if %cond3A_72 {
        %add3A_140 = arith.constant 1 : i32
        %add3A_141 = arith.addi %add3A_66, %add3A_140 : i32
        %dma_start3A_142 = arith.constant 0 : i32
        %dma_start3A_143 = tpu.memref_slice %arg6[%add3A_141, %dma_start3A_142] : memref<63x80xi32, #tpu.memory_space<vmem>> -> memref<1x80xi32, #tpu.memory_space<vmem>>
        %dma_start3A_144 = tpu.memref_squeeze %dma_start3A_143 : memref<1x80xi32, #tpu.memory_space<vmem>> -> memref<80xi32, #tpu.memory_space<vmem>>
        %dma_start3A_145 = arith.constant 0 : i32
        %dma_start3A_146 = arith.constant 0 : i32
        %dma_start3A_147 = tpu.memref_slice %arg2[%dma_start3A_145, %dma_start3A_146] : memref<10000x128xf32, #tpu.memory_space<hbm>> -> memref<10000x128xf32, #tpu.memory_space<hbm>>
        tpu.enqueue_indirect_dma source(%dma_start3A_147 : memref<10000x128xf32, #tpu.memory_space<hbm>>) target(%arg10 : memref<80x128xf32, #tpu.memory_space<vmem>>) offsets(%dma_start3A_144 : memref<80xi32, #tpu.memory_space<vmem>>) semaphore(%arg13 : memref<!tpu.dma_semaphore, #tpu.memory_space<semaphore_mem>>)
      } else {
      }
      %dma_wait3A_73 = arith.constant 0 : i32
      %dma_wait3A_74 = arith.constant 0 : i32
      %dma_wait3A_75 = tpu.memref_slice %arg6[%dma_wait3A_73, %dma_wait3A_74] : memref<63x80xi32, #tpu.memory_space<vmem>> -> memref<1x80xi32, #tpu.memory_space<vmem>>
      %dma_wait3A_76 = tpu.memref_squeeze %dma_wait3A_75 : memref<1x80xi32, #tpu.memory_space<vmem>> -> memref<80xi32, #tpu.memory_space<vmem>>
      %dma_wait3A_77 = arith.constant 0 : i32
      %dma_wait3A_78 = arith.constant 0 : i32
      %dma_wait3A_79 = tpu.memref_slice %arg2[%dma_wait3A_77, %dma_wait3A_78] : memref<10000x128xf32, #tpu.memory_space<hbm>> -> memref<10000x128xf32, #tpu.memory_space<hbm>>
      tpu.wait_indirect_dma semaphore(%arg12 : memref<!tpu.dma_semaphore, #tpu.memory_space<semaphore_mem>>) src(%dma_wait3A_79 : memref<10000x128xf32, #tpu.memory_space<hbm>>) dst(%arg9 : memref<80x128xf32, #tpu.memory_space<vmem>>)
      %dma_start3A_80 = arith.constant 0 : i32
      %dma_start3A_81 = tpu.memref_slice %arg7[%add3A_66, %dma_start3A_80] : memref<63x80xi32, #tpu.memory_space<vmem>> -> memref<1x80xi32, #tpu.memory_space<vmem>>
      %dma_start3A_82 = tpu.memref_squeeze %dma_start3A_81 : memref<1x80xi32, #tpu.memory_space<vmem>> -> memref<80xi32, #tpu.memory_space<vmem>>
      %dma_start3A_83 = arith.constant 0 : i32
      %dma_start3A_84 = arith.constant 0 : i32
      %dma_start3A_85 = tpu.memref_slice %arg8[%dma_start3A_83, %dma_start3A_84] : memref<10112x128xf32, #tpu.memory_space<vmem_shared>> -> memref<10112x128xf32, #tpu.memory_space<vmem_shared>>
      tpu.enqueue_indirect_dma source(%arg9 : memref<80x128xf32, #tpu.memory_space<vmem>>) target(%dma_start3A_85 : memref<10112x128xf32, #tpu.memory_space<vmem_shared>>) offsets(%dma_start3A_82 : memref<80xi32, #tpu.memory_space<vmem>>) semaphore(%arg15 : memref<!tpu.dma_semaphore, #tpu.memory_space<semaphore_mem>>) {add = true}
      %mul3A_86 = arith.constant 3 : i32
      %mul3A_87 = arith.muli %scan3A_62, %mul3A_86 : i32
      %add3A_88 = arith.constant 1 : i32
      %add3A_89 = arith.addi %mul3A_87, %add3A_88 : i32
      %ge3A_90 = arith.constant 2 : i32
      %ge3A_91 = arith.cmpi sge, %add3A_89, %ge3A_90 : i32
      %convert_element_type3A_92 = arith.extui %ge3A_91 : i1 to i32
      %cond3A_93 = arith.constant 0 : i32
      %cond3A_94 = arith.cmpi ne, %convert_element_type3A_92, %cond3A_93 : i32
      scf.if %cond3A_94 {
        %dma_wait3A_140 = arith.constant 0 : i32
        %dma_wait3A_141 = arith.constant 0 : i32
        %dma_wait3A_142 = tpu.memref_slice %arg7[%dma_wait3A_140, %dma_wait3A_141] : memref<63x80xi32, #tpu.memory_space<vmem>> -> memref<1x80xi32, #tpu.memory_space<vmem>>
        %dma_wait3A_143 = tpu.memref_squeeze %dma_wait3A_142 : memref<1x80xi32, #tpu.memory_space<vmem>> -> memref<80xi32, #tpu.memory_space<vmem>>
        %dma_wait3A_144 = arith.constant 0 : i32
        %dma_wait3A_145 = arith.constant 0 : i32
        %dma_wait3A_146 = tpu.memref_slice %arg8[%dma_wait3A_144, %dma_wait3A_145] : memref<10112x128xf32, #tpu.memory_space<vmem_shared>> -> memref<10112x128xf32, #tpu.memory_space<vmem_shared>>
        tpu.wait_indirect_dma semaphore(%arg17 : memref<!tpu.dma_semaphore, #tpu.memory_space<semaphore_mem>>) src(%arg11 : memref<80x128xf32, #tpu.memory_space<vmem>>) dst(%dma_wait3A_146 : memref<10112x128xf32, #tpu.memory_space<vmem_shared>>)
      } else {
      }
      %lt3A_95 = arith.constant 62 : i32
      %lt3A_96 = arith.cmpi slt, %add3A_89, %lt3A_95 : i32
      %convert_element_type3A_97 = arith.extui %lt3A_96 : i1 to i32
      %cond3A_98 = arith.constant 0 : i32
      %cond3A_99 = arith.cmpi ne, %convert_element_type3A_97, %cond3A_98 : i32
      scf.if %cond3A_99 {
        %add3A_140 = arith.constant 1 : i32
        %add3A_141 = arith.addi %add3A_89, %add3A_140 : i32
        %dma_start3A_142 = arith.constant 0 : i32
        %dma_start3A_143 = tpu.memref_slice %arg6[%add3A_141, %dma_start3A_142] : memref<63x80xi32, #tpu.memory_space<vmem>> -> memref<1x80xi32, #tpu.memory_space<vmem>>
        %dma_start3A_144 = tpu.memref_squeeze %dma_start3A_143 : memref<1x80xi32, #tpu.memory_space<vmem>> -> memref<80xi32, #tpu.memory_space<vmem>>
        %dma_start3A_145 = arith.constant 0 : i32
        %dma_start3A_146 = arith.constant 0 : i32
        %dma_start3A_147 = tpu.memref_slice %arg2[%dma_start3A_145, %dma_start3A_146] : memref<10000x128xf32, #tpu.memory_space<hbm>> -> memref<10000x128xf32, #tpu.memory_space<hbm>>
        tpu.enqueue_indirect_dma source(%dma_start3A_147 : memref<10000x128xf32, #tpu.memory_space<hbm>>) target(%arg11 : memref<80x128xf32, #tpu.memory_space<vmem>>) offsets(%dma_start3A_144 : memref<80xi32, #tpu.memory_space<vmem>>) semaphore(%arg14 : memref<!tpu.dma_semaphore, #tpu.memory_space<semaphore_mem>>)
      } else {
      }
      %dma_wait3A_100 = arith.constant 0 : i32
      %dma_wait3A_101 = arith.constant 0 : i32
      %dma_wait3A_102 = tpu.memref_slice %arg6[%dma_wait3A_100, %dma_wait3A_101] : memref<63x80xi32, #tpu.memory_space<vmem>> -> memref<1x80xi32, #tpu.memory_space<vmem>>
      %dma_wait3A_103 = tpu.memref_squeeze %dma_wait3A_102 : memref<1x80xi32, #tpu.memory_space<vmem>> -> memref<80xi32, #tpu.memory_space<vmem>>
      %dma_wait3A_104 = arith.constant 0 : i32
      %dma_wait3A_105 = arith.constant 0 : i32
      %dma_wait3A_106 = tpu.memref_slice %arg2[%dma_wait3A_104, %dma_wait3A_105] : memref<10000x128xf32, #tpu.memory_space<hbm>> -> memref<10000x128xf32, #tpu.memory_space<hbm>>
      tpu.wait_indirect_dma semaphore(%arg13 : memref<!tpu.dma_semaphore, #tpu.memory_space<semaphore_mem>>) src(%dma_wait3A_106 : memref<10000x128xf32, #tpu.memory_space<hbm>>) dst(%arg10 : memref<80x128xf32, #tpu.memory_space<vmem>>)
      %dma_start3A_107 = arith.constant 0 : i32
      %dma_start3A_108 = tpu.memref_slice %arg7[%add3A_89, %dma_start3A_107] : memref<63x80xi32, #tpu.memory_space<vmem>> -> memref<1x80xi32, #tpu.memory_space<vmem>>
      %dma_start3A_109 = tpu.memref_squeeze %dma_start3A_108 : memref<1x80xi32, #tpu.memory_space<vmem>> -> memref<80xi32, #tpu.memory_space<vmem>>
      %dma_start3A_110 = arith.constant 0 : i32
      %dma_start3A_111 = arith.constant 0 : i32
      %dma_start3A_112 = tpu.memref_slice %arg8[%dma_start3A_110, %dma_start3A_111] : memref<10112x128xf32, #tpu.memory_space<vmem_shared>> -> memref<10112x128xf32, #tpu.memory_space<vmem_shared>>
      tpu.enqueue_indirect_dma source(%arg10 : memref<80x128xf32, #tpu.memory_space<vmem>>) target(%dma_start3A_112 : memref<10112x128xf32, #tpu.memory_space<vmem_shared>>) offsets(%dma_start3A_109 : memref<80xi32, #tpu.memory_space<vmem>>) semaphore(%arg16 : memref<!tpu.dma_semaphore, #tpu.memory_space<semaphore_mem>>) {add = true}
      %mul3A_113 = arith.constant 3 : i32
      %mul3A_114 = arith.muli %scan3A_62, %mul3A_113 : i32
      %add3A_115 = arith.constant 2 : i32
      %add3A_116 = arith.addi %mul3A_114, %add3A_115 : i32
      %ge3A_117 = arith.constant 2 : i32
      %ge3A_118 = arith.cmpi sge, %add3A_116, %ge3A_117 : i32
      %convert_element_type3A_119 = arith.extui %ge3A_118 : i1 to i32
      %cond3A_120 = arith.constant 0 : i32
      %cond3A_121 = arith.cmpi ne, %convert_element_type3A_119, %cond3A_120 : i32
      scf.if %cond3A_121 {
        %dma_wait3A_140 = arith.constant 0 : i32
        %dma_wait3A_141 = arith.constant 0 : i32
        %dma_wait3A_142 = tpu.memref_slice %arg7[%dma_wait3A_140, %dma_wait3A_141] : memref<63x80xi32, #tpu.memory_space<vmem>> -> memref<1x80xi32, #tpu.memory_space<vmem>>
        %dma_wait3A_143 = tpu.memref_squeeze %dma_wait3A_142 : memref<1x80xi32, #tpu.memory_space<vmem>> -> memref<80xi32, #tpu.memory_space<vmem>>
        %dma_wait3A_144 = arith.constant 0 : i32
        %dma_wait3A_145 = arith.constant 0 : i32
        %dma_wait3A_146 = tpu.memref_slice %arg8[%dma_wait3A_144, %dma_wait3A_145] : memref<10112x128xf32, #tpu.memory_space<vmem_shared>> -> memref<10112x128xf32, #tpu.memory_space<vmem_shared>>
        tpu.wait_indirect_dma semaphore(%arg15 : memref<!tpu.dma_semaphore, #tpu.memory_space<semaphore_mem>>) src(%arg9 : memref<80x128xf32, #tpu.memory_space<vmem>>) dst(%dma_wait3A_146 : memref<10112x128xf32, #tpu.memory_space<vmem_shared>>)
      } else {
      }
      %lt3A_122 = arith.constant 62 : i32
      %lt3A_123 = arith.cmpi slt, %add3A_116, %lt3A_122 : i32
      %convert_element_type3A_124 = arith.extui %lt3A_123 : i1 to i32
      %cond3A_125 = arith.constant 0 : i32
      %cond3A_126 = arith.cmpi ne, %convert_element_type3A_124, %cond3A_125 : i32
      scf.if %cond3A_126 {
        %add3A_140 = arith.constant 1 : i32
        %add3A_141 = arith.addi %add3A_116, %add3A_140 : i32
        %dma_start3A_142 = arith.constant 0 : i32
        %dma_start3A_143 = tpu.memref_slice %arg6[%add3A_141, %dma_start3A_142] : memref<63x80xi32, #tpu.memory_space<vmem>> -> memref<1x80xi32, #tpu.memory_space<vmem>>
        %dma_start3A_144 = tpu.memref_squeeze %dma_start3A_143 : memref<1x80xi32, #tpu.memory_space<vmem>> -> memref<80xi32, #tpu.memory_space<vmem>>
        %dma_start3A_145 = arith.constant 0 : i32
        %dma_start3A_146 = arith.constant 0 : i32
        %dma_start3A_147 = tpu.memref_slice %arg2[%dma_start3A_145, %dma_start3A_146] : memref<10000x128xf32, #tpu.memory_space<hbm>> -> memref<10000x128xf32, #tpu.memory_space<hbm>>
        tpu.enqueue_indirect_dma source(%dma_start3A_147 : memref<10000x128xf32, #tpu.memory_space<hbm>>) target(%arg9 : memref<80x128xf32, #tpu.memory_space<vmem>>) offsets(%dma_start3A_144 : memref<80xi32, #tpu.memory_space<vmem>>) semaphore(%arg12 : memref<!tpu.dma_semaphore, #tpu.memory_space<semaphore_mem>>)
      } else {
      }
      %dma_wait3A_127 = arith.constant 0 : i32
      %dma_wait3A_128 = arith.constant 0 : i32
      %dma_wait3A_129 = tpu.memref_slice %arg6[%dma_wait3A_127, %dma_wait3A_128] : memref<63x80xi32, #tpu.memory_space<vmem>> -> memref<1x80xi32, #tpu.memory_space<vmem>>
      %dma_wait3A_130 = tpu.memref_squeeze %dma_wait3A_129 : memref<1x80xi32, #tpu.memory_space<vmem>> -> memref<80xi32, #tpu.memory_space<vmem>>
      %dma_wait3A_131 = arith.constant 0 : i32
      %dma_wait3A_132 = arith.constant 0 : i32
      %dma_wait3A_133 = tpu.memref_slice %arg2[%dma_wait3A_131, %dma_wait3A_132] : memref<10000x128xf32, #tpu.memory_space<hbm>> -> memref<10000x128xf32, #tpu.memory_space<hbm>>
      tpu.wait_indirect_dma semaphore(%arg14 : memref<!tpu.dma_semaphore, #tpu.memory_space<semaphore_mem>>) src(%dma_wait3A_133 : memref<10000x128xf32, #tpu.memory_space<hbm>>) dst(%arg11 : memref<80x128xf32, #tpu.memory_space<vmem>>)
      %dma_start3A_134 = arith.constant 0 : i32
      %dma_start3A_135 = tpu.memref_slice %arg7[%add3A_116, %dma_start3A_134] : memref<63x80xi32, #tpu.memory_space<vmem>> -> memref<1x80xi32, #tpu.memory_space<vmem>>
      %dma_start3A_136 = tpu.memref_squeeze %dma_start3A_135 : memref<1x80xi32, #tpu.memory_space<vmem>> -> memref<80xi32, #tpu.memory_space<vmem>>
      %dma_start3A_137 = arith.constant 0 : i32
      %dma_start3A_138 = arith.constant 0 : i32
      %dma_start3A_139 = tpu.memref_slice %arg8[%dma_start3A_137, %dma_start3A_138] : memref<10112x128xf32, #tpu.memory_space<vmem_shared>> -> memref<10112x128xf32, #tpu.memory_space<vmem_shared>>
      tpu.enqueue_indirect_dma source(%arg11 : memref<80x128xf32, #tpu.memory_space<vmem>>) target(%dma_start3A_139 : memref<10112x128xf32, #tpu.memory_space<vmem_shared>>) offsets(%dma_start3A_136 : memref<80xi32, #tpu.memory_space<vmem>>) semaphore(%arg17 : memref<!tpu.dma_semaphore, #tpu.memory_space<semaphore_mem>>) {add = true}
    }
    %scan3A_16 = arith.constant 21 : i32
    %dma_wait3A = arith.constant 0 : i32
    %dma_wait3A_17 = arith.constant 0 : i32
    %dma_wait3A_18 = tpu.memref_slice %arg7[%dma_wait3A, %dma_wait3A_17] : memref<63x80xi32, #tpu.memory_space<vmem>> -> memref<1x80xi32, #tpu.memory_space<vmem>>
    %dma_wait3A_19 = tpu.memref_squeeze %dma_wait3A_18 : memref<1x80xi32, #tpu.memory_space<vmem>> -> memref<80xi32, #tpu.memory_space<vmem>>
    %dma_wait3A_20 = arith.constant 0 : i32
    %dma_wait3A_21 = arith.constant 0 : i32
    %dma_wait3A_22 = tpu.memref_slice %arg8[%dma_wait3A_20, %dma_wait3A_21] : memref<10112x128xf32, #tpu.memory_space<vmem_shared>> -> memref<10112x128xf32, #tpu.memory_space<vmem_shared>>
    tpu.wait_indirect_dma semaphore(%arg16 : memref<!tpu.dma_semaphore, #tpu.memory_space<semaphore_mem>>) src(%arg10 : memref<80x128xf32, #tpu.memory_space<vmem>>) dst(%dma_wait3A_22 : memref<10112x128xf32, #tpu.memory_space<vmem_shared>>)
    %dma_wait3A_23 = arith.constant 0 : i32
    %dma_wait3A_24 = arith.constant 0 : i32
    %dma_wait3A_25 = tpu.memref_slice %arg7[%dma_wait3A_23, %dma_wait3A_24] : memref<63x80xi32, #tpu.memory_space<vmem>> -> memref<1x80xi32, #tpu.memory_space<vmem>>
    %dma_wait3A_26 = tpu.memref_squeeze %dma_wait3A_25 : memref<1x80xi32, #tpu.memory_space<vmem>> -> memref<80xi32, #tpu.memory_space<vmem>>
    %dma_wait3A_27 = arith.constant 0 : i32
    %dma_wait3A_28 = arith.constant 0 : i32
    %dma_wait3A_29 = tpu.memref_slice %arg8[%dma_wait3A_27, %dma_wait3A_28] : memref<10112x128xf32, #tpu.memory_space<vmem_shared>> -> memref<10112x128xf32, #tpu.memory_space<vmem_shared>>
    tpu.wait_indirect_dma semaphore(%arg17 : memref<!tpu.dma_semaphore, #tpu.memory_space<semaphore_mem>>) src(%arg11 : memref<80x128xf32, #tpu.memory_space<vmem>>) dst(%dma_wait3A_29 : memref<10112x128xf32, #tpu.memory_space<vmem_shared>>)
    %run_scoped3A_30 = arith.constant 0 : i32
    %run_scoped3A_31 = arith.constant 1 : i32
    "tpu.region"() ({
      %run_scoped3A_62 = tpu.sem_alloc : memref<!tpu.dma_semaphore, #tpu.memory_space<semaphore_mem>>
      %dma_start3A_63 = arith.constant 0 : i32
      %dma_start3A_64 = arith.constant 0 : i32
      %dma_start3A_65 = tpu.memref_slice %arg3[%run_scoped3A_30, %add3A, %run_scoped3A_31, %dma_start3A_63, %dma_start3A_64] : memref<2x32x2x63x80xi32, #tpu.memory_space<hbm>> -> memref<1x1x1x63x80xi32, #tpu.memory_space<hbm>>
      %dma_start3A_66 = tpu.memref_squeeze %dma_start3A_65 : memref<1x1x1x63x80xi32, #tpu.memory_space<hbm>> -> memref<63x80xi32, #tpu.memory_space<hbm>>
      %dma_start3A_67 = arith.constant 0 : i32
      %dma_start3A_68 = arith.constant 0 : i32
      %dma_start3A_69 = tpu.memref_slice %arg3[%run_scoped3A_30, %add3A, %run_scoped3A_31, %dma_start3A_67, %dma_start3A_68] : memref<2x32x2x63x80xi32, #tpu.memory_space<hbm>> -> memref<1x1x1x63x80xi32, #tpu.memory_space<hbm>>
      %dma_start3A_70 = tpu.memref_squeeze %dma_start3A_69 : memref<1x1x1x63x80xi32, #tpu.memory_space<hbm>> -> memref<63x80xi32, #tpu.memory_space<hbm>>
      tpu.enqueue_dma source(%dma_start3A_70 : memref<63x80xi32, #tpu.memory_space<hbm>>) target(%arg6 : memref<63x80xi32, #tpu.memory_space<vmem>>) target_semaphore(%run_scoped3A_62 : memref<!tpu.dma_semaphore, #tpu.memory_space<semaphore_mem>>)
      %dma_wait3A_71 = arith.constant 0 : i32
      %dma_wait3A_72 = arith.constant 0 : i32
      %dma_wait3A_73 = tpu.memref_slice %arg3[%run_scoped3A_30, %add3A, %run_scoped3A_31, %dma_wait3A_71, %dma_wait3A_72] : memref<2x32x2x63x80xi32, #tpu.memory_space<hbm>> -> memref<1x1x1x63x80xi32, #tpu.memory_space<hbm>>
      %dma_wait3A_74 = tpu.memref_squeeze %dma_wait3A_73 : memref<1x1x1x63x80xi32, #tpu.memory_space<hbm>> -> memref<63x80xi32, #tpu.memory_space<hbm>>
      %dma_wait3A_75 = arith.constant 0 : i32
      %dma_wait3A_76 = arith.constant 0 : i32
      %dma_wait3A_77 = tpu.memref_slice %arg3[%run_scoped3A_30, %add3A, %run_scoped3A_31, %dma_wait3A_75, %dma_wait3A_76] : memref<2x32x2x63x80xi32, #tpu.memory_space<hbm>> -> memref<1x1x1x63x80xi32, #tpu.memory_space<hbm>>
      %dma_wait3A_78 = tpu.memref_squeeze %dma_wait3A_77 : memref<1x1x1x63x80xi32, #tpu.memory_space<hbm>> -> memref<63x80xi32, #tpu.memory_space<hbm>>
      tpu.wait_dma2 semaphore(%run_scoped3A_62 : memref<!tpu.dma_semaphore, #tpu.memory_space<semaphore_mem>>) src(%dma_wait3A_78 : memref<63x80xi32, #tpu.memory_space<hbm>>) dst(%arg6 : memref<63x80xi32, #tpu.memory_space<vmem>>)
      tpu.yield
    }) : () -> ()
    %run_scoped3A_32 = arith.constant 1 : i32
    %run_scoped3A_33 = arith.constant 1 : i32
    "tpu.region"() ({
      %run_scoped3A_62 = tpu.sem_alloc : memref<!tpu.dma_semaphore, #tpu.memory_space<semaphore_mem>>
      %dma_start3A_63 = arith.constant 0 : i32
      %dma_start3A_64 = arith.constant 0 : i32
      %dma_start3A_65 = tpu.memref_slice %arg3[%run_scoped3A_32, %add3A, %run_scoped3A_33, %dma_start3A_63, %dma_start3A_64] : memref<2x32x2x63x80xi32, #tpu.memory_space<hbm>> -> memref<1x1x1x63x80xi32, #tpu.memory_space<hbm>>
      %dma_start3A_66 = tpu.memref_squeeze %dma_start3A_65 : memref<1x1x1x63x80xi32, #tpu.memory_space<hbm>> -> memref<63x80xi32, #tpu.memory_space<hbm>>
      %dma_start3A_67 = arith.constant 0 : i32
      %dma_start3A_68 = arith.constant 0 : i32
      %dma_start3A_69 = tpu.memref_slice %arg3[%run_scoped3A_32, %add3A, %run_scoped3A_33, %dma_start3A_67, %dma_start3A_68] : memref<2x32x2x63x80xi32, #tpu.memory_space<hbm>> -> memref<1x1x1x63x80xi32, #tpu.memory_space<hbm>>
      %dma_start3A_70 = tpu.memref_squeeze %dma_start3A_69 : memref<1x1x1x63x80xi32, #tpu.memory_space<hbm>> -> memref<63x80xi32, #tpu.memory_space<hbm>>
      tpu.enqueue_dma source(%dma_start3A_70 : memref<63x80xi32, #tpu.memory_space<hbm>>) target(%arg7 : memref<63x80xi32, #tpu.memory_space<vmem>>) target_semaphore(%run_scoped3A_62 : memref<!tpu.dma_semaphore, #tpu.memory_space<semaphore_mem>>)
      %dma_wait3A_71 = arith.constant 0 : i32
      %dma_wait3A_72 = arith.constant 0 : i32
      %dma_wait3A_73 = tpu.memref_slice %arg3[%run_scoped3A_32, %add3A, %run_scoped3A_33, %dma_wait3A_71, %dma_wait3A_72] : memref<2x32x2x63x80xi32, #tpu.memory_space<hbm>> -> memref<1x1x1x63x80xi32, #tpu.memory_space<hbm>>
      %dma_wait3A_74 = tpu.memref_squeeze %dma_wait3A_73 : memref<1x1x1x63x80xi32, #tpu.memory_space<hbm>> -> memref<63x80xi32, #tpu.memory_space<hbm>>
      %dma_wait3A_75 = arith.constant 0 : i32
      %dma_wait3A_76 = arith.constant 0 : i32
      %dma_wait3A_77 = tpu.memref_slice %arg3[%run_scoped3A_32, %add3A, %run_scoped3A_33, %dma_wait3A_75, %dma_wait3A_76] : memref<2x32x2x63x80xi32, #tpu.memory_space<hbm>> -> memref<1x1x1x63x80xi32, #tpu.memory_space<hbm>>
      %dma_wait3A_78 = tpu.memref_squeeze %dma_wait3A_77 : memref<1x1x1x63x80xi32, #tpu.memory_space<hbm>> -> memref<63x80xi32, #tpu.memory_space<hbm>>
      tpu.wait_dma2 semaphore(%run_scoped3A_62 : memref<!tpu.dma_semaphore, #tpu.memory_space<semaphore_mem>>) src(%dma_wait3A_78 : memref<63x80xi32, #tpu.memory_space<hbm>>) dst(%arg7 : memref<63x80xi32, #tpu.memory_space<vmem>>)
      tpu.yield
    }) : () -> ()
    %dma_start3A_34 = arith.constant 0 : i32
    %dma_start3A_35 = arith.constant 0 : i32
    %dma_start3A_36 = tpu.memref_slice %arg6[%dma_start3A_34, %dma_start3A_35] : memref<63x80xi32, #tpu.memory_space<vmem>> -> memref<1x80xi32, #tpu.memory_space<vmem>>
    %dma_start3A_37 = tpu.memref_squeeze %dma_start3A_36 : memref<1x80xi32, #tpu.memory_space<vmem>> -> memref<80xi32, #tpu.memory_space<vmem>>
    %dma_start3A_38 = arith.constant 0 : i32
    %dma_start3A_39 = arith.constant 0 : i32
    %dma_start3A_40 = tpu.memref_slice %arg2[%dma_start3A_38, %dma_start3A_39] : memref<10000x128xf32, #tpu.memory_space<hbm>> -> memref<10000x128xf32, #tpu.memory_space<hbm>>
    tpu.enqueue_indirect_dma source(%dma_start3A_40 : memref<10000x128xf32, #tpu.memory_space<hbm>>) target(%arg9 : memref<80x128xf32, #tpu.memory_space<vmem>>) offsets(%dma_start3A_37 : memref<80xi32, #tpu.memory_space<vmem>>) semaphore(%arg12 : memref<!tpu.dma_semaphore, #tpu.memory_space<semaphore_mem>>)
    %scan3A_41 = arith.constant 0 : i32
    %scan3A_42 = arith.constant 0 : i32
    %scan3A_43 = arith.constant 21 : i32
    %scan3A_44 = arith.addi %scan3A_42, %scan3A_43 : i32
    %scan3A_45 = arith.constant 1 : i32
    scf.for %scan3A_62 = %scan3A_42 to %scan3A_44 step %scan3A_45  : i32 {
      %mul3A_63 = arith.constant 3 : i32
      %mul3A_64 = arith.muli %scan3A_62, %mul3A_63 : i32
      %add3A_65 = arith.constant 0 : i32
      %add3A_66 = arith.addi %mul3A_64, %add3A_65 : i32
      %ge3A = arith.constant 2 : i32
      %ge3A_67 = arith.cmpi sge, %add3A_66, %ge3A : i32
      %convert_element_type3A = arith.extui %ge3A_67 : i1 to i32
      %cond3A = arith.constant 0 : i32
      %cond3A_68 = arith.cmpi ne, %convert_element_type3A, %cond3A : i32
      scf.if %cond3A_68 {
        %dma_wait3A_140 = arith.constant 0 : i32
        %dma_wait3A_141 = arith.constant 0 : i32
        %dma_wait3A_142 = tpu.memref_slice %arg7[%dma_wait3A_140, %dma_wait3A_141] : memref<63x80xi32, #tpu.memory_space<vmem>> -> memref<1x80xi32, #tpu.memory_space<vmem>>
        %dma_wait3A_143 = tpu.memref_squeeze %dma_wait3A_142 : memref<1x80xi32, #tpu.memory_space<vmem>> -> memref<80xi32, #tpu.memory_space<vmem>>
        %dma_wait3A_144 = arith.constant 0 : i32
        %dma_wait3A_145 = arith.constant 0 : i32
        %dma_wait3A_146 = tpu.memref_slice %arg8[%dma_wait3A_144, %dma_wait3A_145] : memref<10112x128xf32, #tpu.memory_space<vmem_shared>> -> memref<10112x128xf32, #tpu.memory_space<vmem_shared>>
        tpu.wait_indirect_dma semaphore(%arg16 : memref<!tpu.dma_semaphore, #tpu.memory_space<semaphore_mem>>) src(%arg10 : memref<80x128xf32, #tpu.memory_space<vmem>>) dst(%dma_wait3A_146 : memref<10112x128xf32, #tpu.memory_space<vmem_shared>>)
      } else {
      }
      %lt3A = arith.constant 62 : i32
      %lt3A_69 = arith.cmpi slt, %add3A_66, %lt3A : i32
      %convert_element_type3A_70 = arith.extui %lt3A_69 : i1 to i32
      %cond3A_71 = arith.constant 0 : i32
      %cond3A_72 = arith.cmpi ne, %convert_element_type3A_70, %cond3A_71 : i32
      scf.if %cond3A_72 {
        %add3A_140 = arith.constant 1 : i32
        %add3A_141 = arith.addi %add3A_66, %add3A_140 : i32
        %dma_start3A_142 = arith.constant 0 : i32
        %dma_start3A_143 = tpu.memref_slice %arg6[%add3A_141, %dma_start3A_142] : memref<63x80xi32, #tpu.memory_space<vmem>> -> memref<1x80xi32, #tpu.memory_space<vmem>>
        %dma_start3A_144 = tpu.memref_squeeze %dma_start3A_143 : memref<1x80xi32, #tpu.memory_space<vmem>> -> memref<80xi32, #tpu.memory_space<vmem>>
        %dma_start3A_145 = arith.constant 0 : i32
        %dma_start3A_146 = arith.constant 0 : i32
        %dma_start3A_147 = tpu.memref_slice %arg2[%dma_start3A_145, %dma_start3A_146] : memref<10000x128xf32, #tpu.memory_space<hbm>> -> memref<10000x128xf32, #tpu.memory_space<hbm>>
        tpu.enqueue_indirect_dma source(%dma_start3A_147 : memref<10000x128xf32, #tpu.memory_space<hbm>>) target(%arg10 : memref<80x128xf32, #tpu.memory_space<vmem>>) offsets(%dma_start3A_144 : memref<80xi32, #tpu.memory_space<vmem>>) semaphore(%arg13 : memref<!tpu.dma_semaphore, #tpu.memory_space<semaphore_mem>>)
      } else {
      }
      %dma_wait3A_73 = arith.constant 0 : i32
      %dma_wait3A_74 = arith.constant 0 : i32
      %dma_wait3A_75 = tpu.memref_slice %arg6[%dma_wait3A_73, %dma_wait3A_74] : memref<63x80xi32, #tpu.memory_space<vmem>> -> memref<1x80xi32, #tpu.memory_space<vmem>>
      %dma_wait3A_76 = tpu.memref_squeeze %dma_wait3A_75 : memref<1x80xi32, #tpu.memory_space<vmem>> -> memref<80xi32, #tpu.memory_space<vmem>>
      %dma_wait3A_77 = arith.constant 0 : i32
      %dma_wait3A_78 = arith.constant 0 : i32
      %dma_wait3A_79 = tpu.memref_slice %arg2[%dma_wait3A_77, %dma_wait3A_78] : memref<10000x128xf32, #tpu.memory_space<hbm>> -> memref<10000x128xf32, #tpu.memory_space<hbm>>
      tpu.wait_indirect_dma semaphore(%arg12 : memref<!tpu.dma_semaphore, #tpu.memory_space<semaphore_mem>>) src(%dma_wait3A_79 : memref<10000x128xf32, #tpu.memory_space<hbm>>) dst(%arg9 : memref<80x128xf32, #tpu.memory_space<vmem>>)
      %dma_start3A_80 = arith.constant 0 : i32
      %dma_start3A_81 = tpu.memref_slice %arg7[%add3A_66, %dma_start3A_80] : memref<63x80xi32, #tpu.memory_space<vmem>> -> memref<1x80xi32, #tpu.memory_space<vmem>>
      %dma_start3A_82 = tpu.memref_squeeze %dma_start3A_81 : memref<1x80xi32, #tpu.memory_space<vmem>> -> memref<80xi32, #tpu.memory_space<vmem>>
      %dma_start3A_83 = arith.constant 0 : i32
      %dma_start3A_84 = arith.constant 0 : i32
      %dma_start3A_85 = tpu.memref_slice %arg8[%dma_start3A_83, %dma_start3A_84] : memref<10112x128xf32, #tpu.memory_space<vmem_shared>> -> memref<10112x128xf32, #tpu.memory_space<vmem_shared>>
      tpu.enqueue_indirect_dma source(%arg9 : memref<80x128xf32, #tpu.memory_space<vmem>>) target(%dma_start3A_85 : memref<10112x128xf32, #tpu.memory_space<vmem_shared>>) offsets(%dma_start3A_82 : memref<80xi32, #tpu.memory_space<vmem>>) semaphore(%arg15 : memref<!tpu.dma_semaphore, #tpu.memory_space<semaphore_mem>>) {add = true}
      %mul3A_86 = arith.constant 3 : i32
      %mul3A_87 = arith.muli %scan3A_62, %mul3A_86 : i32
      %add3A_88 = arith.constant 1 : i32
      %add3A_89 = arith.addi %mul3A_87, %add3A_88 : i32
      %ge3A_90 = arith.constant 2 : i32
      %ge3A_91 = arith.cmpi sge, %add3A_89, %ge3A_90 : i32
      %convert_element_type3A_92 = arith.extui %ge3A_91 : i1 to i32
      %cond3A_93 = arith.constant 0 : i32
      %cond3A_94 = arith.cmpi ne, %convert_element_type3A_92, %cond3A_93 : i32
      scf.if %cond3A_94 {
        %dma_wait3A_140 = arith.constant 0 : i32
        %dma_wait3A_141 = arith.constant 0 : i32
        %dma_wait3A_142 = tpu.memref_slice %arg7[%dma_wait3A_140, %dma_wait3A_141] : memref<63x80xi32, #tpu.memory_space<vmem>> -> memref<1x80xi32, #tpu.memory_space<vmem>>
        %dma_wait3A_143 = tpu.memref_squeeze %dma_wait3A_142 : memref<1x80xi32, #tpu.memory_space<vmem>> -> memref<80xi32, #tpu.memory_space<vmem>>
        %dma_wait3A_144 = arith.constant 0 : i32
        %dma_wait3A_145 = arith.constant 0 : i32
        %dma_wait3A_146 = tpu.memref_slice %arg8[%dma_wait3A_144, %dma_wait3A_145] : memref<10112x128xf32, #tpu.memory_space<vmem_shared>> -> memref<10112x128xf32, #tpu.memory_space<vmem_shared>>
        tpu.wait_indirect_dma semaphore(%arg17 : memref<!tpu.dma_semaphore, #tpu.memory_space<semaphore_mem>>) src(%arg11 : memref<80x128xf32, #tpu.memory_space<vmem>>) dst(%dma_wait3A_146 : memref<10112x128xf32, #tpu.memory_space<vmem_shared>>)
      } else {
      }
      %lt3A_95 = arith.constant 62 : i32
      %lt3A_96 = arith.cmpi slt, %add3A_89, %lt3A_95 : i32
      %convert_element_type3A_97 = arith.extui %lt3A_96 : i1 to i32
      %cond3A_98 = arith.constant 0 : i32
      %cond3A_99 = arith.cmpi ne, %convert_element_type3A_97, %cond3A_98 : i32
      scf.if %cond3A_99 {
        %add3A_140 = arith.constant 1 : i32
        %add3A_141 = arith.addi %add3A_89, %add3A_140 : i32
        %dma_start3A_142 = arith.constant 0 : i32
        %dma_start3A_143 = tpu.memref_slice %arg6[%add3A_141, %dma_start3A_142] : memref<63x80xi32, #tpu.memory_space<vmem>> -> memref<1x80xi32, #tpu.memory_space<vmem>>
        %dma_start3A_144 = tpu.memref_squeeze %dma_start3A_143 : memref<1x80xi32, #tpu.memory_space<vmem>> -> memref<80xi32, #tpu.memory_space<vmem>>
        %dma_start3A_145 = arith.constant 0 : i32
        %dma_start3A_146 = arith.constant 0 : i32
        %dma_start3A_147 = tpu.memref_slice %arg2[%dma_start3A_145, %dma_start3A_146] : memref<10000x128xf32, #tpu.memory_space<hbm>> -> memref<10000x128xf32, #tpu.memory_space<hbm>>
        tpu.enqueue_indirect_dma source(%dma_start3A_147 : memref<10000x128xf32, #tpu.memory_space<hbm>>) target(%arg11 : memref<80x128xf32, #tpu.memory_space<vmem>>) offsets(%dma_start3A_144 : memref<80xi32, #tpu.memory_space<vmem>>) semaphore(%arg14 : memref<!tpu.dma_semaphore, #tpu.memory_space<semaphore_mem>>)
      } else {
      }
      %dma_wait3A_100 = arith.constant 0 : i32
      %dma_wait3A_101 = arith.constant 0 : i32
      %dma_wait3A_102 = tpu.memref_slice %arg6[%dma_wait3A_100, %dma_wait3A_101] : memref<63x80xi32, #tpu.memory_space<vmem>> -> memref<1x80xi32, #tpu.memory_space<vmem>>
      %dma_wait3A_103 = tpu.memref_squeeze %dma_wait3A_102 : memref<1x80xi32, #tpu.memory_space<vmem>> -> memref<80xi32, #tpu.memory_space<vmem>>
      %dma_wait3A_104 = arith.constant 0 : i32
      %dma_wait3A_105 = arith.constant 0 : i32
      %dma_wait3A_106 = tpu.memref_slice %arg2[%dma_wait3A_104, %dma_wait3A_105] : memref<10000x128xf32, #tpu.memory_space<hbm>> -> memref<10000x128xf32, #tpu.memory_space<hbm>>
      tpu.wait_indirect_dma semaphore(%arg13 : memref<!tpu.dma_semaphore, #tpu.memory_space<semaphore_mem>>) src(%dma_wait3A_106 : memref<10000x128xf32, #tpu.memory_space<hbm>>) dst(%arg10 : memref<80x128xf32, #tpu.memory_space<vmem>>)
      %dma_start3A_107 = arith.constant 0 : i32
      %dma_start3A_108 = tpu.memref_slice %arg7[%add3A_89, %dma_start3A_107] : memref<63x80xi32, #tpu.memory_space<vmem>> -> memref<1x80xi32, #tpu.memory_space<vmem>>
      %dma_start3A_109 = tpu.memref_squeeze %dma_start3A_108 : memref<1x80xi32, #tpu.memory_space<vmem>> -> memref<80xi32, #tpu.memory_space<vmem>>
      %dma_start3A_110 = arith.constant 0 : i32
      %dma_start3A_111 = arith.constant 0 : i32
      %dma_start3A_112 = tpu.memref_slice %arg8[%dma_start3A_110, %dma_start3A_111] : memref<10112x128xf32, #tpu.memory_space<vmem_shared>> -> memref<10112x128xf32, #tpu.memory_space<vmem_shared>>
      tpu.enqueue_indirect_dma source(%arg10 : memref<80x128xf32, #tpu.memory_space<vmem>>) target(%dma_start3A_112 : memref<10112x128xf32, #tpu.memory_space<vmem_shared>>) offsets(%dma_start3A_109 : memref<80xi32, #tpu.memory_space<vmem>>) semaphore(%arg16 : memref<!tpu.dma_semaphore, #tpu.memory_space<semaphore_mem>>) {add = true}
      %mul3A_113 = arith.constant 3 : i32
      %mul3A_114 = arith.muli %scan3A_62, %mul3A_113 : i32
      %add3A_115 = arith.constant 2 : i32
      %add3A_116 = arith.addi %mul3A_114, %add3A_115 : i32
      %ge3A_117 = arith.constant 2 : i32
      %ge3A_118 = arith.cmpi sge, %add3A_116, %ge3A_117 : i32
      %convert_element_type3A_119 = arith.extui %ge3A_118 : i1 to i32
      %cond3A_120 = arith.constant 0 : i32
      %cond3A_121 = arith.cmpi ne, %convert_element_type3A_119, %cond3A_120 : i32
      scf.if %cond3A_121 {
        %dma_wait3A_140 = arith.constant 0 : i32
        %dma_wait3A_141 = arith.constant 0 : i32
        %dma_wait3A_142 = tpu.memref_slice %arg7[%dma_wait3A_140, %dma_wait3A_141] : memref<63x80xi32, #tpu.memory_space<vmem>> -> memref<1x80xi32, #tpu.memory_space<vmem>>
        %dma_wait3A_143 = tpu.memref_squeeze %dma_wait3A_142 : memref<1x80xi32, #tpu.memory_space<vmem>> -> memref<80xi32, #tpu.memory_space<vmem>>
        %dma_wait3A_144 = arith.constant 0 : i32
        %dma_wait3A_145 = arith.constant 0 : i32
        %dma_wait3A_146 = tpu.memref_slice %arg8[%dma_wait3A_144, %dma_wait3A_145] : memref<10112x128xf32, #tpu.memory_space<vmem_shared>> -> memref<10112x128xf32, #tpu.memory_space<vmem_shared>>
        tpu.wait_indirect_dma semaphore(%arg15 : memref<!tpu.dma_semaphore, #tpu.memory_space<semaphore_mem>>) src(%arg9 : memref<80x128xf32, #tpu.memory_space<vmem>>) dst(%dma_wait3A_146 : memref<10112x128xf32, #tpu.memory_space<vmem_shared>>)
      } else {
      }
      %lt3A_122 = arith.constant 62 : i32
      %lt3A_123 = arith.cmpi slt, %add3A_116, %lt3A_122 : i32
      %convert_element_type3A_124 = arith.extui %lt3A_123 : i1 to i32
      %cond3A_125 = arith.constant 0 : i32
      %cond3A_126 = arith.cmpi ne, %convert_element_type3A_124, %cond3A_125 : i32
      scf.if %cond3A_126 {
        %add3A_140 = arith.constant 1 : i32
        %add3A_141 = arith.addi %add3A_116, %add3A_140 : i32
        %dma_start3A_142 = arith.constant 0 : i32
        %dma_start3A_143 = tpu.memref_slice %arg6[%add3A_141, %dma_start3A_142] : memref<63x80xi32, #tpu.memory_space<vmem>> -> memref<1x80xi32, #tpu.memory_space<vmem>>
        %dma_start3A_144 = tpu.memref_squeeze %dma_start3A_143 : memref<1x80xi32, #tpu.memory_space<vmem>> -> memref<80xi32, #tpu.memory_space<vmem>>
        %dma_start3A_145 = arith.constant 0 : i32
        %dma_start3A_146 = arith.constant 0 : i32
        %dma_start3A_147 = tpu.memref_slice %arg2[%dma_start3A_145, %dma_start3A_146] : memref<10000x128xf32, #tpu.memory_space<hbm>> -> memref<10000x128xf32, #tpu.memory_space<hbm>>
        tpu.enqueue_indirect_dma source(%dma_start3A_147 : memref<10000x128xf32, #tpu.memory_space<hbm>>) target(%arg9 : memref<80x128xf32, #tpu.memory_space<vmem>>) offsets(%dma_start3A_144 : memref<80xi32, #tpu.memory_space<vmem>>) semaphore(%arg12 : memref<!tpu.dma_semaphore, #tpu.memory_space<semaphore_mem>>)
      } else {
      }
      %dma_wait3A_127 = arith.constant 0 : i32
      %dma_wait3A_128 = arith.constant 0 : i32
      %dma_wait3A_129 = tpu.memref_slice %arg6[%dma_wait3A_127, %dma_wait3A_128] : memref<63x80xi32, #tpu.memory_space<vmem>> -> memref<1x80xi32, #tpu.memory_space<vmem>>
      %dma_wait3A_130 = tpu.memref_squeeze %dma_wait3A_129 : memref<1x80xi32, #tpu.memory_space<vmem>> -> memref<80xi32, #tpu.memory_space<vmem>>
      %dma_wait3A_131 = arith.constant 0 : i32
      %dma_wait3A_132 = arith.constant 0 : i32
      %dma_wait3A_133 = tpu.memref_slice %arg2[%dma_wait3A_131, %dma_wait3A_132] : memref<10000x128xf32, #tpu.memory_space<hbm>> -> memref<10000x128xf32, #tpu.memory_space<hbm>>
      tpu.wait_indirect_dma semaphore(%arg14 : memref<!tpu.dma_semaphore, #tpu.memory_space<semaphore_mem>>) src(%dma_wait3A_133 : memref<10000x128xf32, #tpu.memory_space<hbm>>) dst(%arg11 : memref<80x128xf32, #tpu.memory_space<vmem>>)
      %dma_start3A_134 = arith.constant 0 : i32
      %dma_start3A_135 = tpu.memref_slice %arg7[%add3A_116, %dma_start3A_134] : memref<63x80xi32, #tpu.memory_space<vmem>> -> memref<1x80xi32, #tpu.memory_space<vmem>>
      %dma_start3A_136 = tpu.memref_squeeze %dma_start3A_135 : memref<1x80xi32, #tpu.memory_space<vmem>> -> memref<80xi32, #tpu.memory_space<vmem>>
      %dma_start3A_137 = arith.constant 0 : i32
      %dma_start3A_138 = arith.constant 0 : i32
      %dma_start3A_139 = tpu.memref_slice %arg8[%dma_start3A_137, %dma_start3A_138] : memref<10112x128xf32, #tpu.memory_space<vmem_shared>> -> memref<10112x128xf32, #tpu.memory_space<vmem_shared>>
      tpu.enqueue_indirect_dma source(%arg11 : memref<80x128xf32, #tpu.memory_space<vmem>>) target(%dma_start3A_139 : memref<10112x128xf32, #tpu.memory_space<vmem_shared>>) offsets(%dma_start3A_136 : memref<80xi32, #tpu.memory_space<vmem>>) semaphore(%arg17 : memref<!tpu.dma_semaphore, #tpu.memory_space<semaphore_mem>>) {add = true}
    }
    %scan3A_46 = arith.constant 21 : i32
    %dma_wait3A_47 = arith.constant 0 : i32
    %dma_wait3A_48 = arith.constant 0 : i32
    %dma_wait3A_49 = tpu.memref_slice %arg7[%dma_wait3A_47, %dma_wait3A_48] : memref<63x80xi32, #tpu.memory_space<vmem>> -> memref<1x80xi32, #tpu.memory_space<vmem>>
    %dma_wait3A_50 = tpu.memref_squeeze %dma_wait3A_49 : memref<1x80xi32, #tpu.memory_space<vmem>> -> memref<80xi32, #tpu.memory_space<vmem>>
    %dma_wait3A_51 = arith.constant 0 : i32
    %dma_wait3A_52 = arith.constant 0 : i32
    %dma_wait3A_53 = tpu.memref_slice %arg8[%dma_wait3A_51, %dma_wait3A_52] : memref<10112x128xf32, #tpu.memory_space<vmem_shared>> -> memref<10112x128xf32, #tpu.memory_space<vmem_shared>>
    tpu.wait_indirect_dma semaphore(%arg16 : memref<!tpu.dma_semaphore, #tpu.memory_space<semaphore_mem>>) src(%arg10 : memref<80x128xf32, #tpu.memory_space<vmem>>) dst(%dma_wait3A_53 : memref<10112x128xf32, #tpu.memory_space<vmem_shared>>)
    %dma_wait3A_54 = arith.constant 0 : i32
    %dma_wait3A_55 = arith.constant 0 : i32
    %dma_wait3A_56 = tpu.memref_slice %arg7[%dma_wait3A_54, %dma_wait3A_55] : memref<63x80xi32, #tpu.memory_space<vmem>> -> memref<1x80xi32, #tpu.memory_space<vmem>>
    %dma_wait3A_57 = tpu.memref_squeeze %dma_wait3A_56 : memref<1x80xi32, #tpu.memory_space<vmem>> -> memref<80xi32, #tpu.memory_space<vmem>>
    %dma_wait3A_58 = arith.constant 0 : i32
    %dma_wait3A_59 = arith.constant 0 : i32
    %dma_wait3A_60 = tpu.memref_slice %arg8[%dma_wait3A_58, %dma_wait3A_59] : memref<10112x128xf32, #tpu.memory_space<vmem_shared>> -> memref<10112x128xf32, #tpu.memory_space<vmem_shared>>
    tpu.wait_indirect_dma semaphore(%arg17 : memref<!tpu.dma_semaphore, #tpu.memory_space<semaphore_mem>>) src(%arg11 : memref<80x128xf32, #tpu.memory_space<vmem>>) dst(%dma_wait3A_60 : memref<10112x128xf32, #tpu.memory_space<vmem_shared>>)
    %barrier3A_61 = arith.constant 0 : index
    tpu.barrier barrier_id(%barrier3A_61)
    "tpu.region"() ({
      %run_scoped3A_62 = tpu.sem_alloc : memref<!tpu.dma_semaphore, #tpu.memory_space<semaphore_mem>>
      %dma_start3A_63 = arith.constant 0 : i32
      %dma_start3A_64 = tpu.memref_slice %arg5[%arg0, %mul3A_2, %dma_start3A_63] : memref<2x10112x128xf32, #tpu.memory_space<hbm>> -> memref<1x632x128xf32, #tpu.memory_space<hbm>>
      %dma_start3A_65 = tpu.memref_squeeze %dma_start3A_64 : memref<1x632x128xf32, #tpu.memory_space<hbm>> -> memref<632x128xf32, #tpu.memory_space<hbm>>
      %dma_start3A_66 = arith.constant 0 : i32
      %dma_start3A_67 = tpu.memref_slice %arg8[%mul3A_2, %dma_start3A_66] : memref<10112x128xf32, #tpu.memory_space<vmem_shared>> -> memref<632x128xf32, #tpu.memory_space<vmem_shared>>
      tpu.enqueue_dma source(%dma_start3A_67 : memref<632x128xf32, #tpu.memory_space<vmem_shared>>) target(%dma_start3A_65 : memref<632x128xf32, #tpu.memory_space<hbm>>) target_semaphore(%run_scoped3A_62 : memref<!tpu.dma_semaphore, #tpu.memory_space<semaphore_mem>>)
      %dma_wait3A_68 = arith.constant 0 : i32
      %dma_wait3A_69 = tpu.memref_slice %arg5[%arg0, %mul3A_2, %dma_wait3A_68] : memref<2x10112x128xf32, #tpu.memory_space<hbm>> -> memref<1x632x128xf32, #tpu.memory_space<hbm>>
      %dma_wait3A_70 = tpu.memref_squeeze %dma_wait3A_69 : memref<1x632x128xf32, #tpu.memory_space<hbm>> -> memref<632x128xf32, #tpu.memory_space<hbm>>
      %dma_wait3A_71 = arith.constant 0 : i32
      %dma_wait3A_72 = tpu.memref_slice %arg8[%mul3A_2, %dma_wait3A_71] : memref<10112x128xf32, #tpu.memory_space<vmem_shared>> -> memref<632x128xf32, #tpu.memory_space<vmem_shared>>
      tpu.wait_dma2 semaphore(%run_scoped3A_62 : memref<!tpu.dma_semaphore, #tpu.memory_space<semaphore_mem>>) src(%dma_wait3A_72 : memref<632x128xf32, #tpu.memory_space<vmem_shared>>) dst(%dma_wait3A_70 : memref<632x128xf32, #tpu.memory_space<hbm>>)
      tpu.yield
    }) : () -> ()
    return
  }
}

#map = affine_map<(d0, d1) -> (0, 0)>
#map1 = affine_map<(d0, d1) -> (0, 0, 0, 0, 0)>
#map2 = affine_map<(d0, d1) -> (0, 0, 0)>
module attributes {stable_mosaic.version = 14 : i64} {
  func.func @_spmm_sc_body(%arg0: i32, %arg1: i32, %arg2: memref<10000x128xf32, #tpu.memory_space<hbm>>, %arg3: memref<2x32x2x63x80xi32, #tpu.memory_space<hbm>>, %arg4: memref<632x128xf32, #tpu.memory_space<hbm>>, %arg5: memref<2x10112x128xf32, #tpu.memory_space<hbm>>, %arg6: memref<63x80xi32, #tpu.memory_space<vmem>>, %arg7: memref<63x80xi32, #tpu.memory_space<vmem>>, %arg8: memref<10112x128xf32, #tpu.memory_space<vmem_shared>>, %arg9: memref<80x128xf32, #tpu.memory_space<vmem>>, %arg10: memref<80x128xf32, #tpu.memory_space<vmem>>, %arg11: memref<80x128xf32, #tpu.memory_space<vmem>>, %arg12: memref<!tpu.dma_semaphore, #tpu.memory_space<semaphore_mem>>, %arg13: memref<!tpu.dma_semaphore, #tpu.memory_space<semaphore_mem>>, %arg14: memref<!tpu.dma_semaphore, #tpu.memory_space<semaphore_mem>>, %arg15: memref<!tpu.dma_semaphore, #tpu.memory_space<semaphore_mem>>, %arg16: memref<!tpu.dma_semaphore, #tpu.memory_space<semaphore_mem>>, %arg17: memref<!tpu.dma_semaphore, #tpu.memory_space<semaphore_mem>>) attributes {dimension_semantics = [#tpu.dimension_semantics<core_parallel>, #tpu.dimension_semantics<subcore_parallel>], iteration_bounds = array<i64: 2, 16>, scalar_prefetch = 0 : i64, scratch_operands = 12 : i64, tpu.core_type = #tpu.core_type<sc_vector_subcore>, window_params = [{transform_indices = #map}, {transform_indices = #map1}, {transform_indices = #map}, {transform_indices = #map2}]} {
    %mul3A = arith.constant 16 : i32
    %mul3A_0 = arith.muli %arg0, %mul3A : i32
    %add3A = arith.addi %mul3A_0, %arg1 : i32
    %mul3A_1 = arith.constant 632 : i32
    %mul3A_2 = arith.muli %arg1, %mul3A_1 : i32
    "tpu.region"() ({
      %run_scoped3A_62 = tpu.sem_alloc : memref<!tpu.dma_semaphore, #tpu.memory_space<semaphore_mem>>
      %dma_start3A_63 = arith.constant 0 : i32
      %dma_start3A_64 = tpu.memref_slice %arg8[%mul3A_2, %dma_start3A_63] : memref<10112x128xf32, #tpu.memory_space<vmem_shared>> -> memref<632x128xf32, #tpu.memory_space<vmem_shared>>
      tpu.enqueue_dma source(%arg4 : memref<632x128xf32, #tpu.memory_space<hbm>>) target(%dma_start3A_64 : memref<632x128xf32, #tpu.memory_space<vmem_shared>>) target_semaphore(%run_scoped3A_62 : memref<!tpu.dma_semaphore, #tpu.memory_space<semaphore_mem>>)
      %dma_wait3A_65 = arith.constant 0 : i32
      %dma_wait3A_66 = tpu.memref_slice %arg8[%mul3A_2, %dma_wait3A_65] : memref<10112x128xf32, #tpu.memory_space<vmem_shared>> -> memref<632x128xf32, #tpu.memory_space<vmem_shared>>
      tpu.wait_dma2 semaphore(%run_scoped3A_62 : memref<!tpu.dma_semaphore, #tpu.memory_space<semaphore_mem>>) src(%arg4 : memref<632x128xf32, #tpu.memory_space<hbm>>) dst(%dma_wait3A_66 : memref<632x128xf32, #tpu.memory_space<vmem_shared>>)
      tpu.yield
    }) : () -> ()
    %barrier3A = arith.constant 0 : index
    tpu.barrier barrier_id(%barrier3A)
    %run_scoped3A = arith.constant 0 : i32
    %run_scoped3A_3 = arith.constant 0 : i32
    "tpu.region"() ({
      %run_scoped3A_62 = tpu.sem_alloc : memref<!tpu.dma_semaphore, #tpu.memory_space<semaphore_mem>>
      %dma_start3A_63 = arith.constant 0 : i32
      %dma_start3A_64 = arith.constant 0 : i32
      %dma_start3A_65 = tpu.memref_slice %arg3[%run_scoped3A, %add3A, %run_scoped3A_3, %dma_start3A_63, %dma_start3A_64] : memref<2x32x2x63x80xi32, #tpu.memory_space<hbm>> -> memref<1x1x1x63x80xi32, #tpu.memory_space<hbm>>
      %dma_start3A_66 = tpu.memref_squeeze %dma_start3A_65 : memref<1x1x1x63x80xi32, #tpu.memory_space<hbm>> -> memref<63x80xi32, #tpu.memory_space<hbm>>
      %dma_start3A_67 = arith.constant 0 : i32
      %dma_start3A_68 = arith.constant 0 : i32
      %dma_start3A_69 = tpu.memref_slice %arg3[%run_scoped3A, %add3A, %run_scoped3A_3, %dma_start3A_67, %dma_start3A_68] : memref<2x32x2x63x80xi32, #tpu.memory_space<hbm>> -> memref<1x1x1x63x80xi32, #tpu.memory_space<hbm>>
      %dma_start3A_70 = tpu.memref_squeeze %dma_start3A_69 : memref<1x1x1x63x80xi32, #tpu.memory_space<hbm>> -> memref<63x80xi32, #tpu.memory_space<hbm>>
      tpu.enqueue_dma source(%dma_start3A_70 : memref<63x80xi32, #tpu.memory_space<hbm>>) target(%arg6 : memref<63x80xi32, #tpu.memory_space<vmem>>) target_semaphore(%run_scoped3A_62 : memref<!tpu.dma_semaphore, #tpu.memory_space<semaphore_mem>>)
      %dma_wait3A_71 = arith.constant 0 : i32
      %dma_wait3A_72 = arith.constant 0 : i32
      %dma_wait3A_73 = tpu.memref_slice %arg3[%run_scoped3A, %add3A, %run_scoped3A_3, %dma_wait3A_71, %dma_wait3A_72] : memref<2x32x2x63x80xi32, #tpu.memory_space<hbm>> -> memref<1x1x1x63x80xi32, #tpu.memory_space<hbm>>
      %dma_wait3A_74 = tpu.memref_squeeze %dma_wait3A_73 : memref<1x1x1x63x80xi32, #tpu.memory_space<hbm>> -> memref<63x80xi32, #tpu.memory_space<hbm>>
      %dma_wait3A_75 = arith.constant 0 : i32
      %dma_wait3A_76 = arith.constant 0 : i32
      %dma_wait3A_77 = tpu.memref_slice %arg3[%run_scoped3A, %add3A, %run_scoped3A_3, %dma_wait3A_75, %dma_wait3A_76] : memref<2x32x2x63x80xi32, #tpu.memory_space<hbm>> -> memref<1x1x1x63x80xi32, #tpu.memory_space<hbm>>
      %dma_wait3A_78 = tpu.memref_squeeze %dma_wait3A_77 : memref<1x1x1x63x80xi32, #tpu.memory_space<hbm>> -> memref<63x80xi32, #tpu.memory_space<hbm>>
      tpu.wait_dma2 semaphore(%run_scoped3A_62 : memref<!tpu.dma_semaphore, #tpu.memory_space<semaphore_mem>>) src(%dma_wait3A_78 : memref<63x80xi32, #tpu.memory_space<hbm>>) dst(%arg6 : memref<63x80xi32, #tpu.memory_space<vmem>>)
      tpu.yield
    }) : () -> ()
    %run_scoped3A_4 = arith.constant 1 : i32
    %run_scoped3A_5 = arith.constant 0 : i32
    "tpu.region"() ({
      %run_scoped3A_62 = tpu.sem_alloc : memref<!tpu.dma_semaphore, #tpu.memory_space<semaphore_mem>>
      %dma_start3A_63 = arith.constant 0 : i32
      %dma_start3A_64 = arith.constant 0 : i32
      %dma_start3A_65 = tpu.memref_slice %arg3[%run_scoped3A_4, %add3A, %run_scoped3A_5, %dma_start3A_63, %dma_start3A_64] : memref<2x32x2x63x80xi32, #tpu.memory_space<hbm>> -> memref<1x1x1x63x80xi32, #tpu.memory_space<hbm>>
      %dma_start3A_66 = tpu.memref_squeeze %dma_start3A_65 : memref<1x1x1x63x80xi32, #tpu.memory_space<hbm>> -> memref<63x80xi32, #tpu.memory_space<hbm>>
      %dma_start3A_67 = arith.constant 0 : i32
      %dma_start3A_68 = arith.constant 0 : i32
      %dma_start3A_69 = tpu.memref_slice %arg3[%run_scoped3A_4, %add3A, %run_scoped3A_5, %dma_start3A_67, %dma_start3A_68] : memref<2x32x2x63x80xi32, #tpu.memory_space<hbm>> -> memref<1x1x1x63x80xi32, #tpu.memory_space<hbm>>
      %dma_start3A_70 = tpu.memref_squeeze %dma_start3A_69 : memref<1x1x1x63x80xi32, #tpu.memory_space<hbm>> -> memref<63x80xi32, #tpu.memory_space<hbm>>
      tpu.enqueue_dma source(%dma_start3A_70 : memref<63x80xi32, #tpu.memory_space<hbm>>) target(%arg7 : memref<63x80xi32, #tpu.memory_space<vmem>>) target_semaphore(%run_scoped3A_62 : memref<!tpu.dma_semaphore, #tpu.memory_space<semaphore_mem>>)
      %dma_wait3A_71 = arith.constant 0 : i32
      %dma_wait3A_72 = arith.constant 0 : i32
      %dma_wait3A_73 = tpu.memref_slice %arg3[%run_scoped3A_4, %add3A, %run_scoped3A_5, %dma_wait3A_71, %dma_wait3A_72] : memref<2x32x2x63x80xi32, #tpu.memory_space<hbm>> -> memref<1x1x1x63x80xi32, #tpu.memory_space<hbm>>
      %dma_wait3A_74 = tpu.memref_squeeze %dma_wait3A_73 : memref<1x1x1x63x80xi32, #tpu.memory_space<hbm>> -> memref<63x80xi32, #tpu.memory_space<hbm>>
      %dma_wait3A_75 = arith.constant 0 : i32
      %dma_wait3A_76 = arith.constant 0 : i32
      %dma_wait3A_77 = tpu.memref_slice %arg3[%run_scoped3A_4, %add3A, %run_scoped3A_5, %dma_wait3A_75, %dma_wait3A_76] : memref<2x32x2x63x80xi32, #tpu.memory_space<hbm>> -> memref<1x1x1x63x80xi32, #tpu.memory_space<hbm>>
      %dma_wait3A_78 = tpu.memref_squeeze %dma_wait3A_77 : memref<1x1x1x63x80xi32, #tpu.memory_space<hbm>> -> memref<63x80xi32, #tpu.memory_space<hbm>>
      tpu.wait_dma2 semaphore(%run_scoped3A_62 : memref<!tpu.dma_semaphore, #tpu.memory_space<semaphore_mem>>) src(%dma_wait3A_78 : memref<63x80xi32, #tpu.memory_space<hbm>>) dst(%arg7 : memref<63x80xi32, #tpu.memory_space<vmem>>)
      tpu.yield
    }) : () -> ()
    %dma_start3A = arith.constant 0 : i32
    %dma_start3A_6 = arith.constant 0 : i32
    %dma_start3A_7 = tpu.memref_slice %arg6[%dma_start3A, %dma_start3A_6] : memref<63x80xi32, #tpu.memory_space<vmem>> -> memref<1x80xi32, #tpu.memory_space<vmem>>
    %dma_start3A_8 = tpu.memref_squeeze %dma_start3A_7 : memref<1x80xi32, #tpu.memory_space<vmem>> -> memref<80xi32, #tpu.memory_space<vmem>>
    %dma_start3A_9 = arith.constant 0 : i32
    %dma_start3A_10 = arith.constant 0 : i32
    %dma_start3A_11 = tpu.memref_slice %arg2[%dma_start3A_9, %dma_start3A_10] : memref<10000x128xf32, #tpu.memory_space<hbm>> -> memref<10000x128xf32, #tpu.memory_space<hbm>>
    tpu.enqueue_indirect_dma source(%dma_start3A_11 : memref<10000x128xf32, #tpu.memory_space<hbm>>) target(%arg9 : memref<80x128xf32, #tpu.memory_space<vmem>>) offsets(%dma_start3A_8 : memref<80xi32, #tpu.memory_space<vmem>>) semaphore(%arg12 : memref<!tpu.dma_semaphore, #tpu.memory_space<semaphore_mem>>)
    %scan3A = arith.constant 0 : i32
    %scan3A_12 = arith.constant 0 : i32
    %scan3A_13 = arith.constant 21 : i32
    %scan3A_14 = arith.addi %scan3A_12, %scan3A_13 : i32
    %scan3A_15 = arith.constant 1 : i32
    scf.for %scan3A_62 = %scan3A_12 to %scan3A_14 step %scan3A_15  : i32 {
      %mul3A_63 = arith.constant 3 : i32
      %mul3A_64 = arith.muli %scan3A_62, %mul3A_63 : i32
      %add3A_65 = arith.constant 0 : i32
      %add3A_66 = arith.addi %mul3A_64, %add3A_65 : i32
      %ge3A = arith.constant 2 : i32
      %ge3A_67 = arith.cmpi sge, %add3A_66, %ge3A : i32
      %convert_element_type3A = arith.extui %ge3A_67 : i1 to i32
      %cond3A = arith.constant 0 : i32
      %cond3A_68 = arith.cmpi ne, %convert_element_type3A, %cond3A : i32
      scf.if %cond3A_68 {
        %dma_wait3A_140 = arith.constant 0 : i32
        %dma_wait3A_141 = arith.constant 0 : i32
        %dma_wait3A_142 = tpu.memref_slice %arg7[%dma_wait3A_140, %dma_wait3A_141] : memref<63x80xi32, #tpu.memory_space<vmem>> -> memref<1x80xi32, #tpu.memory_space<vmem>>
        %dma_wait3A_143 = tpu.memref_squeeze %dma_wait3A_142 : memref<1x80xi32, #tpu.memory_space<vmem>> -> memref<80xi32, #tpu.memory_space<vmem>>
        %dma_wait3A_144 = arith.constant 0 : i32
        %dma_wait3A_145 = arith.constant 0 : i32
        %dma_wait3A_146 = tpu.memref_slice %arg8[%dma_wait3A_144, %dma_wait3A_145] : memref<10112x128xf32, #tpu.memory_space<vmem_shared>> -> memref<10112x128xf32, #tpu.memory_space<vmem_shared>>
        tpu.wait_indirect_dma semaphore(%arg16 : memref<!tpu.dma_semaphore, #tpu.memory_space<semaphore_mem>>) src(%arg10 : memref<80x128xf32, #tpu.memory_space<vmem>>) dst(%dma_wait3A_146 : memref<10112x128xf32, #tpu.memory_space<vmem_shared>>)
      } else {
      }
      %lt3A = arith.constant 62 : i32
      %lt3A_69 = arith.cmpi slt, %add3A_66, %lt3A : i32
      %convert_element_type3A_70 = arith.extui %lt3A_69 : i1 to i32
      %cond3A_71 = arith.constant 0 : i32
      %cond3A_72 = arith.cmpi ne, %convert_element_type3A_70, %cond3A_71 : i32
      scf.if %cond3A_72 {
        %add3A_140 = arith.constant 1 : i32
        %add3A_141 = arith.addi %add3A_66, %add3A_140 : i32
        %dma_start3A_142 = arith.constant 0 : i32
        %dma_start3A_143 = tpu.memref_slice %arg6[%add3A_141, %dma_start3A_142] : memref<63x80xi32, #tpu.memory_space<vmem>> -> memref<1x80xi32, #tpu.memory_space<vmem>>
        %dma_start3A_144 = tpu.memref_squeeze %dma_start3A_143 : memref<1x80xi32, #tpu.memory_space<vmem>> -> memref<80xi32, #tpu.memory_space<vmem>>
        %dma_start3A_145 = arith.constant 0 : i32
        %dma_start3A_146 = arith.constant 0 : i32
        %dma_start3A_147 = tpu.memref_slice %arg2[%dma_start3A_145, %dma_start3A_146] : memref<10000x128xf32, #tpu.memory_space<hbm>> -> memref<10000x128xf32, #tpu.memory_space<hbm>>
        tpu.enqueue_indirect_dma source(%dma_start3A_147 : memref<10000x128xf32, #tpu.memory_space<hbm>>) target(%arg10 : memref<80x128xf32, #tpu.memory_space<vmem>>) offsets(%dma_start3A_144 : memref<80xi32, #tpu.memory_space<vmem>>) semaphore(%arg13 : memref<!tpu.dma_semaphore, #tpu.memory_space<semaphore_mem>>)
      } else {
      }
      %dma_wait3A_73 = arith.constant 0 : i32
      %dma_wait3A_74 = arith.constant 0 : i32
      %dma_wait3A_75 = tpu.memref_slice %arg6[%dma_wait3A_73, %dma_wait3A_74] : memref<63x80xi32, #tpu.memory_space<vmem>> -> memref<1x80xi32, #tpu.memory_space<vmem>>
      %dma_wait3A_76 = tpu.memref_squeeze %dma_wait3A_75 : memref<1x80xi32, #tpu.memory_space<vmem>> -> memref<80xi32, #tpu.memory_space<vmem>>
      %dma_wait3A_77 = arith.constant 0 : i32
      %dma_wait3A_78 = arith.constant 0 : i32
      %dma_wait3A_79 = tpu.memref_slice %arg2[%dma_wait3A_77, %dma_wait3A_78] : memref<10000x128xf32, #tpu.memory_space<hbm>> -> memref<10000x128xf32, #tpu.memory_space<hbm>>
      tpu.wait_indirect_dma semaphore(%arg12 : memref<!tpu.dma_semaphore, #tpu.memory_space<semaphore_mem>>) src(%dma_wait3A_79 : memref<10000x128xf32, #tpu.memory_space<hbm>>) dst(%arg9 : memref<80x128xf32, #tpu.memory_space<vmem>>)
      %dma_start3A_80 = arith.constant 0 : i32
      %dma_start3A_81 = tpu.memref_slice %arg7[%add3A_66, %dma_start3A_80] : memref<63x80xi32, #tpu.memory_space<vmem>> -> memref<1x80xi32, #tpu.memory_space<vmem>>
      %dma_start3A_82 = tpu.memref_squeeze %dma_start3A_81 : memref<1x80xi32, #tpu.memory_space<vmem>> -> memref<80xi32, #tpu.memory_space<vmem>>
      %dma_start3A_83 = arith.constant 0 : i32
      %dma_start3A_84 = arith.constant 0 : i32
      %dma_start3A_85 = tpu.memref_slice %arg8[%dma_start3A_83, %dma_start3A_84] : memref<10112x128xf32, #tpu.memory_space<vmem_shared>> -> memref<10112x128xf32, #tpu.memory_space<vmem_shared>>
      tpu.enqueue_indirect_dma source(%arg9 : memref<80x128xf32, #tpu.memory_space<vmem>>) target(%dma_start3A_85 : memref<10112x128xf32, #tpu.memory_space<vmem_shared>>) offsets(%dma_start3A_82 : memref<80xi32, #tpu.memory_space<vmem>>) semaphore(%arg15 : memref<!tpu.dma_semaphore, #tpu.memory_space<semaphore_mem>>) {add = true}
      %mul3A_86 = arith.constant 3 : i32
      %mul3A_87 = arith.muli %scan3A_62, %mul3A_86 : i32
      %add3A_88 = arith.constant 1 : i32
      %add3A_89 = arith.addi %mul3A_87, %add3A_88 : i32
      %ge3A_90 = arith.constant 2 : i32
      %ge3A_91 = arith.cmpi sge, %add3A_89, %ge3A_90 : i32
      %convert_element_type3A_92 = arith.extui %ge3A_91 : i1 to i32
      %cond3A_93 = arith.constant 0 : i32
      %cond3A_94 = arith.cmpi ne, %convert_element_type3A_92, %cond3A_93 : i32
      scf.if %cond3A_94 {
        %dma_wait3A_140 = arith.constant 0 : i32
        %dma_wait3A_141 = arith.constant 0 : i32
        %dma_wait3A_142 = tpu.memref_slice %arg7[%dma_wait3A_140, %dma_wait3A_141] : memref<63x80xi32, #tpu.memory_space<vmem>> -> memref<1x80xi32, #tpu.memory_space<vmem>>
        %dma_wait3A_143 = tpu.memref_squeeze %dma_wait3A_142 : memref<1x80xi32, #tpu.memory_space<vmem>> -> memref<80xi32, #tpu.memory_space<vmem>>
        %dma_wait3A_144 = arith.constant 0 : i32
        %dma_wait3A_145 = arith.constant 0 : i32
        %dma_wait3A_146 = tpu.memref_slice %arg8[%dma_wait3A_144, %dma_wait3A_145] : memref<10112x128xf32, #tpu.memory_space<vmem_shared>> -> memref<10112x128xf32, #tpu.memory_space<vmem_shared>>
        tpu.wait_indirect_dma semaphore(%arg17 : memref<!tpu.dma_semaphore, #tpu.memory_space<semaphore_mem>>) src(%arg11 : memref<80x128xf32, #tpu.memory_space<vmem>>) dst(%dma_wait3A_146 : memref<10112x128xf32, #tpu.memory_space<vmem_shared>>)
      } else {
      }
      %lt3A_95 = arith.constant 62 : i32
      %lt3A_96 = arith.cmpi slt, %add3A_89, %lt3A_95 : i32
      %convert_element_type3A_97 = arith.extui %lt3A_96 : i1 to i32
      %cond3A_98 = arith.constant 0 : i32
      %cond3A_99 = arith.cmpi ne, %convert_element_type3A_97, %cond3A_98 : i32
      scf.if %cond3A_99 {
        %add3A_140 = arith.constant 1 : i32
        %add3A_141 = arith.addi %add3A_89, %add3A_140 : i32
        %dma_start3A_142 = arith.constant 0 : i32
        %dma_start3A_143 = tpu.memref_slice %arg6[%add3A_141, %dma_start3A_142] : memref<63x80xi32, #tpu.memory_space<vmem>> -> memref<1x80xi32, #tpu.memory_space<vmem>>
        %dma_start3A_144 = tpu.memref_squeeze %dma_start3A_143 : memref<1x80xi32, #tpu.memory_space<vmem>> -> memref<80xi32, #tpu.memory_space<vmem>>
        %dma_start3A_145 = arith.constant 0 : i32
        %dma_start3A_146 = arith.constant 0 : i32
        %dma_start3A_147 = tpu.memref_slice %arg2[%dma_start3A_145, %dma_start3A_146] : memref<10000x128xf32, #tpu.memory_space<hbm>> -> memref<10000x128xf32, #tpu.memory_space<hbm>>
        tpu.enqueue_indirect_dma source(%dma_start3A_147 : memref<10000x128xf32, #tpu.memory_space<hbm>>) target(%arg11 : memref<80x128xf32, #tpu.memory_space<vmem>>) offsets(%dma_start3A_144 : memref<80xi32, #tpu.memory_space<vmem>>) semaphore(%arg14 : memref<!tpu.dma_semaphore, #tpu.memory_space<semaphore_mem>>)
      } else {
      }
      %dma_wait3A_100 = arith.constant 0 : i32
      %dma_wait3A_101 = arith.constant 0 : i32
      %dma_wait3A_102 = tpu.memref_slice %arg6[%dma_wait3A_100, %dma_wait3A_101] : memref<63x80xi32, #tpu.memory_space<vmem>> -> memref<1x80xi32, #tpu.memory_space<vmem>>
      %dma_wait3A_103 = tpu.memref_squeeze %dma_wait3A_102 : memref<1x80xi32, #tpu.memory_space<vmem>> -> memref<80xi32, #tpu.memory_space<vmem>>
      %dma_wait3A_104 = arith.constant 0 : i32
      %dma_wait3A_105 = arith.constant 0 : i32
      %dma_wait3A_106 = tpu.memref_slice %arg2[%dma_wait3A_104, %dma_wait3A_105] : memref<10000x128xf32, #tpu.memory_space<hbm>> -> memref<10000x128xf32, #tpu.memory_space<hbm>>
      tpu.wait_indirect_dma semaphore(%arg13 : memref<!tpu.dma_semaphore, #tpu.memory_space<semaphore_mem>>) src(%dma_wait3A_106 : memref<10000x128xf32, #tpu.memory_space<hbm>>) dst(%arg10 : memref<80x128xf32, #tpu.memory_space<vmem>>)
      %dma_start3A_107 = arith.constant 0 : i32
      %dma_start3A_108 = tpu.memref_slice %arg7[%add3A_89, %dma_start3A_107] : memref<63x80xi32, #tpu.memory_space<vmem>> -> memref<1x80xi32, #tpu.memory_space<vmem>>
      %dma_start3A_109 = tpu.memref_squeeze %dma_start3A_108 : memref<1x80xi32, #tpu.memory_space<vmem>> -> memref<80xi32, #tpu.memory_space<vmem>>
      %dma_start3A_110 = arith.constant 0 : i32
      %dma_start3A_111 = arith.constant 0 : i32
      %dma_start3A_112 = tpu.memref_slice %arg8[%dma_start3A_110, %dma_start3A_111] : memref<10112x128xf32, #tpu.memory_space<vmem_shared>> -> memref<10112x128xf32, #tpu.memory_space<vmem_shared>>
      tpu.enqueue_indirect_dma source(%arg10 : memref<80x128xf32, #tpu.memory_space<vmem>>) target(%dma_start3A_112 : memref<10112x128xf32, #tpu.memory_space<vmem_shared>>) offsets(%dma_start3A_109 : memref<80xi32, #tpu.memory_space<vmem>>) semaphore(%arg16 : memref<!tpu.dma_semaphore, #tpu.memory_space<semaphore_mem>>) {add = true}
      %mul3A_113 = arith.constant 3 : i32
      %mul3A_114 = arith.muli %scan3A_62, %mul3A_113 : i32
      %add3A_115 = arith.constant 2 : i32
      %add3A_116 = arith.addi %mul3A_114, %add3A_115 : i32
      %ge3A_117 = arith.constant 2 : i32
      %ge3A_118 = arith.cmpi sge, %add3A_116, %ge3A_117 : i32
      %convert_element_type3A_119 = arith.extui %ge3A_118 : i1 to i32
      %cond3A_120 = arith.constant 0 : i32
      %cond3A_121 = arith.cmpi ne, %convert_element_type3A_119, %cond3A_120 : i32
      scf.if %cond3A_121 {
        %dma_wait3A_140 = arith.constant 0 : i32
        %dma_wait3A_141 = arith.constant 0 : i32
        %dma_wait3A_142 = tpu.memref_slice %arg7[%dma_wait3A_140, %dma_wait3A_141] : memref<63x80xi32, #tpu.memory_space<vmem>> -> memref<1x80xi32, #tpu.memory_space<vmem>>
        %dma_wait3A_143 = tpu.memref_squeeze %dma_wait3A_142 : memref<1x80xi32, #tpu.memory_space<vmem>> -> memref<80xi32, #tpu.memory_space<vmem>>
        %dma_wait3A_144 = arith.constant 0 : i32
        %dma_wait3A_145 = arith.constant 0 : i32
        %dma_wait3A_146 = tpu.memref_slice %arg8[%dma_wait3A_144, %dma_wait3A_145] : memref<10112x128xf32, #tpu.memory_space<vmem_shared>> -> memref<10112x128xf32, #tpu.memory_space<vmem_shared>>
        tpu.wait_indirect_dma semaphore(%arg15 : memref<!tpu.dma_semaphore, #tpu.memory_space<semaphore_mem>>) src(%arg9 : memref<80x128xf32, #tpu.memory_space<vmem>>) dst(%dma_wait3A_146 : memref<10112x128xf32, #tpu.memory_space<vmem_shared>>)
      } else {
      }
      %lt3A_122 = arith.constant 62 : i32
      %lt3A_123 = arith.cmpi slt, %add3A_116, %lt3A_122 : i32
      %convert_element_type3A_124 = arith.extui %lt3A_123 : i1 to i32
      %cond3A_125 = arith.constant 0 : i32
      %cond3A_126 = arith.cmpi ne, %convert_element_type3A_124, %cond3A_125 : i32
      scf.if %cond3A_126 {
        %add3A_140 = arith.constant 1 : i32
        %add3A_141 = arith.addi %add3A_116, %add3A_140 : i32
        %dma_start3A_142 = arith.constant 0 : i32
        %dma_start3A_143 = tpu.memref_slice %arg6[%add3A_141, %dma_start3A_142] : memref<63x80xi32, #tpu.memory_space<vmem>> -> memref<1x80xi32, #tpu.memory_space<vmem>>
        %dma_start3A_144 = tpu.memref_squeeze %dma_start3A_143 : memref<1x80xi32, #tpu.memory_space<vmem>> -> memref<80xi32, #tpu.memory_space<vmem>>
        %dma_start3A_145 = arith.constant 0 : i32
        %dma_start3A_146 = arith.constant 0 : i32
        %dma_start3A_147 = tpu.memref_slice %arg2[%dma_start3A_145, %dma_start3A_146] : memref<10000x128xf32, #tpu.memory_space<hbm>> -> memref<10000x128xf32, #tpu.memory_space<hbm>>
        tpu.enqueue_indirect_dma source(%dma_start3A_147 : memref<10000x128xf32, #tpu.memory_space<hbm>>) target(%arg9 : memref<80x128xf32, #tpu.memory_space<vmem>>) offsets(%dma_start3A_144 : memref<80xi32, #tpu.memory_space<vmem>>) semaphore(%arg12 : memref<!tpu.dma_semaphore, #tpu.memory_space<semaphore_mem>>)
      } else {
      }
      %dma_wait3A_127 = arith.constant 0 : i32
      %dma_wait3A_128 = arith.constant 0 : i32
      %dma_wait3A_129 = tpu.memref_slice %arg6[%dma_wait3A_127, %dma_wait3A_128] : memref<63x80xi32, #tpu.memory_space<vmem>> -> memref<1x80xi32, #tpu.memory_space<vmem>>
      %dma_wait3A_130 = tpu.memref_squeeze %dma_wait3A_129 : memref<1x80xi32, #tpu.memory_space<vmem>> -> memref<80xi32, #tpu.memory_space<vmem>>
      %dma_wait3A_131 = arith.constant 0 : i32
      %dma_wait3A_132 = arith.constant 0 : i32
      %dma_wait3A_133 = tpu.memref_slice %arg2[%dma_wait3A_131, %dma_wait3A_132] : memref<10000x128xf32, #tpu.memory_space<hbm>> -> memref<10000x128xf32, #tpu.memory_space<hbm>>
      tpu.wait_indirect_dma semaphore(%arg14 : memref<!tpu.dma_semaphore, #tpu.memory_space<semaphore_mem>>) src(%dma_wait3A_133 : memref<10000x128xf32, #tpu.memory_space<hbm>>) dst(%arg11 : memref<80x128xf32, #tpu.memory_space<vmem>>)
      %dma_start3A_134 = arith.constant 0 : i32
      %dma_start3A_135 = tpu.memref_slice %arg7[%add3A_116, %dma_start3A_134] : memref<63x80xi32, #tpu.memory_space<vmem>> -> memref<1x80xi32, #tpu.memory_space<vmem>>
      %dma_start3A_136 = tpu.memref_squeeze %dma_start3A_135 : memref<1x80xi32, #tpu.memory_space<vmem>> -> memref<80xi32, #tpu.memory_space<vmem>>
      %dma_start3A_137 = arith.constant 0 : i32
      %dma_start3A_138 = arith.constant 0 : i32
      %dma_start3A_139 = tpu.memref_slice %arg8[%dma_start3A_137, %dma_start3A_138] : memref<10112x128xf32, #tpu.memory_space<vmem_shared>> -> memref<10112x128xf32, #tpu.memory_space<vmem_shared>>
      tpu.enqueue_indirect_dma source(%arg11 : memref<80x128xf32, #tpu.memory_space<vmem>>) target(%dma_start3A_139 : memref<10112x128xf32, #tpu.memory_space<vmem_shared>>) offsets(%dma_start3A_136 : memref<80xi32, #tpu.memory_space<vmem>>) semaphore(%arg17 : memref<!tpu.dma_semaphore, #tpu.memory_space<semaphore_mem>>) {add = true}
    }
    %scan3A_16 = arith.constant 21 : i32
    %dma_wait3A = arith.constant 0 : i32
    %dma_wait3A_17 = arith.constant 0 : i32
    %dma_wait3A_18 = tpu.memref_slice %arg7[%dma_wait3A, %dma_wait3A_17] : memref<63x80xi32, #tpu.memory_space<vmem>> -> memref<1x80xi32, #tpu.memory_space<vmem>>
    %dma_wait3A_19 = tpu.memref_squeeze %dma_wait3A_18 : memref<1x80xi32, #tpu.memory_space<vmem>> -> memref<80xi32, #tpu.memory_space<vmem>>
    %dma_wait3A_20 = arith.constant 0 : i32
    %dma_wait3A_21 = arith.constant 0 : i32
    %dma_wait3A_22 = tpu.memref_slice %arg8[%dma_wait3A_20, %dma_wait3A_21] : memref<10112x128xf32, #tpu.memory_space<vmem_shared>> -> memref<10112x128xf32, #tpu.memory_space<vmem_shared>>
    tpu.wait_indirect_dma semaphore(%arg16 : memref<!tpu.dma_semaphore, #tpu.memory_space<semaphore_mem>>) src(%arg10 : memref<80x128xf32, #tpu.memory_space<vmem>>) dst(%dma_wait3A_22 : memref<10112x128xf32, #tpu.memory_space<vmem_shared>>)
    %dma_wait3A_23 = arith.constant 0 : i32
    %dma_wait3A_24 = arith.constant 0 : i32
    %dma_wait3A_25 = tpu.memref_slice %arg7[%dma_wait3A_23, %dma_wait3A_24] : memref<63x80xi32, #tpu.memory_space<vmem>> -> memref<1x80xi32, #tpu.memory_space<vmem>>
    %dma_wait3A_26 = tpu.memref_squeeze %dma_wait3A_25 : memref<1x80xi32, #tpu.memory_space<vmem>> -> memref<80xi32, #tpu.memory_space<vmem>>
    %dma_wait3A_27 = arith.constant 0 : i32
    %dma_wait3A_28 = arith.constant 0 : i32
    %dma_wait3A_29 = tpu.memref_slice %arg8[%dma_wait3A_27, %dma_wait3A_28] : memref<10112x128xf32, #tpu.memory_space<vmem_shared>> -> memref<10112x128xf32, #tpu.memory_space<vmem_shared>>
    tpu.wait_indirect_dma semaphore(%arg17 : memref<!tpu.dma_semaphore, #tpu.memory_space<semaphore_mem>>) src(%arg11 : memref<80x128xf32, #tpu.memory_space<vmem>>) dst(%dma_wait3A_29 : memref<10112x128xf32, #tpu.memory_space<vmem_shared>>)
    %run_scoped3A_30 = arith.constant 0 : i32
    %run_scoped3A_31 = arith.constant 1 : i32
    "tpu.region"() ({
      %run_scoped3A_62 = tpu.sem_alloc : memref<!tpu.dma_semaphore, #tpu.memory_space<semaphore_mem>>
      %dma_start3A_63 = arith.constant 0 : i32
      %dma_start3A_64 = arith.constant 0 : i32
      %dma_start3A_65 = tpu.memref_slice %arg3[%run_scoped3A_30, %add3A, %run_scoped3A_31, %dma_start3A_63, %dma_start3A_64] : memref<2x32x2x63x80xi32, #tpu.memory_space<hbm>> -> memref<1x1x1x63x80xi32, #tpu.memory_space<hbm>>
      %dma_start3A_66 = tpu.memref_squeeze %dma_start3A_65 : memref<1x1x1x63x80xi32, #tpu.memory_space<hbm>> -> memref<63x80xi32, #tpu.memory_space<hbm>>
      %dma_start3A_67 = arith.constant 0 : i32
      %dma_start3A_68 = arith.constant 0 : i32
      %dma_start3A_69 = tpu.memref_slice %arg3[%run_scoped3A_30, %add3A, %run_scoped3A_31, %dma_start3A_67, %dma_start3A_68] : memref<2x32x2x63x80xi32, #tpu.memory_space<hbm>> -> memref<1x1x1x63x80xi32, #tpu.memory_space<hbm>>
      %dma_start3A_70 = tpu.memref_squeeze %dma_start3A_69 : memref<1x1x1x63x80xi32, #tpu.memory_space<hbm>> -> memref<63x80xi32, #tpu.memory_space<hbm>>
      tpu.enqueue_dma source(%dma_start3A_70 : memref<63x80xi32, #tpu.memory_space<hbm>>) target(%arg6 : memref<63x80xi32, #tpu.memory_space<vmem>>) target_semaphore(%run_scoped3A_62 : memref<!tpu.dma_semaphore, #tpu.memory_space<semaphore_mem>>)
      %dma_wait3A_71 = arith.constant 0 : i32
      %dma_wait3A_72 = arith.constant 0 : i32
      %dma_wait3A_73 = tpu.memref_slice %arg3[%run_scoped3A_30, %add3A, %run_scoped3A_31, %dma_wait3A_71, %dma_wait3A_72] : memref<2x32x2x63x80xi32, #tpu.memory_space<hbm>> -> memref<1x1x1x63x80xi32, #tpu.memory_space<hbm>>
      %dma_wait3A_74 = tpu.memref_squeeze %dma_wait3A_73 : memref<1x1x1x63x80xi32, #tpu.memory_space<hbm>> -> memref<63x80xi32, #tpu.memory_space<hbm>>
      %dma_wait3A_75 = arith.constant 0 : i32
      %dma_wait3A_76 = arith.constant 0 : i32
      %dma_wait3A_77 = tpu.memref_slice %arg3[%run_scoped3A_30, %add3A, %run_scoped3A_31, %dma_wait3A_75, %dma_wait3A_76] : memref<2x32x2x63x80xi32, #tpu.memory_space<hbm>> -> memref<1x1x1x63x80xi32, #tpu.memory_space<hbm>>
      %dma_wait3A_78 = tpu.memref_squeeze %dma_wait3A_77 : memref<1x1x1x63x80xi32, #tpu.memory_space<hbm>> -> memref<63x80xi32, #tpu.memory_space<hbm>>
      tpu.wait_dma2 semaphore(%run_scoped3A_62 : memref<!tpu.dma_semaphore, #tpu.memory_space<semaphore_mem>>) src(%dma_wait3A_78 : memref<63x80xi32, #tpu.memory_space<hbm>>) dst(%arg6 : memref<63x80xi32, #tpu.memory_space<vmem>>)
      tpu.yield
    }) : () -> ()
    %run_scoped3A_32 = arith.constant 1 : i32
    %run_scoped3A_33 = arith.constant 1 : i32
    "tpu.region"() ({
      %run_scoped3A_62 = tpu.sem_alloc : memref<!tpu.dma_semaphore, #tpu.memory_space<semaphore_mem>>
      %dma_start3A_63 = arith.constant 0 : i32
      %dma_start3A_64 = arith.constant 0 : i32
      %dma_start3A_65 = tpu.memref_slice %arg3[%run_scoped3A_32, %add3A, %run_scoped3A_33, %dma_start3A_63, %dma_start3A_64] : memref<2x32x2x63x80xi32, #tpu.memory_space<hbm>> -> memref<1x1x1x63x80xi32, #tpu.memory_space<hbm>>
      %dma_start3A_66 = tpu.memref_squeeze %dma_start3A_65 : memref<1x1x1x63x80xi32, #tpu.memory_space<hbm>> -> memref<63x80xi32, #tpu.memory_space<hbm>>
      %dma_start3A_67 = arith.constant 0 : i32
      %dma_start3A_68 = arith.constant 0 : i32
      %dma_start3A_69 = tpu.memref_slice %arg3[%run_scoped3A_32, %add3A, %run_scoped3A_33, %dma_start3A_67, %dma_start3A_68] : memref<2x32x2x63x80xi32, #tpu.memory_space<hbm>> -> memref<1x1x1x63x80xi32, #tpu.memory_space<hbm>>
      %dma_start3A_70 = tpu.memref_squeeze %dma_start3A_69 : memref<1x1x1x63x80xi32, #tpu.memory_space<hbm>> -> memref<63x80xi32, #tpu.memory_space<hbm>>
      tpu.enqueue_dma source(%dma_start3A_70 : memref<63x80xi32, #tpu.memory_space<hbm>>) target(%arg7 : memref<63x80xi32, #tpu.memory_space<vmem>>) target_semaphore(%run_scoped3A_62 : memref<!tpu.dma_semaphore, #tpu.memory_space<semaphore_mem>>)
      %dma_wait3A_71 = arith.constant 0 : i32
      %dma_wait3A_72 = arith.constant 0 : i32
      %dma_wait3A_73 = tpu.memref_slice %arg3[%run_scoped3A_32, %add3A, %run_scoped3A_33, %dma_wait3A_71, %dma_wait3A_72] : memref<2x32x2x63x80xi32, #tpu.memory_space<hbm>> -> memref<1x1x1x63x80xi32, #tpu.memory_space<hbm>>
      %dma_wait3A_74 = tpu.memref_squeeze %dma_wait3A_73 : memref<1x1x1x63x80xi32, #tpu.memory_space<hbm>> -> memref<63x80xi32, #tpu.memory_space<hbm>>
      %dma_wait3A_75 = arith.constant 0 : i32
      %dma_wait3A_76 = arith.constant 0 : i32
      %dma_wait3A_77 = tpu.memref_slice %arg3[%run_scoped3A_32, %add3A, %run_scoped3A_33, %dma_wait3A_75, %dma_wait3A_76] : memref<2x32x2x63x80xi32, #tpu.memory_space<hbm>> -> memref<1x1x1x63x80xi32, #tpu.memory_space<hbm>>
      %dma_wait3A_78 = tpu.memref_squeeze %dma_wait3A_77 : memref<1x1x1x63x80xi32, #tpu.memory_space<hbm>> -> memref<63x80xi32, #tpu.memory_space<hbm>>
      tpu.wait_dma2 semaphore(%run_scoped3A_62 : memref<!tpu.dma_semaphore, #tpu.memory_space<semaphore_mem>>) src(%dma_wait3A_78 : memref<63x80xi32, #tpu.memory_space<hbm>>) dst(%arg7 : memref<63x80xi32, #tpu.memory_space<vmem>>)
      tpu.yield
    }) : () -> ()
    %dma_start3A_34 = arith.constant 0 : i32
    %dma_start3A_35 = arith.constant 0 : i32
    %dma_start3A_36 = tpu.memref_slice %arg6[%dma_start3A_34, %dma_start3A_35] : memref<63x80xi32, #tpu.memory_space<vmem>> -> memref<1x80xi32, #tpu.memory_space<vmem>>
    %dma_start3A_37 = tpu.memref_squeeze %dma_start3A_36 : memref<1x80xi32, #tpu.memory_space<vmem>> -> memref<80xi32, #tpu.memory_space<vmem>>
    %dma_start3A_38 = arith.constant 0 : i32
    %dma_start3A_39 = arith.constant 0 : i32
    %dma_start3A_40 = tpu.memref_slice %arg2[%dma_start3A_38, %dma_start3A_39] : memref<10000x128xf32, #tpu.memory_space<hbm>> -> memref<10000x128xf32, #tpu.memory_space<hbm>>
    tpu.enqueue_indirect_dma source(%dma_start3A_40 : memref<10000x128xf32, #tpu.memory_space<hbm>>) target(%arg9 : memref<80x128xf32, #tpu.memory_space<vmem>>) offsets(%dma_start3A_37 : memref<80xi32, #tpu.memory_space<vmem>>) semaphore(%arg12 : memref<!tpu.dma_semaphore, #tpu.memory_space<semaphore_mem>>)
    %scan3A_41 = arith.constant 0 : i32
    %scan3A_42 = arith.constant 0 : i32
    %scan3A_43 = arith.constant 21 : i32
    %scan3A_44 = arith.addi %scan3A_42, %scan3A_43 : i32
    %scan3A_45 = arith.constant 1 : i32
    scf.for %scan3A_62 = %scan3A_42 to %scan3A_44 step %scan3A_45  : i32 {
      %mul3A_63 = arith.constant 3 : i32
      %mul3A_64 = arith.muli %scan3A_62, %mul3A_63 : i32
      %add3A_65 = arith.constant 0 : i32
      %add3A_66 = arith.addi %mul3A_64, %add3A_65 : i32
      %ge3A = arith.constant 2 : i32
      %ge3A_67 = arith.cmpi sge, %add3A_66, %ge3A : i32
      %convert_element_type3A = arith.extui %ge3A_67 : i1 to i32
      %cond3A = arith.constant 0 : i32
      %cond3A_68 = arith.cmpi ne, %convert_element_type3A, %cond3A : i32
      scf.if %cond3A_68 {
        %dma_wait3A_140 = arith.constant 0 : i32
        %dma_wait3A_141 = arith.constant 0 : i32
        %dma_wait3A_142 = tpu.memref_slice %arg7[%dma_wait3A_140, %dma_wait3A_141] : memref<63x80xi32, #tpu.memory_space<vmem>> -> memref<1x80xi32, #tpu.memory_space<vmem>>
        %dma_wait3A_143 = tpu.memref_squeeze %dma_wait3A_142 : memref<1x80xi32, #tpu.memory_space<vmem>> -> memref<80xi32, #tpu.memory_space<vmem>>
        %dma_wait3A_144 = arith.constant 0 : i32
        %dma_wait3A_145 = arith.constant 0 : i32
        %dma_wait3A_146 = tpu.memref_slice %arg8[%dma_wait3A_144, %dma_wait3A_145] : memref<10112x128xf32, #tpu.memory_space<vmem_shared>> -> memref<10112x128xf32, #tpu.memory_space<vmem_shared>>
        tpu.wait_indirect_dma semaphore(%arg16 : memref<!tpu.dma_semaphore, #tpu.memory_space<semaphore_mem>>) src(%arg10 : memref<80x128xf32, #tpu.memory_space<vmem>>) dst(%dma_wait3A_146 : memref<10112x128xf32, #tpu.memory_space<vmem_shared>>)
      } else {
      }
      %lt3A = arith.constant 62 : i32
      %lt3A_69 = arith.cmpi slt, %add3A_66, %lt3A : i32
      %convert_element_type3A_70 = arith.extui %lt3A_69 : i1 to i32
      %cond3A_71 = arith.constant 0 : i32
      %cond3A_72 = arith.cmpi ne, %convert_element_type3A_70, %cond3A_71 : i32
      scf.if %cond3A_72 {
        %add3A_140 = arith.constant 1 : i32
        %add3A_141 = arith.addi %add3A_66, %add3A_140 : i32
        %dma_start3A_142 = arith.constant 0 : i32
        %dma_start3A_143 = tpu.memref_slice %arg6[%add3A_141, %dma_start3A_142] : memref<63x80xi32, #tpu.memory_space<vmem>> -> memref<1x80xi32, #tpu.memory_space<vmem>>
        %dma_start3A_144 = tpu.memref_squeeze %dma_start3A_143 : memref<1x80xi32, #tpu.memory_space<vmem>> -> memref<80xi32, #tpu.memory_space<vmem>>
        %dma_start3A_145 = arith.constant 0 : i32
        %dma_start3A_146 = arith.constant 0 : i32
        %dma_start3A_147 = tpu.memref_slice %arg2[%dma_start3A_145, %dma_start3A_146] : memref<10000x128xf32, #tpu.memory_space<hbm>> -> memref<10000x128xf32, #tpu.memory_space<hbm>>
        tpu.enqueue_indirect_dma source(%dma_start3A_147 : memref<10000x128xf32, #tpu.memory_space<hbm>>) target(%arg10 : memref<80x128xf32, #tpu.memory_space<vmem>>) offsets(%dma_start3A_144 : memref<80xi32, #tpu.memory_space<vmem>>) semaphore(%arg13 : memref<!tpu.dma_semaphore, #tpu.memory_space<semaphore_mem>>)
      } else {
      }
      %dma_wait3A_73 = arith.constant 0 : i32
      %dma_wait3A_74 = arith.constant 0 : i32
      %dma_wait3A_75 = tpu.memref_slice %arg6[%dma_wait3A_73, %dma_wait3A_74] : memref<63x80xi32, #tpu.memory_space<vmem>> -> memref<1x80xi32, #tpu.memory_space<vmem>>
      %dma_wait3A_76 = tpu.memref_squeeze %dma_wait3A_75 : memref<1x80xi32, #tpu.memory_space<vmem>> -> memref<80xi32, #tpu.memory_space<vmem>>
      %dma_wait3A_77 = arith.constant 0 : i32
      %dma_wait3A_78 = arith.constant 0 : i32
      %dma_wait3A_79 = tpu.memref_slice %arg2[%dma_wait3A_77, %dma_wait3A_78] : memref<10000x128xf32, #tpu.memory_space<hbm>> -> memref<10000x128xf32, #tpu.memory_space<hbm>>
      tpu.wait_indirect_dma semaphore(%arg12 : memref<!tpu.dma_semaphore, #tpu.memory_space<semaphore_mem>>) src(%dma_wait3A_79 : memref<10000x128xf32, #tpu.memory_space<hbm>>) dst(%arg9 : memref<80x128xf32, #tpu.memory_space<vmem>>)
      %dma_start3A_80 = arith.constant 0 : i32
      %dma_start3A_81 = tpu.memref_slice %arg7[%add3A_66, %dma_start3A_80] : memref<63x80xi32, #tpu.memory_space<vmem>> -> memref<1x80xi32, #tpu.memory_space<vmem>>
      %dma_start3A_82 = tpu.memref_squeeze %dma_start3A_81 : memref<1x80xi32, #tpu.memory_space<vmem>> -> memref<80xi32, #tpu.memory_space<vmem>>
      %dma_start3A_83 = arith.constant 0 : i32
      %dma_start3A_84 = arith.constant 0 : i32
      %dma_start3A_85 = tpu.memref_slice %arg8[%dma_start3A_83, %dma_start3A_84] : memref<10112x128xf32, #tpu.memory_space<vmem_shared>> -> memref<10112x128xf32, #tpu.memory_space<vmem_shared>>
      tpu.enqueue_indirect_dma source(%arg9 : memref<80x128xf32, #tpu.memory_space<vmem>>) target(%dma_start3A_85 : memref<10112x128xf32, #tpu.memory_space<vmem_shared>>) offsets(%dma_start3A_82 : memref<80xi32, #tpu.memory_space<vmem>>) semaphore(%arg15 : memref<!tpu.dma_semaphore, #tpu.memory_space<semaphore_mem>>) {add = true}
      %mul3A_86 = arith.constant 3 : i32
      %mul3A_87 = arith.muli %scan3A_62, %mul3A_86 : i32
      %add3A_88 = arith.constant 1 : i32
      %add3A_89 = arith.addi %mul3A_87, %add3A_88 : i32
      %ge3A_90 = arith.constant 2 : i32
      %ge3A_91 = arith.cmpi sge, %add3A_89, %ge3A_90 : i32
      %convert_element_type3A_92 = arith.extui %ge3A_91 : i1 to i32
      %cond3A_93 = arith.constant 0 : i32
      %cond3A_94 = arith.cmpi ne, %convert_element_type3A_92, %cond3A_93 : i32
      scf.if %cond3A_94 {
        %dma_wait3A_140 = arith.constant 0 : i32
        %dma_wait3A_141 = arith.constant 0 : i32
        %dma_wait3A_142 = tpu.memref_slice %arg7[%dma_wait3A_140, %dma_wait3A_141] : memref<63x80xi32, #tpu.memory_space<vmem>> -> memref<1x80xi32, #tpu.memory_space<vmem>>
        %dma_wait3A_143 = tpu.memref_squeeze %dma_wait3A_142 : memref<1x80xi32, #tpu.memory_space<vmem>> -> memref<80xi32, #tpu.memory_space<vmem>>
        %dma_wait3A_144 = arith.constant 0 : i32
        %dma_wait3A_145 = arith.constant 0 : i32
        %dma_wait3A_146 = tpu.memref_slice %arg8[%dma_wait3A_144, %dma_wait3A_145] : memref<10112x128xf32, #tpu.memory_space<vmem_shared>> -> memref<10112x128xf32, #tpu.memory_space<vmem_shared>>
        tpu.wait_indirect_dma semaphore(%arg17 : memref<!tpu.dma_semaphore, #tpu.memory_space<semaphore_mem>>) src(%arg11 : memref<80x128xf32, #tpu.memory_space<vmem>>) dst(%dma_wait3A_146 : memref<10112x128xf32, #tpu.memory_space<vmem_shared>>)
      } else {
      }
      %lt3A_95 = arith.constant 62 : i32
      %lt3A_96 = arith.cmpi slt, %add3A_89, %lt3A_95 : i32
      %convert_element_type3A_97 = arith.extui %lt3A_96 : i1 to i32
      %cond3A_98 = arith.constant 0 : i32
      %cond3A_99 = arith.cmpi ne, %convert_element_type3A_97, %cond3A_98 : i32
      scf.if %cond3A_99 {
        %add3A_140 = arith.constant 1 : i32
        %add3A_141 = arith.addi %add3A_89, %add3A_140 : i32
        %dma_start3A_142 = arith.constant 0 : i32
        %dma_start3A_143 = tpu.memref_slice %arg6[%add3A_141, %dma_start3A_142] : memref<63x80xi32, #tpu.memory_space<vmem>> -> memref<1x80xi32, #tpu.memory_space<vmem>>
        %dma_start3A_144 = tpu.memref_squeeze %dma_start3A_143 : memref<1x80xi32, #tpu.memory_space<vmem>> -> memref<80xi32, #tpu.memory_space<vmem>>
        %dma_start3A_145 = arith.constant 0 : i32
        %dma_start3A_146 = arith.constant 0 : i32
        %dma_start3A_147 = tpu.memref_slice %arg2[%dma_start3A_145, %dma_start3A_146] : memref<10000x128xf32, #tpu.memory_space<hbm>> -> memref<10000x128xf32, #tpu.memory_space<hbm>>
        tpu.enqueue_indirect_dma source(%dma_start3A_147 : memref<10000x128xf32, #tpu.memory_space<hbm>>) target(%arg11 : memref<80x128xf32, #tpu.memory_space<vmem>>) offsets(%dma_start3A_144 : memref<80xi32, #tpu.memory_space<vmem>>) semaphore(%arg14 : memref<!tpu.dma_semaphore, #tpu.memory_space<semaphore_mem>>)
      } else {
      }
      %dma_wait3A_100 = arith.constant 0 : i32
      %dma_wait3A_101 = arith.constant 0 : i32
      %dma_wait3A_102 = tpu.memref_slice %arg6[%dma_wait3A_100, %dma_wait3A_101] : memref<63x80xi32, #tpu.memory_space<vmem>> -> memref<1x80xi32, #tpu.memory_space<vmem>>
      %dma_wait3A_103 = tpu.memref_squeeze %dma_wait3A_102 : memref<1x80xi32, #tpu.memory_space<vmem>> -> memref<80xi32, #tpu.memory_space<vmem>>
      %dma_wait3A_104 = arith.constant 0 : i32
      %dma_wait3A_105 = arith.constant 0 : i32
      %dma_wait3A_106 = tpu.memref_slice %arg2[%dma_wait3A_104, %dma_wait3A_105] : memref<10000x128xf32, #tpu.memory_space<hbm>> -> memref<10000x128xf32, #tpu.memory_space<hbm>>
      tpu.wait_indirect_dma semaphore(%arg13 : memref<!tpu.dma_semaphore, #tpu.memory_space<semaphore_mem>>) src(%dma_wait3A_106 : memref<10000x128xf32, #tpu.memory_space<hbm>>) dst(%arg10 : memref<80x128xf32, #tpu.memory_space<vmem>>)
      %dma_start3A_107 = arith.constant 0 : i32
      %dma_start3A_108 = tpu.memref_slice %arg7[%add3A_89, %dma_start3A_107] : memref<63x80xi32, #tpu.memory_space<vmem>> -> memref<1x80xi32, #tpu.memory_space<vmem>>
      %dma_start3A_109 = tpu.memref_squeeze %dma_start3A_108 : memref<1x80xi32, #tpu.memory_space<vmem>> -> memref<80xi32, #tpu.memory_space<vmem>>
      %dma_start3A_110 = arith.constant 0 : i32
      %dma_start3A_111 = arith.constant 0 : i32
      %dma_start3A_112 = tpu.memref_slice %arg8[%dma_start3A_110, %dma_start3A_111] : memref<10112x128xf32, #tpu.memory_space<vmem_shared>> -> memref<10112x128xf32, #tpu.memory_space<vmem_shared>>
      tpu.enqueue_indirect_dma source(%arg10 : memref<80x128xf32, #tpu.memory_space<vmem>>) target(%dma_start3A_112 : memref<10112x128xf32, #tpu.memory_space<vmem_shared>>) offsets(%dma_start3A_109 : memref<80xi32, #tpu.memory_space<vmem>>) semaphore(%arg16 : memref<!tpu.dma_semaphore, #tpu.memory_space<semaphore_mem>>) {add = true}
      %mul3A_113 = arith.constant 3 : i32
      %mul3A_114 = arith.muli %scan3A_62, %mul3A_113 : i32
      %add3A_115 = arith.constant 2 : i32
      %add3A_116 = arith.addi %mul3A_114, %add3A_115 : i32
      %ge3A_117 = arith.constant 2 : i32
      %ge3A_118 = arith.cmpi sge, %add3A_116, %ge3A_117 : i32
      %convert_element_type3A_119 = arith.extui %ge3A_118 : i1 to i32
      %cond3A_120 = arith.constant 0 : i32
      %cond3A_121 = arith.cmpi ne, %convert_element_type3A_119, %cond3A_120 : i32
      scf.if %cond3A_121 {
        %dma_wait3A_140 = arith.constant 0 : i32
        %dma_wait3A_141 = arith.constant 0 : i32
        %dma_wait3A_142 = tpu.memref_slice %arg7[%dma_wait3A_140, %dma_wait3A_141] : memref<63x80xi32, #tpu.memory_space<vmem>> -> memref<1x80xi32, #tpu.memory_space<vmem>>
        %dma_wait3A_143 = tpu.memref_squeeze %dma_wait3A_142 : memref<1x80xi32, #tpu.memory_space<vmem>> -> memref<80xi32, #tpu.memory_space<vmem>>
        %dma_wait3A_144 = arith.constant 0 : i32
        %dma_wait3A_145 = arith.constant 0 : i32
        %dma_wait3A_146 = tpu.memref_slice %arg8[%dma_wait3A_144, %dma_wait3A_145] : memref<10112x128xf32, #tpu.memory_space<vmem_shared>> -> memref<10112x128xf32, #tpu.memory_space<vmem_shared>>
        tpu.wait_indirect_dma semaphore(%arg15 : memref<!tpu.dma_semaphore, #tpu.memory_space<semaphore_mem>>) src(%arg9 : memref<80x128xf32, #tpu.memory_space<vmem>>) dst(%dma_wait3A_146 : memref<10112x128xf32, #tpu.memory_space<vmem_shared>>)
      } else {
      }
      %lt3A_122 = arith.constant 62 : i32
      %lt3A_123 = arith.cmpi slt, %add3A_116, %lt3A_122 : i32
      %convert_element_type3A_124 = arith.extui %lt3A_123 : i1 to i32
      %cond3A_125 = arith.constant 0 : i32
      %cond3A_126 = arith.cmpi ne, %convert_element_type3A_124, %cond3A_125 : i32
      scf.if %cond3A_126 {
        %add3A_140 = arith.constant 1 : i32
        %add3A_141 = arith.addi %add3A_116, %add3A_140 : i32
        %dma_start3A_142 = arith.constant 0 : i32
        %dma_start3A_143 = tpu.memref_slice %arg6[%add3A_141, %dma_start3A_142] : memref<63x80xi32, #tpu.memory_space<vmem>> -> memref<1x80xi32, #tpu.memory_space<vmem>>
        %dma_start3A_144 = tpu.memref_squeeze %dma_start3A_143 : memref<1x80xi32, #tpu.memory_space<vmem>> -> memref<80xi32, #tpu.memory_space<vmem>>
        %dma_start3A_145 = arith.constant 0 : i32
        %dma_start3A_146 = arith.constant 0 : i32
        %dma_start3A_147 = tpu.memref_slice %arg2[%dma_start3A_145, %dma_start3A_146] : memref<10000x128xf32, #tpu.memory_space<hbm>> -> memref<10000x128xf32, #tpu.memory_space<hbm>>
        tpu.enqueue_indirect_dma source(%dma_start3A_147 : memref<10000x128xf32, #tpu.memory_space<hbm>>) target(%arg9 : memref<80x128xf32, #tpu.memory_space<vmem>>) offsets(%dma_start3A_144 : memref<80xi32, #tpu.memory_space<vmem>>) semaphore(%arg12 : memref<!tpu.dma_semaphore, #tpu.memory_space<semaphore_mem>>)
      } else {
      }
      %dma_wait3A_127 = arith.constant 0 : i32
      %dma_wait3A_128 = arith.constant 0 : i32
      %dma_wait3A_129 = tpu.memref_slice %arg6[%dma_wait3A_127, %dma_wait3A_128] : memref<63x80xi32, #tpu.memory_space<vmem>> -> memref<1x80xi32, #tpu.memory_space<vmem>>
      %dma_wait3A_130 = tpu.memref_squeeze %dma_wait3A_129 : memref<1x80xi32, #tpu.memory_space<vmem>> -> memref<80xi32, #tpu.memory_space<vmem>>
      %dma_wait3A_131 = arith.constant 0 : i32
      %dma_wait3A_132 = arith.constant 0 : i32
      %dma_wait3A_133 = tpu.memref_slice %arg2[%dma_wait3A_131, %dma_wait3A_132] : memref<10000x128xf32, #tpu.memory_space<hbm>> -> memref<10000x128xf32, #tpu.memory_space<hbm>>
      tpu.wait_indirect_dma semaphore(%arg14 : memref<!tpu.dma_semaphore, #tpu.memory_space<semaphore_mem>>) src(%dma_wait3A_133 : memref<10000x128xf32, #tpu.memory_space<hbm>>) dst(%arg11 : memref<80x128xf32, #tpu.memory_space<vmem>>)
      %dma_start3A_134 = arith.constant 0 : i32
      %dma_start3A_135 = tpu.memref_slice %arg7[%add3A_116, %dma_start3A_134] : memref<63x80xi32, #tpu.memory_space<vmem>> -> memref<1x80xi32, #tpu.memory_space<vmem>>
      %dma_start3A_136 = tpu.memref_squeeze %dma_start3A_135 : memref<1x80xi32, #tpu.memory_space<vmem>> -> memref<80xi32, #tpu.memory_space<vmem>>
      %dma_start3A_137 = arith.constant 0 : i32
      %dma_start3A_138 = arith.constant 0 : i32
      %dma_start3A_139 = tpu.memref_slice %arg8[%dma_start3A_137, %dma_start3A_138] : memref<10112x128xf32, #tpu.memory_space<vmem_shared>> -> memref<10112x128xf32, #tpu.memory_space<vmem_shared>>
      tpu.enqueue_indirect_dma source(%arg11 : memref<80x128xf32, #tpu.memory_space<vmem>>) target(%dma_start3A_139 : memref<10112x128xf32, #tpu.memory_space<vmem_shared>>) offsets(%dma_start3A_136 : memref<80xi32, #tpu.memory_space<vmem>>) semaphore(%arg17 : memref<!tpu.dma_semaphore, #tpu.memory_space<semaphore_mem>>) {add = true}
    }
    %scan3A_46 = arith.constant 21 : i32
    %dma_wait3A_47 = arith.constant 0 : i32
    %dma_wait3A_48 = arith.constant 0 : i32
    %dma_wait3A_49 = tpu.memref_slice %arg7[%dma_wait3A_47, %dma_wait3A_48] : memref<63x80xi32, #tpu.memory_space<vmem>> -> memref<1x80xi32, #tpu.memory_space<vmem>>
    %dma_wait3A_50 = tpu.memref_squeeze %dma_wait3A_49 : memref<1x80xi32, #tpu.memory_space<vmem>> -> memref<80xi32, #tpu.memory_space<vmem>>
    %dma_wait3A_51 = arith.constant 0 : i32
    %dma_wait3A_52 = arith.constant 0 : i32
    %dma_wait3A_53 = tpu.memref_slice %arg8[%dma_wait3A_51, %dma_wait3A_52] : memref<10112x128xf32, #tpu.memory_space<vmem_shared>> -> memref<10112x128xf32, #tpu.memory_space<vmem_shared>>
    tpu.wait_indirect_dma semaphore(%arg16 : memref<!tpu.dma_semaphore, #tpu.memory_space<semaphore_mem>>) src(%arg10 : memref<80x128xf32, #tpu.memory_space<vmem>>) dst(%dma_wait3A_53 : memref<10112x128xf32, #tpu.memory_space<vmem_shared>>)
    %dma_wait3A_54 = arith.constant 0 : i32
    %dma_wait3A_55 = arith.constant 0 : i32
    %dma_wait3A_56 = tpu.memref_slice %arg7[%dma_wait3A_54, %dma_wait3A_55] : memref<63x80xi32, #tpu.memory_space<vmem>> -> memref<1x80xi32, #tpu.memory_space<vmem>>
    %dma_wait3A_57 = tpu.memref_squeeze %dma_wait3A_56 : memref<1x80xi32, #tpu.memory_space<vmem>> -> memref<80xi32, #tpu.memory_space<vmem>>
    %dma_wait3A_58 = arith.constant 0 : i32
    %dma_wait3A_59 = arith.constant 0 : i32
    %dma_wait3A_60 = tpu.memref_slice %arg8[%dma_wait3A_58, %dma_wait3A_59] : memref<10112x128xf32, #tpu.memory_space<vmem_shared>> -> memref<10112x128xf32, #tpu.memory_space<vmem_shared>>
    tpu.wait_indirect_dma semaphore(%arg17 : memref<!tpu.dma_semaphore, #tpu.memory_space<semaphore_mem>>) src(%arg11 : memref<80x128xf32, #tpu.memory_space<vmem>>) dst(%dma_wait3A_60 : memref<10112x128xf32, #tpu.memory_space<vmem_shared>>)
    %barrier3A_61 = arith.constant 0 : index
    tpu.barrier barrier_id(%barrier3A_61)
    "tpu.region"() ({
      %run_scoped3A_62 = tpu.sem_alloc : memref<!tpu.dma_semaphore, #tpu.memory_space<semaphore_mem>>
      %dma_start3A_63 = arith.constant 0 : i32
      %dma_start3A_64 = tpu.memref_slice %arg5[%arg0, %mul3A_2, %dma_start3A_63] : memref<2x10112x128xf32, #tpu.memory_space<hbm>> -> memref<1x632x128xf32, #tpu.memory_space<hbm>>
      %dma_start3A_65 = tpu.memref_squeeze %dma_start3A_64 : memref<1x632x128xf32, #tpu.memory_space<hbm>> -> memref<632x128xf32, #tpu.memory_space<hbm>>
      %dma_start3A_66 = arith.constant 0 : i32
      %dma_start3A_67 = tpu.memref_slice %arg8[%mul3A_2, %dma_start3A_66] : memref<10112x128xf32, #tpu.memory_space<vmem_shared>> -> memref<632x128xf32, #tpu.memory_space<vmem_shared>>
      tpu.enqueue_dma source(%dma_start3A_67 : memref<632x128xf32, #tpu.memory_space<vmem_shared>>) target(%dma_start3A_65 : memref<632x128xf32, #tpu.memory_space<hbm>>) target_semaphore(%run_scoped3A_62 : memref<!tpu.dma_semaphore, #tpu.memory_space<semaphore_mem>>)
      %dma_wait3A_68 = arith.constant 0 : i32
      %dma_wait3A_69 = tpu.memref_slice %arg5[%arg0, %mul3A_2, %dma_wait3A_68] : memref<2x10112x128xf32, #tpu.memory_space<hbm>> -> memref<1x632x128xf32, #tpu.memory_space<hbm>>
      %dma_wait3A_70 = tpu.memref_squeeze %dma_wait3A_69 : memref<1x632x128xf32, #tpu.memory_space<hbm>> -> memref<632x128xf32, #tpu.memory_space<hbm>>
      %dma_wait3A_71 = arith.constant 0 : i32
      %dma_wait3A_72 = tpu.memref_slice %arg8[%mul3A_2, %dma_wait3A_71] : memref<10112x128xf32, #tpu.memory_space<vmem_shared>> -> memref<632x128xf32, #tpu.memory_space<vmem_shared>>
      tpu.wait_dma2 semaphore(%run_scoped3A_62 : memref<!tpu.dma_semaphore, #tpu.memory_space<semaphore_mem>>) src(%dma_wait3A_72 : memref<632x128xf32, #tpu.memory_space<vmem_shared>>) dst(%dma_wait3A_70 : memref<632x128xf32, #tpu.memory_space<hbm>>)
      tpu.yield
    }) : () -> ()
    return
  }
}

module attributes {stable_mosaic.version = 14 : i64} {
  func.func @_stage1_body(%arg0: memref<10000x128xf32, #tpu.memory_space<vmem>>, %arg1: memref<10000x128xf32, #tpu.memory_space<vmem>>, %arg2: memref<10000x128xf32, #tpu.memory_space<vmem>>, %arg3: memref<128x128xf32, #tpu.memory_space<vmem>>, %arg4: memref<128x128xf32, #tpu.memory_space<vmem>>, %arg5: memref<1x128xf32, #tpu.memory_space<vmem>>, %arg6: memref<1x128xf32, #tpu.memory_space<vmem>>, %arg7: memref<1x128xf32, #tpu.memory_space<vmem>>, %arg8: memref<10000x128xf32, #tpu.memory_space<vmem>>) attributes {dimension_semantics = [], scalar_prefetch = 0 : i64, scratch_operands = 0 : i64, tpu.core_type = #tpu.core_type<tc>} {
    %get3A = arith.constant 0 : index
    %get3A_0 = arith.constant 0 : index
    %get3A_1 = vector.load %arg1[%get3A, %get3A_0] : memref<10000x128xf32, #tpu.memory_space<vmem>>, vector<10000x128xf32>
    %get3A_2 = arith.constant 0 : index
    %get3A_3 = arith.constant 0 : index
    %get3A_4 = vector.load %arg2[%get3A_2, %get3A_3] : memref<10000x128xf32, #tpu.memory_space<vmem>>, vector<10000x128xf32>
    %add3A = arith.addf %get3A_1, %get3A_4 : vector<10000x128xf32>
    %get3A_5 = arith.constant 0 : index
    %get3A_6 = arith.constant 0 : index
    %get3A_7 = vector.load %arg0[%get3A_5, %get3A_6] : memref<10000x128xf32, #tpu.memory_space<vmem>>, vector<10000x128xf32>
    %get3A_8 = arith.constant 0 : index
    %get3A_9 = arith.constant 0 : index
    %get3A_10 = vector.load %arg3[%get3A_8, %get3A_9] : memref<128x128xf32, #tpu.memory_space<vmem>>, vector<128x128xf32>
    %dot_general3A = arith.constant dense<0.000000e+00> : vector<10000x128xf32>
    %dot_general3A_11 = tpu.matmul %get3A_7, %get3A_10, %dot_general3A {dimension_numbers = #tpu.dot_dimension_numbers<[1], [0], [0], [1], [0, 0, 1, 1], [], []>, transpose_lhs_hint = false} : vector<10000x128xf32>, vector<128x128xf32>, vector<10000x128xf32> -> vector<10000x128xf32>
    %get3A_12 = arith.constant 0 : index
    %get3A_13 = arith.constant 0 : index
    %get3A_14 = vector.load %arg4[%get3A_12, %get3A_13] : memref<128x128xf32, #tpu.memory_space<vmem>>, vector<128x128xf32>
    %dot_general3A_15 = arith.constant dense<0.000000e+00> : vector<10000x128xf32>
    %dot_general3A_16 = tpu.matmul %add3A, %get3A_14, %dot_general3A_15 {dimension_numbers = #tpu.dot_dimension_numbers<[1], [0], [0], [1], [0, 0, 1, 1], [], []>, transpose_lhs_hint = false} : vector<10000x128xf32>, vector<128x128xf32>, vector<10000x128xf32> -> vector<10000x128xf32>
    %add3A_17 = arith.addf %dot_general3A_11, %dot_general3A_16 : vector<10000x128xf32>
    %get3A_18 = arith.constant 0 : index
    %get3A_19 = arith.constant 0 : index
    %get3A_20 = vector.load %arg5[%get3A_18, %get3A_19] : memref<1x128xf32, #tpu.memory_space<vmem>>, vector<1x128xf32>
    %add3A_21 = vector.broadcast %get3A_20 : vector<1x128xf32> to vector<10000x128xf32>
    %add3A_22 = arith.addf %add3A_17, %add3A_21 : vector<10000x128xf32>
    %get3A_23 = arith.constant 0 : index
    %get3A_24 = arith.constant 0 : index
    %get3A_25 = vector.load %arg6[%get3A_23, %get3A_24] : memref<1x128xf32, #tpu.memory_space<vmem>>, vector<1x128xf32>
    %get3A_26 = arith.constant 0 : index
    %get3A_27 = arith.constant 0 : index
    %get3A_28 = vector.load %arg7[%get3A_26, %get3A_27] : memref<1x128xf32, #tpu.memory_space<vmem>>, vector<1x128xf32>
    %reduce_sum3A = arith.constant dense<0.000000e+00> : vector<128xf32>
    %reduce_sum3A_29 = vector.multi_reduction <add>, %add3A_22, %reduce_sum3A [0] : vector<10000x128xf32> to vector<128xf32>
    %broadcast_in_dim3A = vector.shape_cast %reduce_sum3A_29 : vector<128xf32> to vector<1x128xf32>
    %div3A = arith.constant 1.000000e+04 : f32
    %div3A_30 = vector.broadcast %div3A : f32 to vector<1x128xf32>
    %div3A_31 = arith.divf %broadcast_in_dim3A, %div3A_30 : vector<1x128xf32>
    %sub3A = vector.broadcast %div3A_31 : vector<1x128xf32> to vector<10000x128xf32>
    %sub3A_32 = arith.subf %add3A_22, %sub3A : vector<10000x128xf32>
    %integer_pow3A = arith.mulf %sub3A_32, %sub3A_32 : vector<10000x128xf32>
    %reduce_sum3A_33 = arith.constant dense<0.000000e+00> : vector<128xf32>
    %reduce_sum3A_34 = vector.multi_reduction <add>, %integer_pow3A, %reduce_sum3A_33 [0] : vector<10000x128xf32> to vector<128xf32>
    %broadcast_in_dim3A_35 = vector.shape_cast %reduce_sum3A_34 : vector<128xf32> to vector<1x128xf32>
    %div3A_36 = arith.constant 1.000000e+04 : f32
    %div3A_37 = vector.broadcast %div3A_36 : f32 to vector<1x128xf32>
    %div3A_38 = arith.divf %broadcast_in_dim3A_35, %div3A_37 : vector<1x128xf32>
    %sub3A_39 = vector.broadcast %div3A_31 : vector<1x128xf32> to vector<10000x128xf32>
    %sub3A_40 = arith.subf %add3A_22, %sub3A_39 : vector<10000x128xf32>
    %add3A_41 = arith.constant 9.99999974E-6 : f32
    %add3A_42 = vector.broadcast %add3A_41 : f32 to vector<1x128xf32>
    %add3A_43 = arith.addf %div3A_38, %add3A_42 : vector<1x128xf32>
    %rsqrt3A = math.rsqrt %add3A_43 : vector<1x128xf32>
    %mul3A = vector.broadcast %rsqrt3A : vector<1x128xf32> to vector<10000x128xf32>
    %mul3A_44 = arith.mulf %sub3A_40, %mul3A : vector<10000x128xf32>
    %mul3A_45 = vector.broadcast %get3A_25 : vector<1x128xf32> to vector<10000x128xf32>
    %mul3A_46 = arith.mulf %mul3A_44, %mul3A_45 : vector<10000x128xf32>
    %add3A_47 = vector.broadcast %get3A_28 : vector<1x128xf32> to vector<10000x128xf32>
    %add3A_48 = arith.addf %mul3A_46, %add3A_47 : vector<10000x128xf32>
    %max3A = arith.constant 0.000000e+00 : f32
    %max3A_49 = vector.broadcast %max3A : f32 to vector<10000x128xf32>
    %max3A_50 = arith.maximumf %add3A_48, %max3A_49 : vector<10000x128xf32>
    %swap3A = arith.constant 0 : index
    %swap3A_51 = arith.constant 0 : index
    %swap3A_52 = vector.load %arg8[%swap3A, %swap3A_51] : memref<10000x128xf32, #tpu.memory_space<vmem>>, vector<10000x128xf32>
    tpu.vector_store %arg8[%swap3A, %swap3A_51], %max3A_50 {strides = array<i32>} : memref<10000x128xf32, #tpu.memory_space<vmem>>, vector<10000x128xf32>,
    return
  }
}

module attributes {stable_mosaic.version = 14 : i64} {
  func.func @_stage2_body(%arg0: memref<10000x128xf32, #tpu.memory_space<vmem>>, %arg1: memref<10000x128xf32, #tpu.memory_space<vmem>>, %arg2: memref<128x128xf32, #tpu.memory_space<vmem>>, %arg3: memref<1x128xf32, #tpu.memory_space<vmem>>, %arg4: memref<1x128xf32, #tpu.memory_space<vmem>>, %arg5: memref<1x128xf32, #tpu.memory_space<vmem>>, %arg6: memref<10000x128xf32, #tpu.memory_space<vmem>>) attributes {dimension_semantics = [], scalar_prefetch = 0 : i64, scratch_operands = 0 : i64, tpu.core_type = #tpu.core_type<tc>} {
    %get3A = arith.constant 0 : index
    %get3A_0 = arith.constant 0 : index
    %get3A_1 = vector.load %arg0[%get3A, %get3A_0] : memref<10000x128xf32, #tpu.memory_space<vmem>>, vector<10000x128xf32>
    %get3A_2 = arith.constant 0 : index
    %get3A_3 = arith.constant 0 : index
    %get3A_4 = vector.load %arg1[%get3A_2, %get3A_3] : memref<10000x128xf32, #tpu.memory_space<vmem>>, vector<10000x128xf32>
    %add3A = arith.addf %get3A_1, %get3A_4 : vector<10000x128xf32>
    %get3A_5 = arith.constant 0 : index
    %get3A_6 = arith.constant 0 : index
    %get3A_7 = vector.load %arg2[%get3A_5, %get3A_6] : memref<128x128xf32, #tpu.memory_space<vmem>>, vector<128x128xf32>
    %dot_general3A = arith.constant dense<0.000000e+00> : vector<10000x128xf32>
    %dot_general3A_8 = tpu.matmul %add3A, %get3A_7, %dot_general3A {dimension_numbers = #tpu.dot_dimension_numbers<[1], [0], [0], [1], [0, 0, 1, 1], [], []>, transpose_lhs_hint = false} : vector<10000x128xf32>, vector<128x128xf32>, vector<10000x128xf32> -> vector<10000x128xf32>
    %get3A_9 = arith.constant 0 : index
    %get3A_10 = arith.constant 0 : index
    %get3A_11 = vector.load %arg3[%get3A_9, %get3A_10] : memref<1x128xf32, #tpu.memory_space<vmem>>, vector<1x128xf32>
    %add3A_12 = vector.broadcast %get3A_11 : vector<1x128xf32> to vector<10000x128xf32>
    %add3A_13 = arith.addf %dot_general3A_8, %add3A_12 : vector<10000x128xf32>
    %get3A_14 = arith.constant 0 : index
    %get3A_15 = arith.constant 0 : index
    %get3A_16 = vector.load %arg4[%get3A_14, %get3A_15] : memref<1x128xf32, #tpu.memory_space<vmem>>, vector<1x128xf32>
    %get3A_17 = arith.constant 0 : index
    %get3A_18 = arith.constant 0 : index
    %get3A_19 = vector.load %arg5[%get3A_17, %get3A_18] : memref<1x128xf32, #tpu.memory_space<vmem>>, vector<1x128xf32>
    %reduce_sum3A = arith.constant dense<0.000000e+00> : vector<128xf32>
    %reduce_sum3A_20 = vector.multi_reduction <add>, %add3A_13, %reduce_sum3A [0] : vector<10000x128xf32> to vector<128xf32>
    %broadcast_in_dim3A = vector.shape_cast %reduce_sum3A_20 : vector<128xf32> to vector<1x128xf32>
    %div3A = arith.constant 1.000000e+04 : f32
    %div3A_21 = vector.broadcast %div3A : f32 to vector<1x128xf32>
    %div3A_22 = arith.divf %broadcast_in_dim3A, %div3A_21 : vector<1x128xf32>
    %sub3A = vector.broadcast %div3A_22 : vector<1x128xf32> to vector<10000x128xf32>
    %sub3A_23 = arith.subf %add3A_13, %sub3A : vector<10000x128xf32>
    %integer_pow3A = arith.mulf %sub3A_23, %sub3A_23 : vector<10000x128xf32>
    %reduce_sum3A_24 = arith.constant dense<0.000000e+00> : vector<128xf32>
    %reduce_sum3A_25 = vector.multi_reduction <add>, %integer_pow3A, %reduce_sum3A_24 [0] : vector<10000x128xf32> to vector<128xf32>
    %broadcast_in_dim3A_26 = vector.shape_cast %reduce_sum3A_25 : vector<128xf32> to vector<1x128xf32>
    %div3A_27 = arith.constant 1.000000e+04 : f32
    %div3A_28 = vector.broadcast %div3A_27 : f32 to vector<1x128xf32>
    %div3A_29 = arith.divf %broadcast_in_dim3A_26, %div3A_28 : vector<1x128xf32>
    %sub3A_30 = vector.broadcast %div3A_22 : vector<1x128xf32> to vector<10000x128xf32>
    %sub3A_31 = arith.subf %add3A_13, %sub3A_30 : vector<10000x128xf32>
    %add3A_32 = arith.constant 9.99999974E-6 : f32
    %add3A_33 = vector.broadcast %add3A_32 : f32 to vector<1x128xf32>
    %add3A_34 = arith.addf %div3A_29, %add3A_33 : vector<1x128xf32>
    %rsqrt3A = math.rsqrt %add3A_34 : vector<1x128xf32>
    %mul3A = vector.broadcast %rsqrt3A : vector<1x128xf32> to vector<10000x128xf32>
    %mul3A_35 = arith.mulf %sub3A_31, %mul3A : vector<10000x128xf32>
    %mul3A_36 = vector.broadcast %get3A_16 : vector<1x128xf32> to vector<10000x128xf32>
    %mul3A_37 = arith.mulf %mul3A_35, %mul3A_36 : vector<10000x128xf32>
    %add3A_38 = vector.broadcast %get3A_19 : vector<1x128xf32> to vector<10000x128xf32>
    %add3A_39 = arith.addf %mul3A_37, %add3A_38 : vector<10000x128xf32>
    %max3A = arith.constant 0.000000e+00 : f32
    %max3A_40 = vector.broadcast %max3A : f32 to vector<10000x128xf32>
    %max3A_41 = arith.maximumf %add3A_39, %max3A_40 : vector<10000x128xf32>
    %swap3A = arith.constant 0 : index
    %swap3A_42 = arith.constant 0 : index
    %swap3A_43 = vector.load %arg6[%swap3A, %swap3A_42] : memref<10000x128xf32, #tpu.memory_space<vmem>>, vector<10000x128xf32>
    tpu.vector_store %arg6[%swap3A, %swap3A_42], %max3A_41 {strides = array<i32>} : memref<10000x128xf32, #tpu.memory_space<vmem>>, vector<10000x128xf32>,
    return
  }
}

module attributes {stable_mosaic.version = 14 : i64} {
  func.func @_stage3_body(%arg0: memref<10000x128xf32, #tpu.memory_space<vmem>>, %arg1: memref<10000x128xf32, #tpu.memory_space<vmem>>, %arg2: memref<128x128xf32, #tpu.memory_space<vmem>>, %arg3: memref<1x128xf32, #tpu.memory_space<vmem>>, %arg4: memref<128x128xf32, #tpu.memory_space<vmem>>, %arg5: memref<1x128xf32, #tpu.memory_space<vmem>>, %arg6: memref<1x128xf32, #tpu.memory_space<vmem>>, %arg7: memref<1x128xf32, #tpu.memory_space<vmem>>, %arg8: memref<1x128xf32, #tpu.memory_space<vmem>>, %arg9: memref<1x128xf32, #tpu.memory_space<vmem>>, %arg10: memref<10000x128xf32, #tpu.memory_space<vmem>>) attributes {dimension_semantics = [], scalar_prefetch = 0 : i64, scratch_operands = 0 : i64, tpu.core_type = #tpu.core_type<tc>} {
    %get3A = arith.constant 0 : index
    %get3A_0 = arith.constant 0 : index
    %get3A_1 = vector.load %arg0[%get3A, %get3A_0] : memref<10000x128xf32, #tpu.memory_space<vmem>>, vector<10000x128xf32>
    %get3A_2 = arith.constant 0 : index
    %get3A_3 = arith.constant 0 : index
    %get3A_4 = vector.load %arg1[%get3A_2, %get3A_3] : memref<10000x128xf32, #tpu.memory_space<vmem>>, vector<10000x128xf32>
    %add3A = arith.addf %get3A_1, %get3A_4 : vector<10000x128xf32>
    %get3A_5 = arith.constant 0 : index
    %get3A_6 = arith.constant 0 : index
    %get3A_7 = vector.load %arg2[%get3A_5, %get3A_6] : memref<128x128xf32, #tpu.memory_space<vmem>>, vector<128x128xf32>
    %dot_general3A = arith.constant dense<0.000000e+00> : vector<10000x128xf32>
    %dot_general3A_8 = tpu.matmul %add3A, %get3A_7, %dot_general3A {dimension_numbers = #tpu.dot_dimension_numbers<[1], [0], [0], [1], [0, 0, 1, 1], [], []>, transpose_lhs_hint = false} : vector<10000x128xf32>, vector<128x128xf32>, vector<10000x128xf32> -> vector<10000x128xf32>
    %get3A_9 = arith.constant 0 : index
    %get3A_10 = arith.constant 0 : index
    %get3A_11 = vector.load %arg3[%get3A_9, %get3A_10] : memref<1x128xf32, #tpu.memory_space<vmem>>, vector<1x128xf32>
    %add3A_12 = vector.broadcast %get3A_11 : vector<1x128xf32> to vector<10000x128xf32>
    %add3A_13 = arith.addf %dot_general3A_8, %add3A_12 : vector<10000x128xf32>
    %get3A_14 = arith.constant 0 : index
    %get3A_15 = arith.constant 0 : index
    %get3A_16 = vector.load %arg6[%get3A_14, %get3A_15] : memref<1x128xf32, #tpu.memory_space<vmem>>, vector<1x128xf32>
    %get3A_17 = arith.constant 0 : index
    %get3A_18 = arith.constant 0 : index
    %get3A_19 = vector.load %arg7[%get3A_17, %get3A_18] : memref<1x128xf32, #tpu.memory_space<vmem>>, vector<1x128xf32>
    %reduce_sum3A = arith.constant dense<0.000000e+00> : vector<128xf32>
    %reduce_sum3A_20 = vector.multi_reduction <add>, %add3A_13, %reduce_sum3A [0] : vector<10000x128xf32> to vector<128xf32>
    %broadcast_in_dim3A = vector.shape_cast %reduce_sum3A_20 : vector<128xf32> to vector<1x128xf32>
    %div3A = arith.constant 1.000000e+04 : f32
    %div3A_21 = vector.broadcast %div3A : f32 to vector<1x128xf32>
    %div3A_22 = arith.divf %broadcast_in_dim3A, %div3A_21 : vector<1x128xf32>
    %sub3A = vector.broadcast %div3A_22 : vector<1x128xf32> to vector<10000x128xf32>
    %sub3A_23 = arith.subf %add3A_13, %sub3A : vector<10000x128xf32>
    %integer_pow3A = arith.mulf %sub3A_23, %sub3A_23 : vector<10000x128xf32>
    %reduce_sum3A_24 = arith.constant dense<0.000000e+00> : vector<128xf32>
    %reduce_sum3A_25 = vector.multi_reduction <add>, %integer_pow3A, %reduce_sum3A_24 [0] : vector<10000x128xf32> to vector<128xf32>
    %broadcast_in_dim3A_26 = vector.shape_cast %reduce_sum3A_25 : vector<128xf32> to vector<1x128xf32>
    %div3A_27 = arith.constant 1.000000e+04 : f32
    %div3A_28 = vector.broadcast %div3A_27 : f32 to vector<1x128xf32>
    %div3A_29 = arith.divf %broadcast_in_dim3A_26, %div3A_28 : vector<1x128xf32>
    %sub3A_30 = vector.broadcast %div3A_22 : vector<1x128xf32> to vector<10000x128xf32>
    %sub3A_31 = arith.subf %add3A_13, %sub3A_30 : vector<10000x128xf32>
    %add3A_32 = arith.constant 9.99999974E-6 : f32
    %add3A_33 = vector.broadcast %add3A_32 : f32 to vector<1x128xf32>
    %add3A_34 = arith.addf %div3A_29, %add3A_33 : vector<1x128xf32>
    %rsqrt3A = math.rsqrt %add3A_34 : vector<1x128xf32>
    %mul3A = vector.broadcast %rsqrt3A : vector<1x128xf32> to vector<10000x128xf32>
    %mul3A_35 = arith.mulf %sub3A_31, %mul3A : vector<10000x128xf32>
    %mul3A_36 = vector.broadcast %get3A_16 : vector<1x128xf32> to vector<10000x128xf32>
    %mul3A_37 = arith.mulf %mul3A_35, %mul3A_36 : vector<10000x128xf32>
    %add3A_38 = vector.broadcast %get3A_19 : vector<1x128xf32> to vector<10000x128xf32>
    %add3A_39 = arith.addf %mul3A_37, %add3A_38 : vector<10000x128xf32>
    %max3A = arith.constant 0.000000e+00 : f32
    %max3A_40 = vector.broadcast %max3A : f32 to vector<10000x128xf32>
    %max3A_41 = arith.maximumf %add3A_39, %max3A_40 : vector<10000x128xf32>
    %get3A_42 = arith.constant 0 : index
    %get3A_43 = arith.constant 0 : index
    %get3A_44 = vector.load %arg4[%get3A_42, %get3A_43] : memref<128x128xf32, #tpu.memory_space<vmem>>, vector<128x128xf32>
    %dot_general3A_45 = arith.constant dense<0.000000e+00> : vector<10000x128xf32>
    %dot_general3A_46 = tpu.matmul %max3A_41, %get3A_44, %dot_general3A_45 {dimension_numbers = #tpu.dot_dimension_numbers<[1], [0], [0], [1], [0, 0, 1, 1], [], []>, transpose_lhs_hint = false} : vector<10000x128xf32>, vector<128x128xf32>, vector<10000x128xf32> -> vector<10000x128xf32>
    %get3A_47 = arith.constant 0 : index
    %get3A_48 = arith.constant 0 : index
    %get3A_49 = vector.load %arg5[%get3A_47, %get3A_48] : memref<1x128xf32, #tpu.memory_space<vmem>>, vector<1x128xf32>
    %add3A_50 = vector.broadcast %get3A_49 : vector<1x128xf32> to vector<10000x128xf32>
    %add3A_51 = arith.addf %dot_general3A_46, %add3A_50 : vector<10000x128xf32>
    %max3A_52 = arith.constant 0.000000e+00 : f32
    %max3A_53 = vector.broadcast %max3A_52 : f32 to vector<10000x128xf32>
    %max3A_54 = arith.maximumf %add3A_51, %max3A_53 : vector<10000x128xf32>
    %get3A_55 = arith.constant 0 : index
    %get3A_56 = arith.constant 0 : index
    %get3A_57 = vector.load %arg8[%get3A_55, %get3A_56] : memref<1x128xf32, #tpu.memory_space<vmem>>, vector<1x128xf32>
    %get3A_58 = arith.constant 0 : index
    %get3A_59 = arith.constant 0 : index
    %get3A_60 = vector.load %arg9[%get3A_58, %get3A_59] : memref<1x128xf32, #tpu.memory_space<vmem>>, vector<1x128xf32>
    %reduce_sum3A_61 = arith.constant dense<0.000000e+00> : vector<128xf32>
    %reduce_sum3A_62 = vector.multi_reduction <add>, %max3A_54, %reduce_sum3A_61 [0] : vector<10000x128xf32> to vector<128xf32>
    %broadcast_in_dim3A_63 = vector.shape_cast %reduce_sum3A_62 : vector<128xf32> to vector<1x128xf32>
    %div3A_64 = arith.constant 1.000000e+04 : f32
    %div3A_65 = vector.broadcast %div3A_64 : f32 to vector<1x128xf32>
    %div3A_66 = arith.divf %broadcast_in_dim3A_63, %div3A_65 : vector<1x128xf32>
    %sub3A_67 = vector.broadcast %div3A_66 : vector<1x128xf32> to vector<10000x128xf32>
    %sub3A_68 = arith.subf %max3A_54, %sub3A_67 : vector<10000x128xf32>
    %integer_pow3A_69 = arith.mulf %sub3A_68, %sub3A_68 : vector<10000x128xf32>
    %reduce_sum3A_70 = arith.constant dense<0.000000e+00> : vector<128xf32>
    %reduce_sum3A_71 = vector.multi_reduction <add>, %integer_pow3A_69, %reduce_sum3A_70 [0] : vector<10000x128xf32> to vector<128xf32>
    %broadcast_in_dim3A_72 = vector.shape_cast %reduce_sum3A_71 : vector<128xf32> to vector<1x128xf32>
    %div3A_73 = arith.constant 1.000000e+04 : f32
    %div3A_74 = vector.broadcast %div3A_73 : f32 to vector<1x128xf32>
    %div3A_75 = arith.divf %broadcast_in_dim3A_72, %div3A_74 : vector<1x128xf32>
    %sub3A_76 = vector.broadcast %div3A_66 : vector<1x128xf32> to vector<10000x128xf32>
    %sub3A_77 = arith.subf %max3A_54, %sub3A_76 : vector<10000x128xf32>
    %add3A_78 = arith.constant 9.99999974E-6 : f32
    %add3A_79 = vector.broadcast %add3A_78 : f32 to vector<1x128xf32>
    %add3A_80 = arith.addf %div3A_75, %add3A_79 : vector<1x128xf32>
    %rsqrt3A_81 = math.rsqrt %add3A_80 : vector<1x128xf32>
    %mul3A_82 = vector.broadcast %rsqrt3A_81 : vector<1x128xf32> to vector<10000x128xf32>
    %mul3A_83 = arith.mulf %sub3A_77, %mul3A_82 : vector<10000x128xf32>
    %mul3A_84 = vector.broadcast %get3A_57 : vector<1x128xf32> to vector<10000x128xf32>
    %mul3A_85 = arith.mulf %mul3A_83, %mul3A_84 : vector<10000x128xf32>
    %add3A_86 = vector.broadcast %get3A_60 : vector<1x128xf32> to vector<10000x128xf32>
    %add3A_87 = arith.addf %mul3A_85, %add3A_86 : vector<10000x128xf32>
    %max3A_88 = arith.constant 0.000000e+00 : f32
    %max3A_89 = vector.broadcast %max3A_88 : f32 to vector<10000x128xf32>
    %max3A_90 = arith.maximumf %add3A_87, %max3A_89 : vector<10000x128xf32>
    %swap3A = arith.constant 0 : index
    %swap3A_91 = arith.constant 0 : index
    %swap3A_92 = vector.load %arg10[%swap3A, %swap3A_91] : memref<10000x128xf32, #tpu.memory_space<vmem>>, vector<10000x128xf32>
    tpu.vector_store %arg10[%swap3A, %swap3A_91], %max3A_90 {strides = array<i32>} : memref<10000x128xf32, #tpu.memory_space<vmem>>, vector<10000x128xf32>,
    return
  }
}

</mosaic_0001>

<sc_bundles>
// kernel: kernel.11.cloned.1.call-start
scs
__scs_entry_jumppad:
0x0: {  	(pc) =	sbr.rel $0x88, $3  }
0x1: {  	(tag) =	ssettag $0x0;
	lr =	simm.s32 $0x1  }
0x2: {  	[smem:$0x3F91] =	sst lr;
	_ =	strace $0xD0000000  }
0x3: {  	_ = 	snop  }
0x4: {  	_ = 	snop  }
0x5: {  	_ = 	snop  }
0x6: {  	_ = 	snop  }
0x7: {  	_ = 	snop  }
__scs_overlays_trampoline_lowered:
0x8: {  	[smem:$0x3FA0] =	sst s0  }
0x9: {  	[smem:$0x3FA1] =	sst s1  }
0xa: {  	[smem:$0x3FA2] =	sst s2  }
0xb: {  	[smem:$0x3FA3] =	sst s3  }
0xc: {  	[smem:$0x3FA4] =	sst s4  }
0xd: {  	[smem:$0x3FA5] =	sst s5  }
0xe: {  	[smem:$0x3FA6] =	sst s6  }
0xf: {  	[smem:$0x3FA7] =	sst s7  }
0x10: {  	[smem:$0x3FA8] =	sst s8  }
0x11: {  	[smem:$0x3FA9] =	sst s9;
	s0 =	simm.s32 @!p0 $0x0  }
0x12: {  	s1 =	sld [smem:$0x3F8F];
	s0 =	simm.s32 @p0 $0x1  }
0x13: {  	[smem:$0x3FAA] =	sst s0;
	s0 =	simm.s32 @!p1 $0x0  }
0x14: {  	s2 =	sld [smem:$0x3F8E];
	s0 =	simm.s32 @p1 $0x1  }
0x15: {  	[smem:$0x3FAB] =	sst s0;
	s0 =	simm.s32 @!p2 $0x0  }
0x16: {  	s3 =	sld [smem:$0x3FDB];
	s0 =	simm.s32 @p2 $0x1  }
0x17: {  	s4 =	simm.s32 $0x1BF5;
	[smem:$0x3FAD] =	sst s0  }
0x18: {  	s0 =	sld [smem:$0x3F90];
	_ =	swait.ge [sflag:s4], $0x0  }
0x19: {  	s7 =	sld [smem:$0x3F91]  }
0x1a: {  	s8 =	sadd.s32 $0xFFFFE003, lr  }
0x1b: {  	s9 =	sadd.s32 $0xFFFFFEF7, lr;
	s5 =	simm.s32 $0xFFFFFFFF;
	p2 =	slt.u32 s8, $0xFFFFF086  }
0x1c: {  	p1 =	slt.u32 s9, $0xF7A;
	s5 =	simm.s32 @!p2 $0x0  }
0x1d: {  	s5 =	simm.s32 @p1 $0x1;
	p0 =	seq.s32 s7, s2  }
0x1e: {  	s7 =	smul.u32 @!p0 $0xF7A, s2;
	p2 =	seq.s32 @!p0 s5, $0x0  }
0x1f: {  	s9 =	smul.u32 $0xF7A, s1;
	s8 =	simm.s32 @!p0 $0x1BF5;
	p2 =	por !p2, p0  }
0x20: {  	[sflag:s8] =	ssyncset.s32 @!p0 $0xFFFFF086;
	s6 =	sadd.s32 @!p0 s3, s7;
	s7 =	simm.s32 @!p0 $0x108  }
0x21: {  	s3 =	sadd.s32 s3, s9;
	s6 =	sadd.s32 @!p0 $0x88, s6;
	s7 =	simm.s32 @p2 $0x1082  }
0x22: {  	[simem:s7], [sflag:s8] =	dma.local @!p0 [hbm:s6], $0xF7A  }
0x23: {  	s9 =	sor.u32 $0xD0000000, s2;
	s6 =	simm.s32 $0x108;
	_ =	swait.ge @!p0 [sflag:s8], $0x0  }
0x24: {  	s3 =	sadd.s32 $0x88, s3;
	s6 =	simm.s32 @!p1 $0x1082;
	[sflag:s4] =	ssyncset.s32 $0xFFFFF086  }
0x25: {  	[simem:s6], [sflag:s4] =	dma.local [hbm:s3], $0xF7A  }
0x26: {  	[smem:$0x3F91] =	sst s1;
	(tag) =	ssettag s2;
	_ =	strace s9  }
0x27: {  	s1 =	sld [smem:$0x3FA1]  }
0x28: {  	s2 =	sld [smem:$0x3FA2]  }
0x29: {  	s4 =	sld [smem:$0x3FA4]  }
0x2a: {  	p0 =	seq.s32 s5, $0x0;
	s5 =	sld [smem:$0x3FA5]  }
0x2b: {  	s6 =	sld [smem:$0x3FA6]  }
0x2c: {  	s7 =	sld [smem:$0x3FA7]  }
0x2d: {  	s3 =	simm.s32 $0x108;
	s8 =	sld [smem:$0x3FA8]  }
0x2e: {  	s3 =	simm.s32 @!p0 $0x1082;
	s9 =	sld [smem:$0x3FA9]  }
0x2f: {  	lr =	sadd.s32 s0, s3;
	s0 =	sld [smem:$0x3FA0]  }
0x30: {  	s3 =	sld [smem:$0x3FA3]  }
0x31: {  	[smem:$0x3FAC] =	sst s10  }
0x32: {  	s10 =	sld [smem:$0x3FAA];
	_ =	sdelay $0x3  }
0x33: {  	p0 =	seq.s32 s10, $0x1;
	s10 =	sld [smem:$0x3FAC];
	_ =	sdelay $0x3  }
0x34: {  	[smem:$0x3FAC] =	sst s10  }
0x35: {  	s10 =	sld [smem:$0x3FAB];
	_ =	sdelay $0x3  }
0x36: {  	p1 =	seq.s32 s10, $0x1;
	s10 =	sld [smem:$0x3FAC];
	_ =	sdelay $0x3  }
0x37: {  	[smem:$0x3FAC] =	sst s10  }
0x38: {  	s10 =	sld [smem:$0x3FAD]  }
0x39: {  	_ = 	snop;
	(pc) =	sbr.ind lr, $3  }
0x3a: {  	_ = 	snop  }
0x3b: {  	_ = 	snop  }
0x3c: {  	p2 =	seq.s32 s10, $0x1;
	s10 =	sld [smem:$0x3FAC]  }
0x3d: {  	_ =	shalt  }
0x3e: {  	_ =	shalt  }
0x3f: {  	_ =	shalt  }
0x40: {  	_ =	shalt  }
0x41: {  	_ =	shalt  }
0x42: {  	_ =	shalt  }
0x43: {  	_ =	shalt  }
0x44: {  	_ =	shalt  }
0x45: {  	_ =	shalt  }
0x46: {  	_ =	shalt  }
0x47: {  	_ =	shalt  }
0x48: {  	_ =	shalt  }
0x49: {  	_ =	shalt  }
0x4a: {  	_ =	shalt  }
0x4b: {  	_ =	shalt  }
0x4c: {  	_ =	shalt  }
0x4d: {  	_ =	shalt  }
0x4e: {  	_ =	shalt  }
0x4f: {  	_ =	shalt  }
0x50: {  	_ =	shalt  }
0x51: {  	_ =	shalt  }
0x52: {  	_ =	shalt  }
0x53: {  	_ =	shalt  }
0x54: {  	_ =	shalt  }
0x55: {  	_ =	shalt  }
0x56: {  	_ =	shalt  }
0x57: {  	_ =	shalt  }
0x58: {  	_ =	shalt  }
0x59: {  	_ =	shalt  }
0x5a: {  	_ =	shalt  }
0x5b: {  	_ =	shalt  }
0x5c: {  	_ =	shalt  }
0x5d: {  	_ =	shalt  }
0x5e: {  	_ =	shalt  }
0x5f: {  	_ =	shalt  }
0x60: {  	_ =	shalt  }
0x61: {  	_ =	shalt  }
0x62: {  	_ =	shalt  }
0x63: {  	_ =	shalt  }
0x64: {  	_ =	shalt  }
0x65: {  	_ =	shalt  }
0x66: {  	_ =	shalt  }
0x67: {  	_ =	shalt  }
0x68: {  	_ =	shalt  }
0x69: {  	_ =	shalt  }
0x6a: {  	_ =	shalt  }
0x6b: {  	_ =	shalt  }
0x6c: {  	_ =	shalt  }
0x6d: {  	_ =	shalt  }
0x6e: {  	_ =	shalt  }
0x6f: {  	_ =	shalt  }
0x70: {  	_ =	shalt  }
0x71: {  	_ =	shalt  }
0x72: {  	_ =	shalt  }
0x73: {  	_ =	shalt  }
0x74: {  	_ =	shalt  }
0x75: {  	_ =	shalt  }
0x76: {  	_ =	shalt  }
0x77: {  	_ =	shalt  }
0x78: {  	_ =	shalt  }
0x79: {  	_ =	shalt  }
0x7a: {  	_ =	shalt  }
0x7b: {  	_ =	shalt  }
0x7c: {  	_ =	shalt  }
0x7d: {  	_ =	shalt  }
0x7e: {  	_ =	shalt  }
0x7f: {  	_ =	shalt  }
0x80: {  	_ =	shalt  }
0x81: {  	_ =	shalt  }
0x82: {  	_ =	shalt  }
0x83: {  	_ =	shalt  }
0x84: {  	_ =	shalt  }
0x85: {  	_ =	shalt  }
0x86: {  	_ =	shalt  }
0x87: {  	_ =	shalt  }
.Lfunc_end0:
.L_simem_size_0:
called_computation.1_lowered:
.L_overlay_start_0:
0x88: {  	s2 =	sld [smem:$0x3FD9]  }
0x89: {  	s3 =	sld [smem:$0x3FFE];
	_ =	sdelay $0x1  }
0x8a: {  	s1 =	srdreg.scid  }
0x8b: {  	s0 =	sand.u32 $0x1, s1  }
0x8c: {  	s17 =	sshll.u32 s0, $0xA;
	s2 =	sadd.s32 s3, s2  }
0x8d: {  	s2 =	sadd.s32 s2, s17  }
0x8e: {  	[smem:$0x3FB8] =	sst s2  }
0x8f: {  	_ = 	snop  }
0x90: {  	s2 =	sld [smem:$0x3FD0];
	(tm) =	ssettm $0x1  }
0x91: {  	s18 =	sld [smem:$0x3FFB];
	_ =	sdelay $0x3  }
0x92: {  	_ =	strace s18  }
0x93: {  	s3 =	sld [smem:$0x3FFC];
	_ =	sdelay $0x3  }
0x94: {  	_ =	strace s3  }
0x95: {  	s3 =	sld [smem:$0x3FFD];
	_ =	sdelay $0x3  }
0x96: {  	_ =	strace s3  }
0x97: {  	_ =	strace $0x8FFFFFFF  }
0x98: {  	s19 =	sld [smem:$0x3FDB];
	_ =	sdelay $0x1  }
0x99: {  	s4 =	simm.s32 $_scs_section_size  }
0x9a: {  	s5 =	simm.s32 $_size__tile_overlayer_lowered;
	s6 =	simm.s32 $_tile_overlayer_lowered  }
0x9b: {  	s22 =	simm.s32 $0x1BFF;
	s21 =	sshll.u32 s6, $0x1;
	s3 =	sadd.s32 s4, s19  }
0x9c: {  	s7 =	simm.s32 $0x0;
	s20 =	sshll.u32 s5, $0x1;
	s5 =	sadd.s32 s21, s3  }
0x9d: {  	[timem:s7], [sflag:s22] =	dma.local [hbm:s5], s20  }
0x9e: {  	_ =	swait.ge [sflag:s22], s20  }
0x9f: {  	s4 =	ssub.s32 $0x0, s20;
	[sflag:s22] =	ssyncset.done $0x0  }
0xa0: {  	[sflag:s22] =	ssyncadd.s32 s4;
	_ =	sdelay $0x1  }
0xa1: {  	s23 =	simm.s32 $0x1B8B  }
0xa2: {  	_ =	swait.ge [sflag:s23], $0x1  }
0xa3: {  	[sflag:s23] =	ssyncset.done $0x0  }
0xa4: {  	s25 =	simm.s32 $0x1B8E;
	s24 =	sld [smem:$0x3FFE];
	[sflag:s23] =	ssyncadd.s32 $0xFFFFFFFF  }
0xa5: {  	s26 =	simm.s32 $execute0_lowered;
	[smem:$0x3FD2] =	sst s25  }
0xa6: {  	s5 =	sshll.u32 s26, $0x1;
	_ =	strace $0x80000049;
	[dreg:$0x1] =	wrdreg $0xFFFFFFFF  }
0xa7: {  	s28 =	simm.s32 $_size_execute0_lowered;
	s3 =	sadd.s32 s3, s5;
	[dreg:$0x0] =	wrdreg $0x0  }
0xa8: {  	s5 =	sshll.u32 s28, $0x1;
	[dreg:$0x2] =	wrdreg s3  }
0xa9: {  	[dreg:$0x3] =	wrdreg s5  }
0xaa: {  	[dreg:$0x4] =	wrdreg $0xC0  }
0xab: {  	_ =	task [dreg:s7], $0x5FFFF  }
0xac: {  	[dreg:$0x1] =	wrdreg $0xFFFFFFFF  }
0xad: {  	[dreg:$0x0] =	wrdreg $0x60  }
0xae: {  	[dreg:$0x2] =	wrdreg s2  }
0xaf: {  	[dreg:$0x3] =	wrdreg s24  }
0xb0: {  	[dreg:$0x4] =	wrdreg $0x40000  }
0xb1: {  	[dreg:$0x5] =	wrdreg $0x9  }
0xb2: {  	_ =	task.clear_ibuf [dreg:s7], $0x6FFFF;
	_ =	strace $0x90000049  }
0xb3: {  	s29 =	simm.s32 $0x9;
	_ =	strace $0x8000004B  }
0xb4: {  	_ =	swait.ge [sflag:s29], $0x1  }
0xb5: {  	[sflag:s29] =	ssyncadd.s32 $0xFFFFFFFF  }
0xb6: {  	_ =	strace $0x9000004B  }
0xb7: {  	_ =	sfence  }
0xb8: {  	s30 =	sld [smem:$0x0];
	_ =	sdelay $0x2  }
0xb9: {  	s31 =	sshll.u32 s1, $0xD;
	s1 =	sshrl.u32 s1, $0x2  }
0xba: {  	s3 =	sand.u32 $0x4000, s31;
	s1 =	sadd.s32 s1, s30  }
0xbb: {  	s0 =	sor.u32 s3, s0;
	s1 =	sshll.u32 s1, $0x11  }
0xbc: {  	s0 =	sor.u32 s1, s0  }
0xbd: {  	s0 =	sadd.s32 $0x8F2B, s0  }
0xbe: {  	[sflag:s0] =	ssyncadd.remote.s32 $0x1  }
0xbf: {  	_ =	sfence.sel $0xFFFF  }
0xc0: {  	[dreg:$0x0] =	wrdreg $0xFFFFFFFF;
	(pc) =	sbr.abs _section_cstart, $3  }
0xc1: {  	[dreg:$0x1] =	wrdreg $0xFFFFFFFF  }
0xc2: {  	_ =	task.clear_ibuf [dreg:s7], $0x2FFFF;
	_ =	strace $0x9FFFFFFF  }
0xc3: {  	(tm) =	ssettm $0x7FFFFFFF  }
tec
execute0_lowered:
.L_overlay_start_1:
0x0: {  	(tag) =	ssettag $0x1  }
0x1: {  	s1 =	rddreg [dreg:$0x0]  }
0x2: {  	s0 =	rddreg [dreg:$0x1]  }
0x3: {  	s2 =	rddreg [dreg:$0x2]  }
0x4: {  	s3 =	srdreg.scid;
	s4 =	simm.s32 $0x0;
	s9 =	stileid.u32  }
0x5: {  	s14 =	simm.s32 $0x7;
	s15 =	simm.s32 $0x2000;
	s16 =	simm.s32 $0x50  }
0x6: {  	s17 =	simm.s32 $0x17C00;
	s18 =	simm.s32 $0x80;
	s19 =	simm.s32 $0x1A400  }
0x7: {  	s20 =	simm.s32 $0x1;
	s28 =	simm.s32 $0x3;
	s29 =	simm.s32 $0x2100  }
0x8: {  	s30 =	simm.s32 $0x5;
	s31 =	simm.s32 $0x6;
	s3 =	sand.u32 $0x1, s3  }
0x9: {  	s7 =	sshll.u32 s9, $0xB;
	s8 =	smul.u32 $0x13C00, s9;
	[smem:$0x7FF] =	sst s4  }
0xa: {  	s21 =	smul.u32 $0x4F000, s9;
	s22 =	sadd.s32 $0x23E00, s0;
	s25 =	sshll.u32 s9, $0x6  }
0xb: {  	s5 =	smul.u32 $0x13C000, s3;
	s6 =	sshll.u32 s3, $0xF;
	_ =	strace $0x8000004A  }
0xc: {  	s3 =	ssub.s32 $0x2, s3;
	[dreg:$0x4] =	wrdreg s22;
	s22 =	simm.s32 $0x1CC00  }
0xd: {  	s6 =	sor.u32 s7, s6;
	s23 =	sshrl.u32 s3, $0x1;
	s24 =	sshrl.u32 s21, $0x2  }
0xe: {  	s21 =	simm.s32 $0x100;
	s10 =	sadd.s32 s6, s0;
	s5 =	sadd.s32 s8, s5  }
0xf: {  	s3 =	ssub.s32 s3, s23;
	s6 =	sor.u32 $0x1C07, s25;
	s23 =	simm.s32 $0x2  }
0x10: {  	s25 =	simm.s32 $0x4;
	s5 =	sshrl.u32 s5, $0x3;
	s26 =	sadd.s32 $0x3E00, s10  }
0x11: {  	s8 =	sadd.s32 $0x13E00, s10;
	s9 =	sadd.s32 $0x4200, s10;
	s10 =	sadd.s32 $0x14200, s10  }
0x12: {  	s12 =	smax.u32 s3, $0x1;
	s0 =	sadd.s32 s5, s0;
	s5 =	sadd.s32 s24, s2  }
0x13: {  	[dreg:$0x5] =	wrdreg s26;
	s24 =	simm.s32 $0x2080;
	s26 =	simm.s32 $0x180  }
0x14: {  	s11 =	sadd.s32 $0x26600, s0;
	s13 =	sshrl.u32 s5, $0x3;
	s0 =	simm.s32 $0x0  }
.LBB2_1:
0x15: {  	s3 =	rddreg [dreg:$0x4]  }
0x16: {  	[spmem:s13], [sflag:s6] =	dma.local [hbm:s3], $0x2780  }
0x17: {  	_ =	swait.ge [sflag:s14], $0x2780  }
0x18: {  	[sflag:s14] =	ssyncset.done $0x0  }
0x19: {  	[sflag:s14] =	ssyncadd.s32 $0xFFFFD880  }
0x1a: {  	[bflag:$0x0] =	sbarrier.arrive $0xFFFF  }
0x1b: {  	s5 =	rddreg [dreg:$0x5]  }
0x1c: {  	[tilespmem:s4], [sflag:$0x7] =	stream.linear.gather [hbm4b:s5+s4], $0x1F80, $0x38;
	[tilespmem:$0x1F400] =	vst v63  }
0x1d: {  	_ =	swait.ge [sflag:s14], $0x1F80  }
0x1e: {  	[sflag:s14] =	ssyncset.done $0x0  }
0x1f: {  	[sflag:s14] =	ssyncadd.s32 $0xFFFFE080  }
0x20: {  	[tilespmem:s15], [sflag:$0x7] =	stream.linear.gather [hbm4b:s8+s4], $0x1F80, $0x38;
	[tilespmem:$0x1F400] =	vst v63  }
0x21: {  	_ =	swait.ge [sflag:s14], $0x1F80  }
0x22: {  	[sflag:s14] =	ssyncset.done $0x0  }
0x23: {  	[sflag:s14] =	ssyncadd.s32 $0xFFFFE080  }
0x24: {  	[tilespmem:s17], [sflag:$0x1] =	stream.indirect.gather [hbm4b:s1+s16], $0x80, s4, s16, $0xb8;
	[tilespmem:$0x1F400] =	vst v63  }
0x25: {  	_ = 	snop  }
0x26: {  	[tilespmem:s19], [sflag:$0x2] =	stream.indirect.gather [hbm4b:s1+s16], $0x80, s18, s16, $0xb8;
	[tilespmem:$0x1F400] =	vst v63  }
0x27: {  	_ =	swait.ge [sflag:s20], $0x2800  }
0x28: {  	[sflag:s20] =	ssyncset.done $0x0  }
0x29: {  	[sflag:s20] =	ssyncadd.s32 $0xFFFFD800  }
0x2a: {  	[spmem:s2] =	stream.indirect.scatter.add.f32 [tilespmem:s17], [sflag:$0x4], $0x80, s15, s16, $0xb8;
	[tilespmem:$0x1F400] =	vst v63  }
0x2b: {  	_ = 	snop  }
0x2c: {  	[tilespmem:s22], [sflag:$0x3] =	stream.indirect.gather [hbm4b:s1+s16], $0x80, s21, s16, $0xb8;
	[tilespmem:$0x1F400] =	vst v63  }
0x2d: {  	_ =	swait.ge [sflag:s23], $0x2800  }
0x2e: {  	[sflag:s23] =	ssyncset.done $0x0  }
0x2f: {  	[sflag:s23] =	ssyncadd.s32 $0xFFFFD800  }
0x30: {  	[spmem:s2] =	stream.indirect.scatter.add.f32 [tilespmem:s19], [sflag:$0x5], $0x80, s24, s16, $0xb8;
	[tilespmem:$0x1F400] =	vst v63  }
0x31: {  	_ =	swait.ge [sflag:s25], $0x2800  }
0x32: {  	[sflag:s25] =	ssyncset.done $0x0  }
0x33: {  	[sflag:s25] =	ssyncadd.s32 $0xFFFFD800  }
0x34: {  	[tilespmem:s17], [sflag:$0x1] =	stream.indirect.gather [hbm4b:s1+s16], $0x80, s26, s16, $0xb8;
	[tilespmem:$0x1F400] =	vst v63  }
0x35: {  	_ =	swait.ge [sflag:s28], $0x2800  }
0x36: {  	[sflag:s28] =	ssyncset.done $0x0  }
0x37: {  	[sflag:s28] =	ssyncadd.s32 $0xFFFFD800  }
0x38: {  	[spmem:s2] =	stream.indirect.scatter.add.f32 [tilespmem:s22], [sflag:$0x6], $0x80, s29, s16, $0xb8;
	[tilespmem:$0x1F400] =	vst v63  }
0x39: {  	_ =	swait.ge [sflag:s30], $0x2800  }
0x3a: {  	[sflag:s30] =	ssyncset.done $0x0  }
0x3b: {  	s7 =	simm.s32 $0x200;
	[sflag:s30] =	ssyncadd.s32 $0xFFFFD800  }
0x3c: {  	[tilespmem:s19], [sflag:$0x2] =	stream.indirect.gather [hbm4b:s1+s16], $0x80, s7, s16, $0xb8;
	[tilespmem:$0x1F400] =	vst v63  }
0x3d: {  	_ =	swait.ge [sflag:s20], $0x2800  }
0x3e: {  	[sflag:s20] =	ssyncset.done $0x0  }
0x3f: {  	s5 =	simm.s32 $0x2180;
	[sflag:s20] =	ssyncadd.s32 $0xFFFFD800  }
0x40: {  	[spmem:s2] =	stream.indirect.scatter.add.f32 [tilespmem:s17], [sflag:$0x4], $0x80, s5, s16, $0xb8;
	[tilespmem:$0x1F400] =	vst v63  }
0x41: {  	_ =	swait.ge [sflag:s31], $0x2800  }
0x42: {  	[sflag:s31] =	ssyncset.done $0x0  }
0x43: {  	s7 =	simm.s32 $0x280;
	[sflag:s31] =	ssyncadd.s32 $0xFFFFD800  }
0x44: {  	[tilespmem:s22], [sflag:$0x3] =	stream.indirect.gather [hbm4b:s1+s16], $0x80, s7, s16, $0xb8;
	[tilespmem:$0x1F400] =	vst v63  }
0x45: {  	_ =	swait.ge [sflag:s23], $0x2800  }
0x46: {  	[sflag:s23] =	ssyncset.done $0x0  }
0x47: {  	s5 =	simm.s32 $0x2200;
	[sflag:s23] =	ssyncadd.s32 $0xFFFFD800  }
0x48: {  	[spmem:s2] =	stream.indirect.scatter.add.f32 [tilespmem:s19], [sflag:$0x5], $0x80, s5, s16, $0xb8;
	[tilespmem:$0x1F400] =	vst v63  }
0x49: {  	_ =	swait.ge [sflag:s25], $0x2800  }
0x4a: {  	[sflag:s25] =	ssyncset.done $0x0  }
0x4b: {  	s7 =	simm.s32 $0x300;
	[sflag:s25] =	ssyncadd.s32 $0xFFFFD800  }
0x4c: {  	[tilespmem:s17], [sflag:$0x1] =	stream.indirect.gather [hbm4b:s1+s16], $0x80, s7, s16, $0xb8;
	[tilespmem:$0x1F400] =	vst v63  }
0x4d: {  	_ =	swait.ge [sflag:s28], $0x2800  }
0x4e: {  	[sflag:s28] =	ssyncset.done $0x0  }
0x4f: {  	s3 =	simm.s32 $0x600;
	s5 =	simm.s32 $0x2280;
	[sflag:s28] =	ssyncadd.s32 $0xFFFFD800  }
.LBB2_2:
0x50: {  	[spmem:s2] =	stream.indirect.scatter.add.f32 [tilespmem:s22], [sflag:$0x6], $0x80, s5, s16, $0xb8;
	[tilespmem:$0x1F400] =	vst v63  }
0x51: {  	s5 =	smov.u32 s3;
	s3 =	sadd.s32 $0x600, s3;
	_ =	swait.ge [sflag:s30], $0x2800  }
0x52: {  	s5 =	sshra.s32 s5, $0x2;
	p0 =	sne.s32 s3, $0x7200;
	[sflag:s30] =	ssyncset.done $0x0  }
0x53: {  	s7 =	sadd.s32 $0x200, s5;
	[sflag:s30] =	ssyncadd.s32 $0xFFFFD800  }
0x54: {  	[tilespmem:s19], [sflag:$0x2] =	stream.indirect.gather [hbm4b:s1+s16], $0x80, s7, s16, $0xb8;
	[tilespmem:$0x1F400] =	vst v63  }
0x55: {  	_ =	swait.ge [sflag:s20], $0x2800  }
0x56: {  	[sflag:s20] =	ssyncset.done $0x0  }
0x57: {  	s7 =	sadd.s32 $0x2180, s5;
	[sflag:s20] =	ssyncadd.s32 $0xFFFFD800  }
0x58: {  	[spmem:s2] =	stream.indirect.scatter.add.f32 [tilespmem:s17], [sflag:$0x4], $0x80, s7, s16, $0xb8;
	[tilespmem:$0x1F400] =	vst v63  }
0x59: {  	_ =	swait.ge [sflag:s31], $0x2800  }
0x5a: {  	[sflag:s31] =	ssyncset.done $0x0  }
0x5b: {  	s7 =	sadd.s32 $0x280, s5;
	[sflag:s31] =	ssyncadd.s32 $0xFFFFD800  }
0x5c: {  	[tilespmem:s22], [sflag:$0x3] =	stream.indirect.gather [hbm4b:s1+s16], $0x80, s7, s16, $0xb8;
	[tilespmem:$0x1F400] =	vst v63  }
0x5d: {  	_ =	swait.ge [sflag:s23], $0x2800  }
0x5e: {  	[sflag:s23] =	ssyncset.done $0x0  }
0x5f: {  	s7 =	sadd.s32 $0x2200, s5;
	[sflag:s23] =	ssyncadd.s32 $0xFFFFD800  }
0x60: {  	[spmem:s2] =	stream.indirect.scatter.add.f32 [tilespmem:s19], [sflag:$0x5], $0x80, s7, s16, $0xb8;
	[tilespmem:$0x1F400] =	vst v63  }
0x61: {  	_ =	swait.ge [sflag:s25], $0x2800  }
0x62: {  	[sflag:s25] =	ssyncset.done $0x0  }
.Ltmp0:
0x63: {  	s7 =	sadd.s32 $0x300, s5;
	[sflag:s25] =	ssyncadd.s32 $0xFFFFD800;
	(pc) =	sbr.rel @p0 .LBB2_2-.Ltmp0, $4  }
0x64: {  	[tilespmem:s17], [sflag:$0x1] =	stream.indirect.gather [hbm4b:s1+s16], $0x80, s7, s16, $0xb8;
	[tilespmem:$0x1F400] =	vst v63  }
0x65: {  	_ =	swait.ge [sflag:s28], $0x2800  }
0x66: {  	[sflag:s28] =	ssyncset.done $0x0  }
0x67: {  	s5 =	sadd.s32 $0x2280, s5;
	[sflag:s28] =	ssyncadd.s32 $0xFFFFD800  }
0x68: {  	[spmem:s2] =	stream.indirect.scatter.add.f32 [tilespmem:s22], [sflag:$0x6], $0x80, s5, s16, $0xb8;
	[tilespmem:$0x1F400] =	vst v63  }
0x69: {  	_ =	swait.ge [sflag:s30], $0x2800  }
0x6a: {  	s3 =	sshra.s32 s3, $0x2;
	[sflag:s30] =	ssyncset.done $0x0  }
0x6b: {  	s7 =	sadd.s32 $0x200, s3;
	[sflag:s30] =	ssyncadd.s32 $0xFFFFD800  }
0x6c: {  	[tilespmem:s19], [sflag:$0x2] =	stream.indirect.gather [hbm4b:s1+s16], $0x80, s7, s16, $0xb8;
	[tilespmem:$0x1F400] =	vst v63  }
0x6d: {  	_ =	swait.ge [sflag:s20], $0x2800  }
0x6e: {  	[sflag:s20] =	ssyncset.done $0x0  }
0x6f: {  	s7 =	sadd.s32 $0x2180, s3;
	[sflag:s20] =	ssyncadd.s32 $0xFFFFD800  }
0x70: {  	[spmem:s2] =	stream.indirect.scatter.add.f32 [tilespmem:s17], [sflag:$0x4], $0x80, s7, s16, $0xb8;
	[tilespmem:$0x1F400] =	vst v63  }
0x71: {  	_ =	swait.ge [sflag:s31], $0x2800  }
0x72: {  	[sflag:s31] =	ssyncset.done $0x0  }
0x73: {  	s7 =	sadd.s32 $0x280, s3;
	[sflag:s31] =	ssyncadd.s32 $0xFFFFD800  }
0x74: {  	[tilespmem:s22], [sflag:$0x3] =	stream.indirect.gather [hbm4b:s1+s16], $0x80, s7, s16, $0xb8;
	[tilespmem:$0x1F400] =	vst v63  }
0x75: {  	_ =	swait.ge [sflag:s23], $0x2800  }
0x76: {  	[sflag:s23] =	ssyncset.done $0x0  }
0x77: {  	s7 =	sadd.s32 $0x2200, s3;
	[sflag:s23] =	ssyncadd.s32 $0xFFFFD800  }
0x78: {  	[spmem:s2] =	stream.indirect.scatter.add.f32 [tilespmem:s19], [sflag:$0x5], $0x80, s7, s16, $0xb8;
	[tilespmem:$0x1F400] =	vst v63  }
0x79: {  	_ =	swait.ge [sflag:s25], $0x2800  }
0x7a: {  	[sflag:s25] =	ssyncset.done $0x0  }
0x7b: {  	[sflag:s25] =	ssyncadd.s32 $0xFFFFD800  }
0x7c: {  	_ =	swait.ge [sflag:s28], $0x2800  }
0x7d: {  	[sflag:s28] =	ssyncset.done $0x0  }
0x7e: {  	s3 =	sadd.s32 $0x2280, s3;
	[sflag:s28] =	ssyncadd.s32 $0xFFFFD800  }
0x7f: {  	[spmem:s2] =	stream.indirect.scatter.add.f32 [tilespmem:s22], [sflag:$0x6], $0x80, s3, s16, $0xb8;
	[tilespmem:$0x1F400] =	vst v63  }
0x80: {  	_ =	swait.ge [sflag:s30], $0x2800  }
0x81: {  	[sflag:s30] =	ssyncset.done $0x0  }
0x82: {  	[sflag:s30] =	ssyncadd.s32 $0xFFFFD800  }
0x83: {  	_ =	swait.ge [sflag:s31], $0x2800  }
0x84: {  	[sflag:s31] =	ssyncset.done $0x0  }
0x85: {  	s5 =	simm.s32 $0x0;
	[sflag:s31] =	ssyncadd.s32 $0xFFFFD800  }
0x86: {  	[tilespmem:s5], [sflag:$0x7] =	stream.linear.gather [hbm4b:s9+s5], $0x1F80, $0x38;
	[tilespmem:$0x1F400] =	vst v63  }
0x87: {  	_ =	swait.ge [sflag:s14], $0x1F80  }
0x88: {  	[sflag:s14] =	ssyncset.done $0x0  }
0x89: {  	[sflag:s14] =	ssyncadd.s32 $0xFFFFE080  }
0x8a: {  	[tilespmem:s15], [sflag:$0x7] =	stream.linear.gather [hbm4b:s10+s5], $0x1F80, $0x38;
	[tilespmem:$0x1F400] =	vst v63  }
0x8b: {  	_ =	swait.ge [sflag:s14], $0x1F80  }
0x8c: {  	[sflag:s14] =	ssyncset.done $0x0  }
0x8d: {  	[sflag:s14] =	ssyncadd.s32 $0xFFFFE080  }
0x8e: {  	[tilespmem:s17], [sflag:$0x1] =	stream.indirect.gather [hbm4b:s1+s16], $0x80, s5, s16, $0xb8;
	[tilespmem:$0x1F400] =	vst v63  }
0x8f: {  	_ = 	snop  }
0x90: {  	[tilespmem:s19], [sflag:$0x2] =	stream.indirect.gather [hbm4b:s1+s16], $0x80, s18, s16, $0xb8;
	[tilespmem:$0x1F400] =	vst v63  }
0x91: {  	_ =	swait.ge [sflag:s20], $0x2800  }
0x92: {  	[sflag:s20] =	ssyncset.done $0x0  }
0x93: {  	[sflag:s20] =	ssyncadd.s32 $0xFFFFD800  }
0x94: {  	[spmem:s2] =	stream.indirect.scatter.add.f32 [tilespmem:s17], [sflag:$0x4], $0x80, s15, s16, $0xb8;
	[tilespmem:$0x1F400] =	vst v63  }
0x95: {  	_ = 	snop  }
0x96: {  	[tilespmem:s22], [sflag:$0x3] =	stream.indirect.gather [hbm4b:s1+s16], $0x80, s21, s16, $0xb8;
	[tilespmem:$0x1F400] =	vst v63  }
0x97: {  	_ =	swait.ge [sflag:s23], $0x2800  }
0x98: {  	[sflag:s23] =	ssyncset.done $0x0  }
0x99: {  	[sflag:s23] =	ssyncadd.s32 $0xFFFFD800  }
0x9a: {  	[spmem:s2] =	stream.indirect.scatter.add.f32 [tilespmem:s19], [sflag:$0x5], $0x80, s24, s16, $0xb8;
	[tilespmem:$0x1F400] =	vst v63  }
0x9b: {  	_ =	swait.ge [sflag:s25], $0x2800  }
0x9c: {  	[sflag:s25] =	ssyncset.done $0x0  }
0x9d: {  	[sflag:s25] =	ssyncadd.s32 $0xFFFFD800  }
0x9e: {  	[tilespmem:s17], [sflag:$0x1] =	stream.indirect.gather [hbm4b:s1+s16], $0x80, s26, s16, $0xb8;
	[tilespmem:$0x1F400] =	vst v63  }
0x9f: {  	_ =	swait.ge [sflag:s28], $0x2800  }
0xa0: {  	[sflag:s28] =	ssyncset.done $0x0  }
0xa1: {  	[sflag:s28] =	ssyncadd.s32 $0xFFFFD800  }
0xa2: {  	[spmem:s2] =	stream.indirect.scatter.add.f32 [tilespmem:s22], [sflag:$0x6], $0x80, s29, s16, $0xb8;
	[tilespmem:$0x1F400] =	vst v63  }
0xa3: {  	_ =	swait.ge [sflag:s30], $0x2800  }
0xa4: {  	[sflag:s30] =	ssyncset.done $0x0  }
0xa5: {  	s7 =	simm.s32 $0x200;
	[sflag:s30] =	ssyncadd.s32 $0xFFFFD800  }
0xa6: {  	[tilespmem:s19], [sflag:$0x2] =	stream.indirect.gather [hbm4b:s1+s16], $0x80, s7, s16, $0xb8;
	[tilespmem:$0x1F400] =	vst v63  }
0xa7: {  	_ =	swait.ge [sflag:s20], $0x2800  }
0xa8: {  	[sflag:s20] =	ssyncset.done $0x0  }
0xa9: {  	s5 =	simm.s32 $0x2180;
	[sflag:s20] =	ssyncadd.s32 $0xFFFFD800  }
0xaa: {  	[spmem:s2] =	stream.indirect.scatter.add.f32 [tilespmem:s17], [sflag:$0x4], $0x80, s5, s16, $0xb8;
	[tilespmem:$0x1F400] =	vst v63  }
0xab: {  	_ =	swait.ge [sflag:s31], $0x2800  }
0xac: {  	[sflag:s31] =	ssyncset.done $0x0  }
0xad: {  	s7 =	simm.s32 $0x280;
	[sflag:s31] =	ssyncadd.s32 $0xFFFFD800  }
0xae: {  	[tilespmem:s22], [sflag:$0x3] =	stream.indirect.gather [hbm4b:s1+s16], $0x80, s7, s16, $0xb8;
	[tilespmem:$0x1F400] =	vst v63  }
0xaf: {  	_ =	swait.ge [sflag:s23], $0x2800  }
0xb0: {  	[sflag:s23] =	ssyncset.done $0x0  }
0xb1: {  	s5 =	simm.s32 $0x2200;
	[sflag:s23] =	ssyncadd.s32 $0xFFFFD800  }
0xb2: {  	[spmem:s2] =	stream.indirect.scatter.add.f32 [tilespmem:s19], [sflag:$0x5], $0x80, s5, s16, $0xb8;
	[tilespmem:$0x1F400] =	vst v63  }
0xb3: {  	_ =	swait.ge [sflag:s25], $0x2800  }
0xb4: {  	[sflag:s25] =	ssyncset.done $0x0  }
0xb5: {  	s7 =	simm.s32 $0x300;
	[sflag:s25] =	ssyncadd.s32 $0xFFFFD800  }
0xb6: {  	[tilespmem:s17], [sflag:$0x1] =	stream.indirect.gather [hbm4b:s1+s16], $0x80, s7, s16, $0xb8;
	[tilespmem:$0x1F400] =	vst v63  }
0xb7: {  	_ =	swait.ge [sflag:s28], $0x2800  }
0xb8: {  	[sflag:s28] =	ssyncset.done $0x0  }
0xb9: {  	s3 =	simm.s32 $0x600;
	s5 =	simm.s32 $0x2280;
	[sflag:s28] =	ssyncadd.s32 $0xFFFFD800  }
.LBB2_4:
0xba: {  	[spmem:s2] =	stream.indirect.scatter.add.f32 [tilespmem:s22], [sflag:$0x6], $0x80, s5, s16, $0xb8;
	[tilespmem:$0x1F400] =	vst v63  }
0xbb: {  	s5 =	smov.u32 s3;
	s3 =	sadd.s32 $0x600, s3;
	_ =	swait.ge [sflag:s30], $0x2800  }
0xbc: {  	s5 =	sshra.s32 s5, $0x2;
	p0 =	sne.s32 s3, $0x7200;
	[sflag:s30] =	ssyncset.done $0x0  }
0xbd: {  	s7 =	sadd.s32 $0x200, s5;
	[sflag:s30] =	ssyncadd.s32 $0xFFFFD800  }
0xbe: {  	[tilespmem:s19], [sflag:$0x2] =	stream.indirect.gather [hbm4b:s1+s16], $0x80, s7, s16, $0xb8;
	[tilespmem:$0x1F400] =	vst v63  }
0xbf: {  	_ =	swait.ge [sflag:s20], $0x2800  }
0xc0: {  	[sflag:s20] =	ssyncset.done $0x0  }
0xc1: {  	s7 =	sadd.s32 $0x2180, s5;
	[sflag:s20] =	ssyncadd.s32 $0xFFFFD800  }
0xc2: {  	[spmem:s2] =	stream.indirect.scatter.add.f32 [tilespmem:s17], [sflag:$0x4], $0x80, s7, s16, $0xb8;
	[tilespmem:$0x1F400] =	vst v63  }
0xc3: {  	_ =	swait.ge [sflag:s31], $0x2800  }
0xc4: {  	[sflag:s31] =	ssyncset.done $0x0  }
0xc5: {  	s7 =	sadd.s32 $0x280, s5;
	[sflag:s31] =	ssyncadd.s32 $0xFFFFD800  }
0xc6: {  	[tilespmem:s22], [sflag:$0x3] =	stream.indirect.gather [hbm4b:s1+s16], $0x80, s7, s16, $0xb8;
	[tilespmem:$0x1F400] =	vst v63  }
0xc7: {  	_ =	swait.ge [sflag:s23], $0x2800  }
0xc8: {  	[sflag:s23] =	ssyncset.done $0x0  }
0xc9: {  	s7 =	sadd.s32 $0x2200, s5;
	[sflag:s23] =	ssyncadd.s32 $0xFFFFD800  }
0xca: {  	[spmem:s2] =	stream.indirect.scatter.add.f32 [tilespmem:s19], [sflag:$0x5], $0x80, s7, s16, $0xb8;
	[tilespmem:$0x1F400] =	vst v63  }
0xcb: {  	_ =	swait.ge [sflag:s25], $0x2800  }
0xcc: {  	[sflag:s25] =	ssyncset.done $0x0  }
.Ltmp1:
0xcd: {  	s7 =	sadd.s32 $0x300, s5;
	[sflag:s25] =	ssyncadd.s32 $0xFFFFD800;
	(pc) =	sbr.rel @p0 .LBB2_4-.Ltmp1, $4  }
0xce: {  	[tilespmem:s17], [sflag:$0x1] =	stream.indirect.gather [hbm4b:s1+s16], $0x80, s7, s16, $0xb8;
	[tilespmem:$0x1F400] =	vst v63  }
0xcf: {  	_ =	swait.ge [sflag:s28], $0x2800  }
0xd0: {  	[sflag:s28] =	ssyncset.done $0x0  }
0xd1: {  	s5 =	sadd.s32 $0x2280, s5;
	[sflag:s28] =	ssyncadd.s32 $0xFFFFD800  }
0xd2: {  	[spmem:s2] =	stream.indirect.scatter.add.f32 [tilespmem:s22], [sflag:$0x6], $0x80, s5, s16, $0xb8;
	[tilespmem:$0x1F400] =	vst v63  }
0xd3: {  	_ =	swait.ge [sflag:s30], $0x2800  }
0xd4: {  	s3 =	sshra.s32 s3, $0x2;
	[sflag:s30] =	ssyncset.done $0x0  }
0xd5: {  	s7 =	sadd.s32 $0x200, s3;
	[sflag:s30] =	ssyncadd.s32 $0xFFFFD800  }
0xd6: {  	[tilespmem:s19], [sflag:$0x2] =	stream.indirect.gather [hbm4b:s1+s16], $0x80, s7, s16, $0xb8;
	[tilespmem:$0x1F400] =	vst v63  }
0xd7: {  	_ =	swait.ge [sflag:s20], $0x2800  }
0xd8: {  	[sflag:s20] =	ssyncset.done $0x0  }
0xd9: {  	s7 =	sadd.s32 $0x2180, s3;
	[sflag:s20] =	ssyncadd.s32 $0xFFFFD800  }
0xda: {  	[spmem:s2] =	stream.indirect.scatter.add.f32 [tilespmem:s17], [sflag:$0x4], $0x80, s7, s16, $0xb8;
	[tilespmem:$0x1F400] =	vst v63  }
0xdb: {  	_ =	swait.ge [sflag:s31], $0x2800  }
0xdc: {  	[sflag:s31] =	ssyncset.done $0x0  }
0xdd: {  	s7 =	sadd.s32 $0x280, s3;
	[sflag:s31] =	ssyncadd.s32 $0xFFFFD800  }
0xde: {  	[tilespmem:s22], [sflag:$0x3] =	stream.indirect.gather [hbm4b:s1+s16], $0x80, s7, s16, $0xb8;
	[tilespmem:$0x1F400] =	vst v63  }
0xdf: {  	_ =	swait.ge [sflag:s23], $0x2800  }
0xe0: {  	[sflag:s23] =	ssyncset.done $0x0  }
0xe1: {  	s7 =	sadd.s32 $0x2200, s3;
	[sflag:s23] =	ssyncadd.s32 $0xFFFFD800  }
0xe2: {  	[spmem:s2] =	stream.indirect.scatter.add.f32 [tilespmem:s19], [sflag:$0x5], $0x80, s7, s16, $0xb8;
	[tilespmem:$0x1F400] =	vst v63  }
0xe3: {  	_ =	swait.ge [sflag:s25], $0x2800  }
0xe4: {  	[sflag:s25] =	ssyncset.done $0x0  }
0xe5: {  	[sflag:s25] =	ssyncadd.s32 $0xFFFFD800  }
0xe6: {  	_ =	swait.ge [sflag:s28], $0x2800  }
0xe7: {  	[sflag:s28] =	ssyncset.done $0x0  }
0xe8: {  	s3 =	sadd.s32 $0x2280, s3;
	[sflag:s28] =	ssyncadd.s32 $0xFFFFD800  }
0xe9: {  	[spmem:s2] =	stream.indirect.scatter.add.f32 [tilespmem:s22], [sflag:$0x6], $0x80, s3, s16, $0xb8;
	[tilespmem:$0x1F400] =	vst v63  }
0xea: {  	_ =	swait.ge [sflag:s30], $0x2800  }
0xeb: {  	[sflag:s30] =	ssyncset.done $0x0  }
0xec: {  	[sflag:s30] =	ssyncadd.s32 $0xFFFFD800  }
0xed: {  	_ =	swait.ge [sflag:s31], $0x2800  }
0xee: {  	s0 =	sadd.s32 $0x1, s0;
	[sflag:s31] =	ssyncset.done $0x0  }
0xef: {  	p0 =	sne.s32 s0, s12;
	[sflag:s31] =	ssyncadd.s32 $0xFFFFD800  }
.Ltmp2:
0xf0: {  	[bflag:$0x0] =	sbarrier.arrive $0xFFFF;
	(pc) =	sbr.rel @p0 .LBB2_1-.Ltmp2, $4  }
0xf1: {  	[hbm:s11], [sflag:s6] =	dma.local [spmem:s13], $0x2780  }
0xf2: {  	_ =	swait.ge [sflag:s14], $0x2780  }
0xf3: {  	[sflag:s14] =	ssyncset.done $0x0  }
0xf4: {  	[sflag:s14] =	ssyncadd.s32 $0xFFFFD880  }
0xf5: {  	_ =	sfence.sel $0x180000  }
0xf6: {  	[bflag:$0x0] =	sbarrier.arrive $0xFFFF  }
0xf7: {  	_ =	strace $0x9000004A  }
0xf8: {  	s0 =	stileid.u32;
	[bflag:$0x2] =	sbarrier.arrive $0xFFFF  }
0xf9: {  	p0 =	sne.s32 s0, $0x0;
	s0 =	rddreg [dreg:$0x3]  }
0xfa: {  	s0 =	sadd.s32 @!p0 $0x100000, s0  }
0xfb: {  	[sflag:s0] =	ssyncadd.tile.s32 @!p0 $0x1;
	_ =	shalt  }
.Lfunc_end2:
_tile_overlayer_lowered:
.L_overlay_start_2:
0xfc: {  	(tag) =	ssettag $0x2  }
0xfd: {  	s0 =	rddreg [dreg:$0x0];
	s2 =	stileid.u32  }
0xfe: {  	s1 =	rddreg [dreg:$0x1];
	p0 =	sne.s32 s2, $0x0  }
0xff: {  	s3 =	rddreg [dreg:$0x2];
	[bflag:$0x3] =	sbarrier.arrive $0xFFFF;
	s2 =	simm.s32 @!p0 $0x1C07  }
0x100: {  	[timem:s3], [sflag:s2] =	dma.local @!p0 [hbm:s0], s1  }
0x101: {  	s0 =	simm.s32 @!p0 $0x7  }
0x102: {  	_ =	swait.ge @!p0 [sflag:s0], s1  }
0x103: {  	s1 =	ssub.s32 @!p0 $0x0, s1;
	[sflag:s0] =	ssyncset.done @!p0 $0x0  }
0x104: {  	[sflag:s0] =	ssyncadd.s32 @!p0 s1  }
0x105: {  	[bflag:$0x3] =	sbarrier.arrive $0xFFFF  }
0x106: {  	_ =	shalt  }

// kernel: kernel.14.cloned.1.call-start
scs
__scs_entry_jumppad:
0x0: {  	(pc) =	sbr.rel $0x88, $3  }
0x1: {  	(tag) =	ssettag $0x0;
	lr =	simm.s32 $0x1  }
0x2: {  	[smem:$0x3F91] =	sst lr;
	_ =	strace $0xD0000000  }
0x3: {  	_ = 	snop  }
0x4: {  	_ = 	snop  }
0x5: {  	_ = 	snop  }
0x6: {  	_ = 	snop  }
0x7: {  	_ = 	snop  }
__scs_overlays_trampoline_lowered:
0x8: {  	[smem:$0x3FA0] =	sst s0  }
0x9: {  	[smem:$0x3FA1] =	sst s1  }
0xa: {  	[smem:$0x3FA2] =	sst s2  }
0xb: {  	[smem:$0x3FA3] =	sst s3  }
0xc: {  	[smem:$0x3FA4] =	sst s4  }
0xd: {  	[smem:$0x3FA5] =	sst s5  }
0xe: {  	[smem:$0x3FA6] =	sst s6  }
0xf: {  	[smem:$0x3FA7] =	sst s7  }
0x10: {  	[smem:$0x3FA8] =	sst s8  }
0x11: {  	[smem:$0x3FA9] =	sst s9;
	s0 =	simm.s32 @!p0 $0x0  }
0x12: {  	s1 =	sld [smem:$0x3F8F];
	s0 =	simm.s32 @p0 $0x1  }
0x13: {  	[smem:$0x3FAA] =	sst s0;
	s0 =	simm.s32 @!p1 $0x0  }
0x14: {  	s2 =	sld [smem:$0x3F8E];
	s0 =	simm.s32 @p1 $0x1  }
0x15: {  	[smem:$0x3FAB] =	sst s0;
	s0 =	simm.s32 @!p2 $0x0  }
0x16: {  	s3 =	sld [smem:$0x3FDB];
	s0 =	simm.s32 @p2 $0x1  }
0x17: {  	s4 =	simm.s32 $0x1BF5;
	[smem:$0x3FAD] =	sst s0  }
0x18: {  	s0 =	sld [smem:$0x3F90];
	_ =	swait.ge [sflag:s4], $0x0  }
0x19: {  	s7 =	sld [smem:$0x3F91]  }
0x1a: {  	s8 =	sadd.s32 $0xFFFFE003, lr  }
0x1b: {  	s9 =	sadd.s32 $0xFFFFFEF7, lr;
	s5 =	simm.s32 $0xFFFFFFFF;
	p2 =	slt.u32 s8, $0xFFFFF086  }
0x1c: {  	p1 =	slt.u32 s9, $0xF7A;
	s5 =	simm.s32 @!p2 $0x0  }
0x1d: {  	s5 =	simm.s32 @p1 $0x1;
	p0 =	seq.s32 s7, s2  }
0x1e: {  	s7 =	smul.u32 @!p0 $0xF7A, s2;
	p2 =	seq.s32 @!p0 s5, $0x0  }
0x1f: {  	s9 =	smul.u32 $0xF7A, s1;
	s8 =	simm.s32 @!p0 $0x1BF5;
	p2 =	por !p2, p0  }
0x20: {  	[sflag:s8] =	ssyncset.s32 @!p0 $0xFFFFF086;
	s6 =	sadd.s32 @!p0 s3, s7;
	s7 =	simm.s32 @!p0 $0x108  }
0x21: {  	s3 =	sadd.s32 s3, s9;
	s6 =	sadd.s32 @!p0 $0x88, s6;
	s7 =	simm.s32 @p2 $0x1082  }
0x22: {  	[simem:s7], [sflag:s8] =	dma.local @!p0 [hbm:s6], $0xF7A  }
0x23: {  	s9 =	sor.u32 $0xD0000000, s2;
	s6 =	simm.s32 $0x108;
	_ =	swait.ge @!p0 [sflag:s8], $0x0  }
0x24: {  	s3 =	sadd.s32 $0x88, s3;
	s6 =	simm.s32 @!p1 $0x1082;
	[sflag:s4] =	ssyncset.s32 $0xFFFFF086  }
0x25: {  	[simem:s6], [sflag:s4] =	dma.local [hbm:s3], $0xF7A  }
0x26: {  	[smem:$0x3F91] =	sst s1;
	(tag) =	ssettag s2;
	_ =	strace s9  }
0x27: {  	s1 =	sld [smem:$0x3FA1]  }
0x28: {  	s2 =	sld [smem:$0x3FA2]  }
0x29: {  	s4 =	sld [smem:$0x3FA4]  }
0x2a: {  	p0 =	seq.s32 s5, $0x0;
	s5 =	sld [smem:$0x3FA5]  }
0x2b: {  	s6 =	sld [smem:$0x3FA6]  }
0x2c: {  	s7 =	sld [smem:$0x3FA7]  }
0x2d: {  	s3 =	simm.s32 $0x108;
	s8 =	sld [smem:$0x3FA8]  }
0x2e: {  	s3 =	simm.s32 @!p0 $0x1082;
	s9 =	sld [smem:$0x3FA9]  }
0x2f: {  	lr =	sadd.s32 s0, s3;
	s0 =	sld [smem:$0x3FA0]  }
0x30: {  	s3 =	sld [smem:$0x3FA3]  }
0x31: {  	[smem:$0x3FAC] =	sst s10  }
0x32: {  	s10 =	sld [smem:$0x3FAA];
	_ =	sdelay $0x3  }
0x33: {  	p0 =	seq.s32 s10, $0x1;
	s10 =	sld [smem:$0x3FAC];
	_ =	sdelay $0x3  }
0x34: {  	[smem:$0x3FAC] =	sst s10  }
0x35: {  	s10 =	sld [smem:$0x3FAB];
	_ =	sdelay $0x3  }
0x36: {  	p1 =	seq.s32 s10, $0x1;
	s10 =	sld [smem:$0x3FAC];
	_ =	sdelay $0x3  }
0x37: {  	[smem:$0x3FAC] =	sst s10  }
0x38: {  	s10 =	sld [smem:$0x3FAD]  }
0x39: {  	_ = 	snop;
	(pc) =	sbr.ind lr, $3  }
0x3a: {  	_ = 	snop  }
0x3b: {  	_ = 	snop  }
0x3c: {  	p2 =	seq.s32 s10, $0x1;
	s10 =	sld [smem:$0x3FAC]  }
0x3d: {  	_ =	shalt  }
0x3e: {  	_ =	shalt  }
0x3f: {  	_ =	shalt  }
0x40: {  	_ =	shalt  }
0x41: {  	_ =	shalt  }
0x42: {  	_ =	shalt  }
0x43: {  	_ =	shalt  }
0x44: {  	_ =	shalt  }
0x45: {  	_ =	shalt  }
0x46: {  	_ =	shalt  }
0x47: {  	_ =	shalt  }
0x48: {  	_ =	shalt  }
0x49: {  	_ =	shalt  }
0x4a: {  	_ =	shalt  }
0x4b: {  	_ =	shalt  }
0x4c: {  	_ =	shalt  }
0x4d: {  	_ =	shalt  }
0x4e: {  	_ =	shalt  }
0x4f: {  	_ =	shalt  }
0x50: {  	_ =	shalt  }
0x51: {  	_ =	shalt  }
0x52: {  	_ =	shalt  }
0x53: {  	_ =	shalt  }
0x54: {  	_ =	shalt  }
0x55: {  	_ =	shalt  }
0x56: {  	_ =	shalt  }
0x57: {  	_ =	shalt  }
0x58: {  	_ =	shalt  }
0x59: {  	_ =	shalt  }
0x5a: {  	_ =	shalt  }
0x5b: {  	_ =	shalt  }
0x5c: {  	_ =	shalt  }
0x5d: {  	_ =	shalt  }
0x5e: {  	_ =	shalt  }
0x5f: {  	_ =	shalt  }
0x60: {  	_ =	shalt  }
0x61: {  	_ =	shalt  }
0x62: {  	_ =	shalt  }
0x63: {  	_ =	shalt  }
0x64: {  	_ =	shalt  }
0x65: {  	_ =	shalt  }
0x66: {  	_ =	shalt  }
0x67: {  	_ =	shalt  }
0x68: {  	_ =	shalt  }
0x69: {  	_ =	shalt  }
0x6a: {  	_ =	shalt  }
0x6b: {  	_ =	shalt  }
0x6c: {  	_ =	shalt  }
0x6d: {  	_ =	shalt  }
0x6e: {  	_ =	shalt  }
0x6f: {  	_ =	shalt  }
0x70: {  	_ =	shalt  }
0x71: {  	_ =	shalt  }
0x72: {  	_ =	shalt  }
0x73: {  	_ =	shalt  }
0x74: {  	_ =	shalt  }
0x75: {  	_ =	shalt  }
0x76: {  	_ =	shalt  }
0x77: {  	_ =	shalt  }
0x78: {  	_ =	shalt  }
0x79: {  	_ =	shalt  }
0x7a: {  	_ =	shalt  }
0x7b: {  	_ =	shalt  }
0x7c: {  	_ =	shalt  }
0x7d: {  	_ =	shalt  }
0x7e: {  	_ =	shalt  }
0x7f: {  	_ =	shalt  }
0x80: {  	_ =	shalt  }
0x81: {  	_ =	shalt  }
0x82: {  	_ =	shalt  }
0x83: {  	_ =	shalt  }
0x84: {  	_ =	shalt  }
0x85: {  	_ =	shalt  }
0x86: {  	_ =	shalt  }
0x87: {  	_ =	shalt  }
.Lfunc_end0:
.L_simem_size_0:
called_computation.2_lowered:
.L_overlay_start_0:
0x88: {  	s2 =	sld [smem:$0x3FD9]  }
0x89: {  	s3 =	sld [smem:$0x3FFE];
	_ =	sdelay $0x1  }
0x8a: {  	s1 =	srdreg.scid  }
0x8b: {  	s0 =	sand.u32 $0x1, s1  }
0x8c: {  	s17 =	sshll.u32 s0, $0xA;
	s2 =	sadd.s32 s3, s2  }
0x8d: {  	s2 =	sadd.s32 s2, s17  }
0x8e: {  	[smem:$0x3FB8] =	sst s2  }
0x8f: {  	_ = 	snop  }
0x90: {  	s2 =	sld [smem:$0x3FD0];
	(tm) =	ssettm $0x1  }
0x91: {  	s18 =	sld [smem:$0x3FFB];
	_ =	sdelay $0x3  }
0x92: {  	_ =	strace s18  }
0x93: {  	s3 =	sld [smem:$0x3FFC];
	_ =	sdelay $0x3  }
0x94: {  	_ =	strace s3  }
0x95: {  	s3 =	sld [smem:$0x3FFD];
	_ =	sdelay $0x3  }
0x96: {  	_ =	strace s3  }
0x97: {  	_ =	strace $0x8FFFFFFF  }
0x98: {  	s19 =	sld [smem:$0x3FDB];
	_ =	sdelay $0x1  }
0x99: {  	s4 =	simm.s32 $_scs_section_size  }
0x9a: {  	s5 =	simm.s32 $_size__tile_overlayer_lowered;
	s6 =	simm.s32 $_tile_overlayer_lowered  }
0x9b: {  	s22 =	simm.s32 $0x1BFF;
	s21 =	sshll.u32 s6, $0x1;
	s3 =	sadd.s32 s4, s19  }
0x9c: {  	s7 =	simm.s32 $0x0;
	s20 =	sshll.u32 s5, $0x1;
	s5 =	sadd.s32 s21, s3  }
0x9d: {  	[timem:s7], [sflag:s22] =	dma.local [hbm:s5], s20  }
0x9e: {  	_ =	swait.ge [sflag:s22], s20  }
0x9f: {  	s4 =	ssub.s32 $0x0, s20;
	[sflag:s22] =	ssyncset.done $0x0  }
0xa0: {  	[sflag:s22] =	ssyncadd.s32 s4;
	_ =	sdelay $0x1  }
0xa1: {  	s23 =	simm.s32 $0x1B8B  }
0xa2: {  	_ =	swait.ge [sflag:s23], $0x1  }
0xa3: {  	[sflag:s23] =	ssyncset.done $0x0  }
0xa4: {  	s25 =	simm.s32 $0x1B8E;
	s24 =	sld [smem:$0x3FFE];
	[sflag:s23] =	ssyncadd.s32 $0xFFFFFFFF  }
0xa5: {  	s26 =	simm.s32 $execute0_lowered;
	[smem:$0x3FD2] =	sst s25  }
0xa6: {  	s5 =	sshll.u32 s26, $0x1;
	_ =	strace $0x8000004C;
	[dreg:$0x1] =	wrdreg $0xFFFFFFFF  }
0xa7: {  	s28 =	simm.s32 $_size_execute0_lowered;
	s3 =	sadd.s32 s3, s5;
	[dreg:$0x0] =	wrdreg $0x0  }
0xa8: {  	s5 =	sshll.u32 s28, $0x1;
	[dreg:$0x2] =	wrdreg s3  }
0xa9: {  	[dreg:$0x3] =	wrdreg s5  }
0xaa: {  	[dreg:$0x4] =	wrdreg $0xC0  }
0xab: {  	_ =	task [dreg:s7], $0x5FFFF  }
0xac: {  	[dreg:$0x1] =	wrdreg $0xFFFFFFFF  }
0xad: {  	[dreg:$0x0] =	wrdreg $0x60  }
0xae: {  	[dreg:$0x2] =	wrdreg s2  }
0xaf: {  	[dreg:$0x3] =	wrdreg s24  }
0xb0: {  	[dreg:$0x4] =	wrdreg $0x40000  }
0xb1: {  	[dreg:$0x5] =	wrdreg $0x9  }
0xb2: {  	_ =	task.clear_ibuf [dreg:s7], $0x6FFFF;
	_ =	strace $0x9000004C  }
0xb3: {  	s29 =	simm.s32 $0x9;
	_ =	strace $0x8000004E  }
0xb4: {  	_ =	swait.ge [sflag:s29], $0x1  }
0xb5: {  	[sflag:s29] =	ssyncadd.s32 $0xFFFFFFFF  }
0xb6: {  	_ =	strace $0x9000004E  }
0xb7: {  	_ =	sfence  }
0xb8: {  	s30 =	sld [smem:$0x0];
	_ =	sdelay $0x2  }
0xb9: {  	s31 =	sshll.u32 s1, $0xD;
	s1 =	sshrl.u32 s1, $0x2  }
0xba: {  	s3 =	sand.u32 $0x4000, s31;
	s1 =	sadd.s32 s1, s30  }
0xbb: {  	s0 =	sor.u32 s3, s0;
	s1 =	sshll.u32 s1, $0x11  }
0xbc: {  	s0 =	sor.u32 s1, s0  }
0xbd: {  	s0 =	sadd.s32 $0x8F2B, s0  }
0xbe: {  	[sflag:s0] =	ssyncadd.remote.s32 $0x1  }
0xbf: {  	_ =	sfence.sel $0xFFFF  }
0xc0: {  	[dreg:$0x0] =	wrdreg $0xFFFFFFFF;
	(pc) =	sbr.abs _section_cstart, $3  }
0xc1: {  	[dreg:$0x1] =	wrdreg $0xFFFFFFFF  }
0xc2: {  	_ =	task.clear_ibuf [dreg:s7], $0x2FFFF;
	_ =	strace $0x9FFFFFFF  }
0xc3: {  	(tm) =	ssettm $0x7FFFFFFF  }
tec
execute0_lowered:
.L_overlay_start_1:
0x0: {  	(tag) =	ssettag $0x1  }
0x1: {  	s1 =	rddreg [dreg:$0x0]  }
0x2: {  	s0 =	rddreg [dreg:$0x1]  }
0x3: {  	s2 =	rddreg [dreg:$0x2]  }
0x4: {  	s3 =	srdreg.scid;
	s4 =	simm.s32 $0x0;
	s9 =	stileid.u32  }
0x5: {  	s14 =	simm.s32 $0x7;
	s15 =	simm.s32 $0x2000;
	s16 =	simm.s32 $0x50  }
0x6: {  	s17 =	simm.s32 $0x17C00;
	s18 =	simm.s32 $0x80;
	s19 =	simm.s32 $0x1A400  }
0x7: {  	s20 =	simm.s32 $0x1;
	s28 =	simm.s32 $0x3;
	s29 =	simm.s32 $0x2100  }
0x8: {  	s30 =	simm.s32 $0x5;
	s31 =	simm.s32 $0x6;
	s3 =	sand.u32 $0x1, s3  }
0x9: {  	s7 =	sshll.u32 s9, $0xB;
	s8 =	smul.u32 $0x13C00, s9;
	[smem:$0x7FF] =	sst s4  }
0xa: {  	s21 =	smul.u32 $0x4F000, s9;
	s22 =	sadd.s32 $0x23E00, s0;
	s25 =	sshll.u32 s9, $0x6  }
0xb: {  	s5 =	smul.u32 $0x13C000, s3;
	s6 =	sshll.u32 s3, $0xF;
	_ =	strace $0x8000004D  }
0xc: {  	s3 =	ssub.s32 $0x2, s3;
	[dreg:$0x4] =	wrdreg s22;
	s22 =	simm.s32 $0x1CC00  }
0xd: {  	s6 =	sor.u32 s7, s6;
	s23 =	sshrl.u32 s3, $0x1;
	s24 =	sshrl.u32 s21, $0x2  }
0xe: {  	s21 =	simm.s32 $0x100;
	s10 =	sadd.s32 s6, s0;
	s5 =	sadd.s32 s8, s5  }
0xf: {  	s3 =	ssub.s32 s3, s23;
	s6 =	sor.u32 $0x1C07, s25;
	s23 =	simm.s32 $0x2  }
0x10: {  	s25 =	simm.s32 $0x4;
	s5 =	sshrl.u32 s5, $0x3;
	s26 =	sadd.s32 $0x3E00, s10  }
0x11: {  	s8 =	sadd.s32 $0x13E00, s10;
	s9 =	sadd.s32 $0x4200, s10;
	s10 =	sadd.s32 $0x14200, s10  }
0x12: {  	s12 =	smax.u32 s3, $0x1;
	s0 =	sadd.s32 s5, s0;
	s5 =	sadd.s32 s24, s2  }
0x13: {  	[dreg:$0x5] =	wrdreg s26;
	s24 =	simm.s32 $0x2080;
	s26 =	simm.s32 $0x180  }
0x14: {  	s11 =	sadd.s32 $0x26600, s0;
	s13 =	sshrl.u32 s5, $0x3;
	s0 =	simm.s32 $0x0  }
.LBB2_1:
0x15: {  	s3 =	rddreg [dreg:$0x4]  }
0x16: {  	[spmem:s13], [sflag:s6] =	dma.local [hbm:s3], $0x2780  }
0x17: {  	_ =	swait.ge [sflag:s14], $0x2780  }
0x18: {  	[sflag:s14] =	ssyncset.done $0x0  }
0x19: {  	[sflag:s14] =	ssyncadd.s32 $0xFFFFD880  }
0x1a: {  	[bflag:$0x0] =	sbarrier.arrive $0xFFFF  }
0x1b: {  	s5 =	rddreg [dreg:$0x5]  }
0x1c: {  	[tilespmem:s4], [sflag:$0x7] =	stream.linear.gather [hbm4b:s5+s4], $0x1F80, $0x38;
	[tilespmem:$0x1F400] =	vst v63  }
0x1d: {  	_ =	swait.ge [sflag:s14], $0x1F80  }
0x1e: {  	[sflag:s14] =	ssyncset.done $0x0  }
0x1f: {  	[sflag:s14] =	ssyncadd.s32 $0xFFFFE080  }
0x20: {  	[tilespmem:s15], [sflag:$0x7] =	stream.linear.gather [hbm4b:s8+s4], $0x1F80, $0x38;
	[tilespmem:$0x1F400] =	vst v63  }
0x21: {  	_ =	swait.ge [sflag:s14], $0x1F80  }
0x22: {  	[sflag:s14] =	ssyncset.done $0x0  }
0x23: {  	[sflag:s14] =	ssyncadd.s32 $0xFFFFE080  }
0x24: {  	[tilespmem:s17], [sflag:$0x1] =	stream.indirect.gather [hbm4b:s1+s16], $0x80, s4, s16, $0xb8;
	[tilespmem:$0x1F400] =	vst v63  }
0x25: {  	_ = 	snop  }
0x26: {  	[tilespmem:s19], [sflag:$0x2] =	stream.indirect.gather [hbm4b:s1+s16], $0x80, s18, s16, $0xb8;
	[tilespmem:$0x1F400] =	vst v63  }
0x27: {  	_ =	swait.ge [sflag:s20], $0x2800  }
0x28: {  	[sflag:s20] =	ssyncset.done $0x0  }
0x29: {  	[sflag:s20] =	ssyncadd.s32 $0xFFFFD800  }
0x2a: {  	[spmem:s2] =	stream.indirect.scatter.add.f32 [tilespmem:s17], [sflag:$0x4], $0x80, s15, s16, $0xb8;
	[tilespmem:$0x1F400] =	vst v63  }
0x2b: {  	_ = 	snop  }
0x2c: {  	[tilespmem:s22], [sflag:$0x3] =	stream.indirect.gather [hbm4b:s1+s16], $0x80, s21, s16, $0xb8;
	[tilespmem:$0x1F400] =	vst v63  }
0x2d: {  	_ =	swait.ge [sflag:s23], $0x2800  }
0x2e: {  	[sflag:s23] =	ssyncset.done $0x0  }
0x2f: {  	[sflag:s23] =	ssyncadd.s32 $0xFFFFD800  }
0x30: {  	[spmem:s2] =	stream.indirect.scatter.add.f32 [tilespmem:s19], [sflag:$0x5], $0x80, s24, s16, $0xb8;
	[tilespmem:$0x1F400] =	vst v63  }
0x31: {  	_ =	swait.ge [sflag:s25], $0x2800  }
0x32: {  	[sflag:s25] =	ssyncset.done $0x0  }
0x33: {  	[sflag:s25] =	ssyncadd.s32 $0xFFFFD800  }
0x34: {  	[tilespmem:s17], [sflag:$0x1] =	stream.indirect.gather [hbm4b:s1+s16], $0x80, s26, s16, $0xb8;
	[tilespmem:$0x1F400] =	vst v63  }
0x35: {  	_ =	swait.ge [sflag:s28], $0x2800  }
0x36: {  	[sflag:s28] =	ssyncset.done $0x0  }
0x37: {  	[sflag:s28] =	ssyncadd.s32 $0xFFFFD800  }
0x38: {  	[spmem:s2] =	stream.indirect.scatter.add.f32 [tilespmem:s22], [sflag:$0x6], $0x80, s29, s16, $0xb8;
	[tilespmem:$0x1F400] =	vst v63  }
0x39: {  	_ =	swait.ge [sflag:s30], $0x2800  }
0x3a: {  	[sflag:s30] =	ssyncset.done $0x0  }
0x3b: {  	s7 =	simm.s32 $0x200;
	[sflag:s30] =	ssyncadd.s32 $0xFFFFD800  }
0x3c: {  	[tilespmem:s19], [sflag:$0x2] =	stream.indirect.gather [hbm4b:s1+s16], $0x80, s7, s16, $0xb8;
	[tilespmem:$0x1F400] =	vst v63  }
0x3d: {  	_ =	swait.ge [sflag:s20], $0x2800  }
0x3e: {  	[sflag:s20] =	ssyncset.done $0x0  }
0x3f: {  	s5 =	simm.s32 $0x2180;
	[sflag:s20] =	ssyncadd.s32 $0xFFFFD800  }
0x40: {  	[spmem:s2] =	stream.indirect.scatter.add.f32 [tilespmem:s17], [sflag:$0x4], $0x80, s5, s16, $0xb8;
	[tilespmem:$0x1F400] =	vst v63  }
0x41: {  	_ =	swait.ge [sflag:s31], $0x2800  }
0x42: {  	[sflag:s31] =	ssyncset.done $0x0  }
0x43: {  	s7 =	simm.s32 $0x280;
	[sflag:s31] =	ssyncadd.s32 $0xFFFFD800  }
0x44: {  	[tilespmem:s22], [sflag:$0x3] =	stream.indirect.gather [hbm4b:s1+s16], $0x80, s7, s16, $0xb8;
	[tilespmem:$0x1F400] =	vst v63  }
0x45: {  	_ =	swait.ge [sflag:s23], $0x2800  }
0x46: {  	[sflag:s23] =	ssyncset.done $0x0  }
0x47: {  	s5 =	simm.s32 $0x2200;
	[sflag:s23] =	ssyncadd.s32 $0xFFFFD800  }
0x48: {  	[spmem:s2] =	stream.indirect.scatter.add.f32 [tilespmem:s19], [sflag:$0x5], $0x80, s5, s16, $0xb8;
	[tilespmem:$0x1F400] =	vst v63  }
0x49: {  	_ =	swait.ge [sflag:s25], $0x2800  }
0x4a: {  	[sflag:s25] =	ssyncset.done $0x0  }
0x4b: {  	s7 =	simm.s32 $0x300;
	[sflag:s25] =	ssyncadd.s32 $0xFFFFD800  }
0x4c: {  	[tilespmem:s17], [sflag:$0x1] =	stream.indirect.gather [hbm4b:s1+s16], $0x80, s7, s16, $0xb8;
	[tilespmem:$0x1F400] =	vst v63  }
0x4d: {  	_ =	swait.ge [sflag:s28], $0x2800  }
0x4e: {  	[sflag:s28] =	ssyncset.done $0x0  }
0x4f: {  	s3 =	simm.s32 $0x600;
	s5 =	simm.s32 $0x2280;
	[sflag:s28] =	ssyncadd.s32 $0xFFFFD800  }
.LBB2_2:
0x50: {  	[spmem:s2] =	stream.indirect.scatter.add.f32 [tilespmem:s22], [sflag:$0x6], $0x80, s5, s16, $0xb8;
	[tilespmem:$0x1F400] =	vst v63  }
0x51: {  	s5 =	smov.u32 s3;
	s3 =	sadd.s32 $0x600, s3;
	_ =	swait.ge [sflag:s30], $0x2800  }
0x52: {  	s5 =	sshra.s32 s5, $0x2;
	p0 =	sne.s32 s3, $0x7200;
	[sflag:s30] =	ssyncset.done $0x0  }
0x53: {  	s7 =	sadd.s32 $0x200, s5;
	[sflag:s30] =	ssyncadd.s32 $0xFFFFD800  }
0x54: {  	[tilespmem:s19], [sflag:$0x2] =	stream.indirect.gather [hbm4b:s1+s16], $0x80, s7, s16, $0xb8;
	[tilespmem:$0x1F400] =	vst v63  }
0x55: {  	_ =	swait.ge [sflag:s20], $0x2800  }
0x56: {  	[sflag:s20] =	ssyncset.done $0x0  }
0x57: {  	s7 =	sadd.s32 $0x2180, s5;
	[sflag:s20] =	ssyncadd.s32 $0xFFFFD800  }
0x58: {  	[spmem:s2] =	stream.indirect.scatter.add.f32 [tilespmem:s17], [sflag:$0x4], $0x80, s7, s16, $0xb8;
	[tilespmem:$0x1F400] =	vst v63  }
0x59: {  	_ =	swait.ge [sflag:s31], $0x2800  }
0x5a: {  	[sflag:s31] =	ssyncset.done $0x0  }
0x5b: {  	s7 =	sadd.s32 $0x280, s5;
	[sflag:s31] =	ssyncadd.s32 $0xFFFFD800  }
0x5c: {  	[tilespmem:s22], [sflag:$0x3] =	stream.indirect.gather [hbm4b:s1+s16], $0x80, s7, s16, $0xb8;
	[tilespmem:$0x1F400] =	vst v63  }
0x5d: {  	_ =	swait.ge [sflag:s23], $0x2800  }
0x5e: {  	[sflag:s23] =	ssyncset.done $0x0  }
0x5f: {  	s7 =	sadd.s32 $0x2200, s5;
	[sflag:s23] =	ssyncadd.s32 $0xFFFFD800  }
0x60: {  	[spmem:s2] =	stream.indirect.scatter.add.f32 [tilespmem:s19], [sflag:$0x5], $0x80, s7, s16, $0xb8;
	[tilespmem:$0x1F400] =	vst v63  }
0x61: {  	_ =	swait.ge [sflag:s25], $0x2800  }
0x62: {  	[sflag:s25] =	ssyncset.done $0x0  }
.Ltmp0:
0x63: {  	s7 =	sadd.s32 $0x300, s5;
	[sflag:s25] =	ssyncadd.s32 $0xFFFFD800;
	(pc) =	sbr.rel @p0 .LBB2_2-.Ltmp0, $4  }
0x64: {  	[tilespmem:s17], [sflag:$0x1] =	stream.indirect.gather [hbm4b:s1+s16], $0x80, s7, s16, $0xb8;
	[tilespmem:$0x1F400] =	vst v63  }
0x65: {  	_ =	swait.ge [sflag:s28], $0x2800  }
0x66: {  	[sflag:s28] =	ssyncset.done $0x0  }
0x67: {  	s5 =	sadd.s32 $0x2280, s5;
	[sflag:s28] =	ssyncadd.s32 $0xFFFFD800  }
0x68: {  	[spmem:s2] =	stream.indirect.scatter.add.f32 [tilespmem:s22], [sflag:$0x6], $0x80, s5, s16, $0xb8;
	[tilespmem:$0x1F400] =	vst v63  }
0x69: {  	_ =	swait.ge [sflag:s30], $0x2800  }
0x6a: {  	s3 =	sshra.s32 s3, $0x2;
	[sflag:s30] =	ssyncset.done $0x0  }
0x6b: {  	s7 =	sadd.s32 $0x200, s3;
	[sflag:s30] =	ssyncadd.s32 $0xFFFFD800  }
0x6c: {  	[tilespmem:s19], [sflag:$0x2] =	stream.indirect.gather [hbm4b:s1+s16], $0x80, s7, s16, $0xb8;
	[tilespmem:$0x1F400] =	vst v63  }
0x6d: {  	_ =	swait.ge [sflag:s20], $0x2800  }
0x6e: {  	[sflag:s20] =	ssyncset.done $0x0  }
0x6f: {  	s7 =	sadd.s32 $0x2180, s3;
	[sflag:s20] =	ssyncadd.s32 $0xFFFFD800  }
0x70: {  	[spmem:s2] =	stream.indirect.scatter.add.f32 [tilespmem:s17], [sflag:$0x4], $0x80, s7, s16, $0xb8;
	[tilespmem:$0x1F400] =	vst v63  }
0x71: {  	_ =	swait.ge [sflag:s31], $0x2800  }
0x72: {  	[sflag:s31] =	ssyncset.done $0x0  }
0x73: {  	s7 =	sadd.s32 $0x280, s3;
	[sflag:s31] =	ssyncadd.s32 $0xFFFFD800  }
0x74: {  	[tilespmem:s22], [sflag:$0x3] =	stream.indirect.gather [hbm4b:s1+s16], $0x80, s7, s16, $0xb8;
	[tilespmem:$0x1F400] =	vst v63  }
0x75: {  	_ =	swait.ge [sflag:s23], $0x2800  }
0x76: {  	[sflag:s23] =	ssyncset.done $0x0  }
0x77: {  	s7 =	sadd.s32 $0x2200, s3;
	[sflag:s23] =	ssyncadd.s32 $0xFFFFD800  }
0x78: {  	[spmem:s2] =	stream.indirect.scatter.add.f32 [tilespmem:s19], [sflag:$0x5], $0x80, s7, s16, $0xb8;
	[tilespmem:$0x1F400] =	vst v63  }
0x79: {  	_ =	swait.ge [sflag:s25], $0x2800  }
0x7a: {  	[sflag:s25] =	ssyncset.done $0x0  }
0x7b: {  	[sflag:s25] =	ssyncadd.s32 $0xFFFFD800  }
0x7c: {  	_ =	swait.ge [sflag:s28], $0x2800  }
0x7d: {  	[sflag:s28] =	ssyncset.done $0x0  }
0x7e: {  	s3 =	sadd.s32 $0x2280, s3;
	[sflag:s28] =	ssyncadd.s32 $0xFFFFD800  }
0x7f: {  	[spmem:s2] =	stream.indirect.scatter.add.f32 [tilespmem:s22], [sflag:$0x6], $0x80, s3, s16, $0xb8;
	[tilespmem:$0x1F400] =	vst v63  }
0x80: {  	_ =	swait.ge [sflag:s30], $0x2800  }
0x81: {  	[sflag:s30] =	ssyncset.done $0x0  }
0x82: {  	[sflag:s30] =	ssyncadd.s32 $0xFFFFD800  }
0x83: {  	_ =	swait.ge [sflag:s31], $0x2800  }
0x84: {  	[sflag:s31] =	ssyncset.done $0x0  }
0x85: {  	s5 =	simm.s32 $0x0;
	[sflag:s31] =	ssyncadd.s32 $0xFFFFD800  }
0x86: {  	[tilespmem:s5], [sflag:$0x7] =	stream.linear.gather [hbm4b:s9+s5], $0x1F80, $0x38;
	[tilespmem:$0x1F400] =	vst v63  }
0x87: {  	_ =	swait.ge [sflag:s14], $0x1F80  }
0x88: {  	[sflag:s14] =	ssyncset.done $0x0  }
0x89: {  	[sflag:s14] =	ssyncadd.s32 $0xFFFFE080  }
0x8a: {  	[tilespmem:s15], [sflag:$0x7] =	stream.linear.gather [hbm4b:s10+s5], $0x1F80, $0x38;
	[tilespmem:$0x1F400] =	vst v63  }
0x8b: {  	_ =	swait.ge [sflag:s14], $0x1F80  }
0x8c: {  	[sflag:s14] =	ssyncset.done $0x0  }
0x8d: {  	[sflag:s14] =	ssyncadd.s32 $0xFFFFE080  }
0x8e: {  	[tilespmem:s17], [sflag:$0x1] =	stream.indirect.gather [hbm4b:s1+s16], $0x80, s5, s16, $0xb8;
	[tilespmem:$0x1F400] =	vst v63  }
0x8f: {  	_ = 	snop  }
0x90: {  	[tilespmem:s19], [sflag:$0x2] =	stream.indirect.gather [hbm4b:s1+s16], $0x80, s18, s16, $0xb8;
	[tilespmem:$0x1F400] =	vst v63  }
0x91: {  	_ =	swait.ge [sflag:s20], $0x2800  }
0x92: {  	[sflag:s20] =	ssyncset.done $0x0  }
0x93: {  	[sflag:s20] =	ssyncadd.s32 $0xFFFFD800  }
0x94: {  	[spmem:s2] =	stream.indirect.scatter.add.f32 [tilespmem:s17], [sflag:$0x4], $0x80, s15, s16, $0xb8;
	[tilespmem:$0x1F400] =	vst v63  }
0x95: {  	_ = 	snop  }
0x96: {  	[tilespmem:s22], [sflag:$0x3] =	stream.indirect.gather [hbm4b:s1+s16], $0x80, s21, s16, $0xb8;
	[tilespmem:$0x1F400] =	vst v63  }
0x97: {  	_ =	swait.ge [sflag:s23], $0x2800  }
0x98: {  	[sflag:s23] =	ssyncset.done $0x0  }
0x99: {  	[sflag:s23] =	ssyncadd.s32 $0xFFFFD800  }
0x9a: {  	[spmem:s2] =	stream.indirect.scatter.add.f32 [tilespmem:s19], [sflag:$0x5], $0x80, s24, s16, $0xb8;
	[tilespmem:$0x1F400] =	vst v63  }
0x9b: {  	_ =	swait.ge [sflag:s25], $0x2800  }
0x9c: {  	[sflag:s25] =	ssyncset.done $0x0  }
0x9d: {  	[sflag:s25] =	ssyncadd.s32 $0xFFFFD800  }
0x9e: {  	[tilespmem:s17], [sflag:$0x1] =	stream.indirect.gather [hbm4b:s1+s16], $0x80, s26, s16, $0xb8;
	[tilespmem:$0x1F400] =	vst v63  }
0x9f: {  	_ =	swait.ge [sflag:s28], $0x2800  }
0xa0: {  	[sflag:s28] =	ssyncset.done $0x0  }
0xa1: {  	[sflag:s28] =	ssyncadd.s32 $0xFFFFD800  }
0xa2: {  	[spmem:s2] =	stream.indirect.scatter.add.f32 [tilespmem:s22], [sflag:$0x6], $0x80, s29, s16, $0xb8;
	[tilespmem:$0x1F400] =	vst v63  }
0xa3: {  	_ =	swait.ge [sflag:s30], $0x2800  }
0xa4: {  	[sflag:s30] =	ssyncset.done $0x0  }
0xa5: {  	s7 =	simm.s32 $0x200;
	[sflag:s30] =	ssyncadd.s32 $0xFFFFD800  }
0xa6: {  	[tilespmem:s19], [sflag:$0x2] =	stream.indirect.gather [hbm4b:s1+s16], $0x80, s7, s16, $0xb8;
	[tilespmem:$0x1F400] =	vst v63  }
0xa7: {  	_ =	swait.ge [sflag:s20], $0x2800  }
0xa8: {  	[sflag:s20] =	ssyncset.done $0x0  }
0xa9: {  	s5 =	simm.s32 $0x2180;
	[sflag:s20] =	ssyncadd.s32 $0xFFFFD800  }
0xaa: {  	[spmem:s2] =	stream.indirect.scatter.add.f32 [tilespmem:s17], [sflag:$0x4], $0x80, s5, s16, $0xb8;
	[tilespmem:$0x1F400] =	vst v63  }
0xab: {  	_ =	swait.ge [sflag:s31], $0x2800  }
0xac: {  	[sflag:s31] =	ssyncset.done $0x0  }
0xad: {  	s7 =	simm.s32 $0x280;
	[sflag:s31] =	ssyncadd.s32 $0xFFFFD800  }
0xae: {  	[tilespmem:s22], [sflag:$0x3] =	stream.indirect.gather [hbm4b:s1+s16], $0x80, s7, s16, $0xb8;
	[tilespmem:$0x1F400] =	vst v63  }
0xaf: {  	_ =	swait.ge [sflag:s23], $0x2800  }
0xb0: {  	[sflag:s23] =	ssyncset.done $0x0  }
0xb1: {  	s5 =	simm.s32 $0x2200;
	[sflag:s23] =	ssyncadd.s32 $0xFFFFD800  }
0xb2: {  	[spmem:s2] =	stream.indirect.scatter.add.f32 [tilespmem:s19], [sflag:$0x5], $0x80, s5, s16, $0xb8;
	[tilespmem:$0x1F400] =	vst v63  }
0xb3: {  	_ =	swait.ge [sflag:s25], $0x2800  }
0xb4: {  	[sflag:s25] =	ssyncset.done $0x0  }
0xb5: {  	s7 =	simm.s32 $0x300;
	[sflag:s25] =	ssyncadd.s32 $0xFFFFD800  }
0xb6: {  	[tilespmem:s17], [sflag:$0x1] =	stream.indirect.gather [hbm4b:s1+s16], $0x80, s7, s16, $0xb8;
	[tilespmem:$0x1F400] =	vst v63  }
0xb7: {  	_ =	swait.ge [sflag:s28], $0x2800  }
0xb8: {  	[sflag:s28] =	ssyncset.done $0x0  }
0xb9: {  	s3 =	simm.s32 $0x600;
	s5 =	simm.s32 $0x2280;
	[sflag:s28] =	ssyncadd.s32 $0xFFFFD800  }
.LBB2_4:
0xba: {  	[spmem:s2] =	stream.indirect.scatter.add.f32 [tilespmem:s22], [sflag:$0x6], $0x80, s5, s16, $0xb8;
	[tilespmem:$0x1F400] =	vst v63  }
0xbb: {  	s5 =	smov.u32 s3;
	s3 =	sadd.s32 $0x600, s3;
	_ =	swait.ge [sflag:s30], $0x2800  }
0xbc: {  	s5 =	sshra.s32 s5, $0x2;
	p0 =	sne.s32 s3, $0x7200;
	[sflag:s30] =	ssyncset.done $0x0  }
0xbd: {  	s7 =	sadd.s32 $0x200, s5;
	[sflag:s30] =	ssyncadd.s32 $0xFFFFD800  }
0xbe: {  	[tilespmem:s19], [sflag:$0x2] =	stream.indirect.gather [hbm4b:s1+s16], $0x80, s7, s16, $0xb8;
	[tilespmem:$0x1F400] =	vst v63  }
0xbf: {  	_ =	swait.ge [sflag:s20], $0x2800  }
0xc0: {  	[sflag:s20] =	ssyncset.done $0x0  }
0xc1: {  	s7 =	sadd.s32 $0x2180, s5;
	[sflag:s20] =	ssyncadd.s32 $0xFFFFD800  }
0xc2: {  	[spmem:s2] =	stream.indirect.scatter.add.f32 [tilespmem:s17], [sflag:$0x4], $0x80, s7, s16, $0xb8;
	[tilespmem:$0x1F400] =	vst v63  }
0xc3: {  	_ =	swait.ge [sflag:s31], $0x2800  }
0xc4: {  	[sflag:s31] =	ssyncset.done $0x0  }
0xc5: {  	s7 =	sadd.s32 $0x280, s5;
	[sflag:s31] =	ssyncadd.s32 $0xFFFFD800  }
0xc6: {  	[tilespmem:s22], [sflag:$0x3] =	stream.indirect.gather [hbm4b:s1+s16], $0x80, s7, s16, $0xb8;
	[tilespmem:$0x1F400] =	vst v63  }
0xc7: {  	_ =	swait.ge [sflag:s23], $0x2800  }
0xc8: {  	[sflag:s23] =	ssyncset.done $0x0  }
0xc9: {  	s7 =	sadd.s32 $0x2200, s5;
	[sflag:s23] =	ssyncadd.s32 $0xFFFFD800  }
0xca: {  	[spmem:s2] =	stream.indirect.scatter.add.f32 [tilespmem:s19], [sflag:$0x5], $0x80, s7, s16, $0xb8;
	[tilespmem:$0x1F400] =	vst v63  }
0xcb: {  	_ =	swait.ge [sflag:s25], $0x2800  }
0xcc: {  	[sflag:s25] =	ssyncset.done $0x0  }
.Ltmp1:
0xcd: {  	s7 =	sadd.s32 $0x300, s5;
	[sflag:s25] =	ssyncadd.s32 $0xFFFFD800;
	(pc) =	sbr.rel @p0 .LBB2_4-.Ltmp1, $4  }
0xce: {  	[tilespmem:s17], [sflag:$0x1] =	stream.indirect.gather [hbm4b:s1+s16], $0x80, s7, s16, $0xb8;
	[tilespmem:$0x1F400] =	vst v63  }
0xcf: {  	_ =	swait.ge [sflag:s28], $0x2800  }
0xd0: {  	[sflag:s28] =	ssyncset.done $0x0  }
0xd1: {  	s5 =	sadd.s32 $0x2280, s5;
	[sflag:s28] =	ssyncadd.s32 $0xFFFFD800  }
0xd2: {  	[spmem:s2] =	stream.indirect.scatter.add.f32 [tilespmem:s22], [sflag:$0x6], $0x80, s5, s16, $0xb8;
	[tilespmem:$0x1F400] =	vst v63  }
0xd3: {  	_ =	swait.ge [sflag:s30], $0x2800  }
0xd4: {  	s3 =	sshra.s32 s3, $0x2;
	[sflag:s30] =	ssyncset.done $0x0  }
0xd5: {  	s7 =	sadd.s32 $0x200, s3;
	[sflag:s30] =	ssyncadd.s32 $0xFFFFD800  }
0xd6: {  	[tilespmem:s19], [sflag:$0x2] =	stream.indirect.gather [hbm4b:s1+s16], $0x80, s7, s16, $0xb8;
	[tilespmem:$0x1F400] =	vst v63  }
0xd7: {  	_ =	swait.ge [sflag:s20], $0x2800  }
0xd8: {  	[sflag:s20] =	ssyncset.done $0x0  }
0xd9: {  	s7 =	sadd.s32 $0x2180, s3;
	[sflag:s20] =	ssyncadd.s32 $0xFFFFD800  }
0xda: {  	[spmem:s2] =	stream.indirect.scatter.add.f32 [tilespmem:s17], [sflag:$0x4], $0x80, s7, s16, $0xb8;
	[tilespmem:$0x1F400] =	vst v63  }
0xdb: {  	_ =	swait.ge [sflag:s31], $0x2800  }
0xdc: {  	[sflag:s31] =	ssyncset.done $0x0  }
0xdd: {  	s7 =	sadd.s32 $0x280, s3;
	[sflag:s31] =	ssyncadd.s32 $0xFFFFD800  }
0xde: {  	[tilespmem:s22], [sflag:$0x3] =	stream.indirect.gather [hbm4b:s1+s16], $0x80, s7, s16, $0xb8;
	[tilespmem:$0x1F400] =	vst v63  }
0xdf: {  	_ =	swait.ge [sflag:s23], $0x2800  }
0xe0: {  	[sflag:s23] =	ssyncset.done $0x0  }
0xe1: {  	s7 =	sadd.s32 $0x2200, s3;
	[sflag:s23] =	ssyncadd.s32 $0xFFFFD800  }
0xe2: {  	[spmem:s2] =	stream.indirect.scatter.add.f32 [tilespmem:s19], [sflag:$0x5], $0x80, s7, s16, $0xb8;
	[tilespmem:$0x1F400] =	vst v63  }
0xe3: {  	_ =	swait.ge [sflag:s25], $0x2800  }
0xe4: {  	[sflag:s25] =	ssyncset.done $0x0  }
0xe5: {  	[sflag:s25] =	ssyncadd.s32 $0xFFFFD800  }
0xe6: {  	_ =	swait.ge [sflag:s28], $0x2800  }
0xe7: {  	[sflag:s28] =	ssyncset.done $0x0  }
0xe8: {  	s3 =	sadd.s32 $0x2280, s3;
	[sflag:s28] =	ssyncadd.s32 $0xFFFFD800  }
0xe9: {  	[spmem:s2] =	stream.indirect.scatter.add.f32 [tilespmem:s22], [sflag:$0x6], $0x80, s3, s16, $0xb8;
	[tilespmem:$0x1F400] =	vst v63  }
0xea: {  	_ =	swait.ge [sflag:s30], $0x2800  }
0xeb: {  	[sflag:s30] =	ssyncset.done $0x0  }
0xec: {  	[sflag:s30] =	ssyncadd.s32 $0xFFFFD800  }
0xed: {  	_ =	swait.ge [sflag:s31], $0x2800  }
0xee: {  	s0 =	sadd.s32 $0x1, s0;
	[sflag:s31] =	ssyncset.done $0x0  }
0xef: {  	p0 =	sne.s32 s0, s12;
	[sflag:s31] =	ssyncadd.s32 $0xFFFFD800  }
.Ltmp2:
0xf0: {  	[bflag:$0x0] =	sbarrier.arrive $0xFFFF;
	(pc) =	sbr.rel @p0 .LBB2_1-.Ltmp2, $4  }
0xf1: {  	[hbm:s11], [sflag:s6] =	dma.local [spmem:s13], $0x2780  }
0xf2: {  	_ =	swait.ge [sflag:s14], $0x2780  }
0xf3: {  	[sflag:s14] =	ssyncset.done $0x0  }
0xf4: {  	[sflag:s14] =	ssyncadd.s32 $0xFFFFD880  }
0xf5: {  	_ =	sfence.sel $0x180000  }
0xf6: {  	[bflag:$0x0] =	sbarrier.arrive $0xFFFF  }
0xf7: {  	_ =	strace $0x9000004D  }
0xf8: {  	s0 =	stileid.u32;
	[bflag:$0x2] =	sbarrier.arrive $0xFFFF  }
0xf9: {  	p0 =	sne.s32 s0, $0x0;
	s0 =	rddreg [dreg:$0x3]  }
0xfa: {  	s0 =	sadd.s32 @!p0 $0x100000, s0  }
0xfb: {  	[sflag:s0] =	ssyncadd.tile.s32 @!p0 $0x1;
	_ =	shalt  }
.Lfunc_end2:
_tile_overlayer_lowered:
.L_overlay_start_2:
0xfc: {  	(tag) =	ssettag $0x2  }
0xfd: {  	s0 =	rddreg [dreg:$0x0];
	s2 =	stileid.u32  }
0xfe: {  	s1 =	rddreg [dreg:$0x1];
	p0 =	sne.s32 s2, $0x0  }
0xff: {  	s3 =	rddreg [dreg:$0x2];
	[bflag:$0x3] =	sbarrier.arrive $0xFFFF;
	s2 =	simm.s32 @!p0 $0x1C07  }
0x100: {  	[timem:s3], [sflag:s2] =	dma.local @!p0 [hbm:s0], s1  }
0x101: {  	s0 =	simm.s32 @!p0 $0x7  }
0x102: {  	_ =	swait.ge @!p0 [sflag:s0], s1  }
0x103: {  	s1 =	ssub.s32 @!p0 $0x0, s1;
	[sflag:s0] =	ssyncset.done @!p0 $0x0  }
0x104: {  	[sflag:s0] =	ssyncadd.s32 @!p0 s1  }
0x105: {  	[bflag:$0x3] =	sbarrier.arrive $0xFFFF  }
0x106: {  	_ =	shalt  }

// kernel: kernel.8.cloned.1.call-start
scs
__scs_entry_jumppad:
0x0: {  	(pc) =	sbr.rel $0x88, $3  }
0x1: {  	(tag) =	ssettag $0x0;
	lr =	simm.s32 $0x1  }
0x2: {  	[smem:$0x3F91] =	sst lr;
	_ =	strace $0xD0000000  }
0x3: {  	_ = 	snop  }
0x4: {  	_ = 	snop  }
0x5: {  	_ = 	snop  }
0x6: {  	_ = 	snop  }
0x7: {  	_ = 	snop  }
__scs_overlays_trampoline_lowered:
0x8: {  	[smem:$0x3FA0] =	sst s0  }
0x9: {  	[smem:$0x3FA1] =	sst s1  }
0xa: {  	[smem:$0x3FA2] =	sst s2  }
0xb: {  	[smem:$0x3FA3] =	sst s3  }
0xc: {  	[smem:$0x3FA4] =	sst s4  }
0xd: {  	[smem:$0x3FA5] =	sst s5  }
0xe: {  	[smem:$0x3FA6] =	sst s6  }
0xf: {  	[smem:$0x3FA7] =	sst s7  }
0x10: {  	[smem:$0x3FA8] =	sst s8  }
0x11: {  	[smem:$0x3FA9] =	sst s9;
	s0 =	simm.s32 @!p0 $0x0  }
0x12: {  	s1 =	sld [smem:$0x3F8F];
	s0 =	simm.s32 @p0 $0x1  }
0x13: {  	[smem:$0x3FAA] =	sst s0;
	s0 =	simm.s32 @!p1 $0x0  }
0x14: {  	s2 =	sld [smem:$0x3F8E];
	s0 =	simm.s32 @p1 $0x1  }
0x15: {  	[smem:$0x3FAB] =	sst s0;
	s0 =	simm.s32 @!p2 $0x0  }
0x16: {  	s3 =	sld [smem:$0x3FDB];
	s0 =	simm.s32 @p2 $0x1  }
0x17: {  	s4 =	simm.s32 $0x1BF5;
	[smem:$0x3FAD] =	sst s0  }
0x18: {  	s0 =	sld [smem:$0x3F90];
	_ =	swait.ge [sflag:s4], $0x0  }
0x19: {  	s7 =	sld [smem:$0x3F91]  }
0x1a: {  	s8 =	sadd.s32 $0xFFFFE003, lr  }
0x1b: {  	s9 =	sadd.s32 $0xFFFFFEF7, lr;
	s5 =	simm.s32 $0xFFFFFFFF;
	p2 =	slt.u32 s8, $0xFFFFF086  }
0x1c: {  	p1 =	slt.u32 s9, $0xF7A;
	s5 =	simm.s32 @!p2 $0x0  }
0x1d: {  	s5 =	simm.s32 @p1 $0x1;
	p0 =	seq.s32 s7, s2  }
0x1e: {  	s7 =	smul.u32 @!p0 $0xF7A, s2;
	p2 =	seq.s32 @!p0 s5, $0x0  }
0x1f: {  	s9 =	smul.u32 $0xF7A, s1;
	s8 =	simm.s32 @!p0 $0x1BF5;
	p2 =	por !p2, p0  }
0x20: {  	[sflag:s8] =	ssyncset.s32 @!p0 $0xFFFFF086;
	s6 =	sadd.s32 @!p0 s3, s7;
	s7 =	simm.s32 @!p0 $0x108  }
0x21: {  	s3 =	sadd.s32 s3, s9;
	s6 =	sadd.s32 @!p0 $0x88, s6;
	s7 =	simm.s32 @p2 $0x1082  }
0x22: {  	[simem:s7], [sflag:s8] =	dma.local @!p0 [hbm:s6], $0xF7A  }
0x23: {  	s9 =	sor.u32 $0xD0000000, s2;
	s6 =	simm.s32 $0x108;
	_ =	swait.ge @!p0 [sflag:s8], $0x0  }
0x24: {  	s3 =	sadd.s32 $0x88, s3;
	s6 =	simm.s32 @!p1 $0x1082;
	[sflag:s4] =	ssyncset.s32 $0xFFFFF086  }
0x25: {  	[simem:s6], [sflag:s4] =	dma.local [hbm:s3], $0xF7A  }
0x26: {  	[smem:$0x3F91] =	sst s1;
	(tag) =	ssettag s2;
	_ =	strace s9  }
0x27: {  	s1 =	sld [smem:$0x3FA1]  }
0x28: {  	s2 =	sld [smem:$0x3FA2]  }
0x29: {  	s4 =	sld [smem:$0x3FA4]  }
0x2a: {  	p0 =	seq.s32 s5, $0x0;
	s5 =	sld [smem:$0x3FA5]  }
0x2b: {  	s6 =	sld [smem:$0x3FA6]  }
0x2c: {  	s7 =	sld [smem:$0x3FA7]  }
0x2d: {  	s3 =	simm.s32 $0x108;
	s8 =	sld [smem:$0x3FA8]  }
0x2e: {  	s3 =	simm.s32 @!p0 $0x1082;
	s9 =	sld [smem:$0x3FA9]  }
0x2f: {  	lr =	sadd.s32 s0, s3;
	s0 =	sld [smem:$0x3FA0]  }
0x30: {  	s3 =	sld [smem:$0x3FA3]  }
0x31: {  	[smem:$0x3FAC] =	sst s10  }
0x32: {  	s10 =	sld [smem:$0x3FAA];
	_ =	sdelay $0x3  }
0x33: {  	p0 =	seq.s32 s10, $0x1;
	s10 =	sld [smem:$0x3FAC];
	_ =	sdelay $0x3  }
0x34: {  	[smem:$0x3FAC] =	sst s10  }
0x35: {  	s10 =	sld [smem:$0x3FAB];
	_ =	sdelay $0x3  }
0x36: {  	p1 =	seq.s32 s10, $0x1;
	s10 =	sld [smem:$0x3FAC];
	_ =	sdelay $0x3  }
0x37: {  	[smem:$0x3FAC] =	sst s10  }
0x38: {  	s10 =	sld [smem:$0x3FAD]  }
0x39: {  	_ = 	snop;
	(pc) =	sbr.ind lr, $3  }
0x3a: {  	_ = 	snop  }
0x3b: {  	_ = 	snop  }
0x3c: {  	p2 =	seq.s32 s10, $0x1;
	s10 =	sld [smem:$0x3FAC]  }
0x3d: {  	_ =	shalt  }
0x3e: {  	_ =	shalt  }
0x3f: {  	_ =	shalt  }
0x40: {  	_ =	shalt  }
0x41: {  	_ =	shalt  }
0x42: {  	_ =	shalt  }
0x43: {  	_ =	shalt  }
0x44: {  	_ =	shalt  }
0x45: {  	_ =	shalt  }
0x46: {  	_ =	shalt  }
0x47: {  	_ =	shalt  }
0x48: {  	_ =	shalt  }
0x49: {  	_ =	shalt  }
0x4a: {  	_ =	shalt  }
0x4b: {  	_ =	shalt  }
0x4c: {  	_ =	shalt  }
0x4d: {  	_ =	shalt  }
0x4e: {  	_ =	shalt  }
0x4f: {  	_ =	shalt  }
0x50: {  	_ =	shalt  }
0x51: {  	_ =	shalt  }
0x52: {  	_ =	shalt  }
0x53: {  	_ =	shalt  }
0x54: {  	_ =	shalt  }
0x55: {  	_ =	shalt  }
0x56: {  	_ =	shalt  }
0x57: {  	_ =	shalt  }
0x58: {  	_ =	shalt  }
0x59: {  	_ =	shalt  }
0x5a: {  	_ =	shalt  }
0x5b: {  	_ =	shalt  }
0x5c: {  	_ =	shalt  }
0x5d: {  	_ =	shalt  }
0x5e: {  	_ =	shalt  }
0x5f: {  	_ =	shalt  }
0x60: {  	_ =	shalt  }
0x61: {  	_ =	shalt  }
0x62: {  	_ =	shalt  }
0x63: {  	_ =	shalt  }
0x64: {  	_ =	shalt  }
0x65: {  	_ =	shalt  }
0x66: {  	_ =	shalt  }
0x67: {  	_ =	shalt  }
0x68: {  	_ =	shalt  }
0x69: {  	_ =	shalt  }
0x6a: {  	_ =	shalt  }
0x6b: {  	_ =	shalt  }
0x6c: {  	_ =	shalt  }
0x6d: {  	_ =	shalt  }
0x6e: {  	_ =	shalt  }
0x6f: {  	_ =	shalt  }
0x70: {  	_ =	shalt  }
0x71: {  	_ =	shalt  }
0x72: {  	_ =	shalt  }
0x73: {  	_ =	shalt  }
0x74: {  	_ =	shalt  }
0x75: {  	_ =	shalt  }
0x76: {  	_ =	shalt  }
0x77: {  	_ =	shalt  }
0x78: {  	_ =	shalt  }
0x79: {  	_ =	shalt  }
0x7a: {  	_ =	shalt  }
0x7b: {  	_ =	shalt  }
0x7c: {  	_ =	shalt  }
0x7d: {  	_ =	shalt  }
0x7e: {  	_ =	shalt  }
0x7f: {  	_ =	shalt  }
0x80: {  	_ =	shalt  }
0x81: {  	_ =	shalt  }
0x82: {  	_ =	shalt  }
0x83: {  	_ =	shalt  }
0x84: {  	_ =	shalt  }
0x85: {  	_ =	shalt  }
0x86: {  	_ =	shalt  }
0x87: {  	_ =	shalt  }
.Lfunc_end0:
.L_simem_size_0:
called_computation_lowered:
.L_overlay_start_0:
0x88: {  	s2 =	sld [smem:$0x3FD9]  }
0x89: {  	s3 =	sld [smem:$0x3FFE];
	_ =	sdelay $0x1  }
0x8a: {  	s1 =	srdreg.scid  }
0x8b: {  	s0 =	sand.u32 $0x1, s1  }
0x8c: {  	s17 =	sshll.u32 s0, $0xA;
	s2 =	sadd.s32 s3, s2  }
0x8d: {  	s2 =	sadd.s32 s2, s17  }
0x8e: {  	[smem:$0x3FB8] =	sst s2  }
0x8f: {  	_ = 	snop  }
0x90: {  	s2 =	sld [smem:$0x3FC9];
	(tm) =	ssettm $0x1  }
0x91: {  	s18 =	sld [smem:$0x3FFB];
	_ =	sdelay $0x3  }
0x92: {  	_ =	strace s18  }
0x93: {  	s3 =	sld [smem:$0x3FFC];
	_ =	sdelay $0x3  }
0x94: {  	_ =	strace s3  }
0x95: {  	s3 =	sld [smem:$0x3FFD];
	_ =	sdelay $0x3  }
0x96: {  	_ =	strace s3  }
0x97: {  	_ =	strace $0x8FFFFFFF  }
0x98: {  	s19 =	sld [smem:$0x3FDB];
	_ =	sdelay $0x1  }
0x99: {  	s4 =	simm.s32 $_scs_section_size  }
0x9a: {  	s5 =	simm.s32 $_size__tile_overlayer_lowered;
	s6 =	simm.s32 $_tile_overlayer_lowered  }
0x9b: {  	s22 =	simm.s32 $0x1BFF;
	s21 =	sshll.u32 s6, $0x1;
	s3 =	sadd.s32 s4, s19  }
0x9c: {  	s7 =	simm.s32 $0x0;
	s20 =	sshll.u32 s5, $0x1;
	s5 =	sadd.s32 s21, s3  }
0x9d: {  	[timem:s7], [sflag:s22] =	dma.local [hbm:s5], s20  }
0x9e: {  	_ =	swait.ge [sflag:s22], s20  }
0x9f: {  	s4 =	ssub.s32 $0x0, s20;
	[sflag:s22] =	ssyncset.done $0x0  }
0xa0: {  	[sflag:s22] =	ssyncadd.s32 s4;
	_ =	sdelay $0x1  }
0xa1: {  	s23 =	simm.s32 $0x1B8B  }
0xa2: {  	_ =	swait.ge [sflag:s23], $0x1  }
0xa3: {  	[sflag:s23] =	ssyncset.done $0x0  }
0xa4: {  	s25 =	simm.s32 $0x1B8E;
	s24 =	sld [smem:$0x3FFE];
	[sflag:s23] =	ssyncadd.s32 $0xFFFFFFFF  }
0xa5: {  	s26 =	simm.s32 $execute0_lowered;
	[smem:$0x3FD2] =	sst s25  }
0xa6: {  	s5 =	sshll.u32 s26, $0x1;
	_ =	strace $0x80000046;
	[dreg:$0x1] =	wrdreg $0xFFFFFFFF  }
0xa7: {  	s28 =	simm.s32 $_size_execute0_lowered;
	s3 =	sadd.s32 s3, s5;
	[dreg:$0x0] =	wrdreg $0x0  }
0xa8: {  	s5 =	sshll.u32 s28, $0x1;
	[dreg:$0x2] =	wrdreg s3  }
0xa9: {  	[dreg:$0x3] =	wrdreg s5  }
0xaa: {  	[dreg:$0x4] =	wrdreg $0xC0  }
0xab: {  	_ =	task [dreg:s7], $0x5FFFF  }
0xac: {  	[dreg:$0x1] =	wrdreg $0xFFFFFFFF  }
0xad: {  	[dreg:$0x0] =	wrdreg $0x60  }
0xae: {  	[dreg:$0x2] =	wrdreg s2  }
0xaf: {  	[dreg:$0x3] =	wrdreg s24  }
0xb0: {  	[dreg:$0x4] =	wrdreg $0x40000  }
0xb1: {  	[dreg:$0x5] =	wrdreg $0x9  }
0xb2: {  	_ =	task.clear_ibuf [dreg:s7], $0x6FFFF;
	_ =	strace $0x90000046  }
0xb3: {  	s29 =	simm.s32 $0x9;
	_ =	strace $0x80000048  }
0xb4: {  	_ =	swait.ge [sflag:s29], $0x1  }
0xb5: {  	[sflag:s29] =	ssyncadd.s32 $0xFFFFFFFF  }
0xb6: {  	_ =	strace $0x90000048  }
0xb7: {  	_ =	sfence  }
0xb8: {  	s30 =	sld [smem:$0x0];
	_ =	sdelay $0x2  }
0xb9: {  	s31 =	sshll.u32 s1, $0xD;
	s1 =	sshrl.u32 s1, $0x2  }
0xba: {  	s3 =	sand.u32 $0x4000, s31;
	s1 =	sadd.s32 s1, s30  }
0xbb: {  	s0 =	sor.u32 s3, s0;
	s1 =	sshll.u32 s1, $0x11  }
0xbc: {  	s0 =	sor.u32 s1, s0  }
0xbd: {  	s0 =	sadd.s32 $0x8F2B, s0  }
0xbe: {  	[sflag:s0] =	ssyncadd.remote.s32 $0x1  }
0xbf: {  	_ =	sfence.sel $0xFFFF  }
0xc0: {  	[dreg:$0x0] =	wrdreg $0xFFFFFFFF;
	(pc) =	sbr.abs _section_cstart, $3  }
0xc1: {  	[dreg:$0x1] =	wrdreg $0xFFFFFFFF  }
0xc2: {  	_ =	task.clear_ibuf [dreg:s7], $0x2FFFF;
	_ =	strace $0x9FFFFFFF  }
0xc3: {  	(tm) =	ssettm $0x7FFFFFFF  }
tec
execute0_lowered:
.L_overlay_start_1:
0x0: {  	(tag) =	ssettag $0x1  }
0x1: {  	s1 =	rddreg [dreg:$0x0]  }
0x2: {  	s0 =	rddreg [dreg:$0x1]  }
0x3: {  	s2 =	rddreg [dreg:$0x2]  }
0x4: {  	s3 =	srdreg.scid;
	s4 =	simm.s32 $0x0;
	s9 =	stileid.u32  }
0x5: {  	s14 =	simm.s32 $0x7;
	s15 =	simm.s32 $0x2000;
	s16 =	simm.s32 $0x50  }
0x6: {  	s17 =	simm.s32 $0x17C00;
	s18 =	simm.s32 $0x80;
	s19 =	simm.s32 $0x1A400  }
0x7: {  	s20 =	simm.s32 $0x1;
	s28 =	simm.s32 $0x3;
	s29 =	simm.s32 $0x2100  }
0x8: {  	s30 =	simm.s32 $0x5;
	s31 =	simm.s32 $0x6;
	s3 =	sand.u32 $0x1, s3  }
0x9: {  	s7 =	sshll.u32 s9, $0xB;
	s8 =	smul.u32 $0x13C00, s9;
	[smem:$0x7FF] =	sst s4  }
0xa: {  	s21 =	smul.u32 $0x4F000, s9;
	s22 =	sadd.s32 $0x23E00, s0;
	s25 =	sshll.u32 s9, $0x6  }
0xb: {  	s5 =	smul.u32 $0x13C000, s3;
	s6 =	sshll.u32 s3, $0xF;
	_ =	strace $0x80000047  }
0xc: {  	s3 =	ssub.s32 $0x2, s3;
	[dreg:$0x4] =	wrdreg s22;
	s22 =	simm.s32 $0x1CC00  }
0xd: {  	s6 =	sor.u32 s7, s6;
	s23 =	sshrl.u32 s3, $0x1;
	s24 =	sshrl.u32 s21, $0x2  }
0xe: {  	s21 =	simm.s32 $0x100;
	s10 =	sadd.s32 s6, s0;
	s5 =	sadd.s32 s8, s5  }
0xf: {  	s3 =	ssub.s32 s3, s23;
	s6 =	sor.u32 $0x1C07, s25;
	s23 =	simm.s32 $0x2  }
0x10: {  	s25 =	simm.s32 $0x4;
	s5 =	sshrl.u32 s5, $0x3;
	s26 =	sadd.s32 $0x3E00, s10  }
0x11: {  	s8 =	sadd.s32 $0x13E00, s10;
	s9 =	sadd.s32 $0x4200, s10;
	s10 =	sadd.s32 $0x14200, s10  }
0x12: {  	s12 =	smax.u32 s3, $0x1;
	s0 =	sadd.s32 s5, s0;
	s5 =	sadd.s32 s24, s2  }
0x13: {  	[dreg:$0x5] =	wrdreg s26;
	s24 =	simm.s32 $0x2080;
	s26 =	simm.s32 $0x180  }
0x14: {  	s11 =	sadd.s32 $0x26600, s0;
	s13 =	sshrl.u32 s5, $0x3;
	s0 =	simm.s32 $0x0  }
.LBB2_1:
0x15: {  	s3 =	rddreg [dreg:$0x4]  }
0x16: {  	[spmem:s13], [sflag:s6] =	dma.local [hbm:s3], $0x2780  }
0x17: {  	_ =	swait.ge [sflag:s14], $0x2780  }
0x18: {  	[sflag:s14] =	ssyncset.done $0x0  }
0x19: {  	[sflag:s14] =	ssyncadd.s32 $0xFFFFD880  }
0x1a: {  	[bflag:$0x0] =	sbarrier.arrive $0xFFFF  }
0x1b: {  	s5 =	rddreg [dreg:$0x5]  }
0x1c: {  	[tilespmem:s4], [sflag:$0x7] =	stream.linear.gather [hbm4b:s5+s4], $0x1F80, $0x38;
	[tilespmem:$0x1F400] =	vst v63  }
0x1d: {  	_ =	swait.ge [sflag:s14], $0x1F80  }
0x1e: {  	[sflag:s14] =	ssyncset.done $0x0  }
0x1f: {  	[sflag:s14] =	ssyncadd.s32 $0xFFFFE080  }
0x20: {  	[tilespmem:s15], [sflag:$0x7] =	stream.linear.gather [hbm4b:s8+s4], $0x1F80, $0x38;
	[tilespmem:$0x1F400] =	vst v63  }
0x21: {  	_ =	swait.ge [sflag:s14], $0x1F80  }
0x22: {  	[sflag:s14] =	ssyncset.done $0x0  }
0x23: {  	[sflag:s14] =	ssyncadd.s32 $0xFFFFE080  }
0x24: {  	[tilespmem:s17], [sflag:$0x1] =	stream.indirect.gather [hbm4b:s1+s16], $0x80, s4, s16, $0xb8;
	[tilespmem:$0x1F400] =	vst v63  }
0x25: {  	_ = 	snop  }
0x26: {  	[tilespmem:s19], [sflag:$0x2] =	stream.indirect.gather [hbm4b:s1+s16], $0x80, s18, s16, $0xb8;
	[tilespmem:$0x1F400] =	vst v63  }
0x27: {  	_ =	swait.ge [sflag:s20], $0x2800  }
0x28: {  	[sflag:s20] =	ssyncset.done $0x0  }
0x29: {  	[sflag:s20] =	ssyncadd.s32 $0xFFFFD800  }
0x2a: {  	[spmem:s2] =	stream.indirect.scatter.add.f32 [tilespmem:s17], [sflag:$0x4], $0x80, s15, s16, $0xb8;
	[tilespmem:$0x1F400] =	vst v63  }
0x2b: {  	_ = 	snop  }
0x2c: {  	[tilespmem:s22], [sflag:$0x3] =	stream.indirect.gather [hbm4b:s1+s16], $0x80, s21, s16, $0xb8;
	[tilespmem:$0x1F400] =	vst v63  }
0x2d: {  	_ =	swait.ge [sflag:s23], $0x2800  }
0x2e: {  	[sflag:s23] =	ssyncset.done $0x0  }
0x2f: {  	[sflag:s23] =	ssyncadd.s32 $0xFFFFD800  }
0x30: {  	[spmem:s2] =	stream.indirect.scatter.add.f32 [tilespmem:s19], [sflag:$0x5], $0x80, s24, s16, $0xb8;
	[tilespmem:$0x1F400] =	vst v63  }
0x31: {  	_ =	swait.ge [sflag:s25], $0x2800  }
0x32: {  	[sflag:s25] =	ssyncset.done $0x0  }
0x33: {  	[sflag:s25] =	ssyncadd.s32 $0xFFFFD800  }
0x34: {  	[tilespmem:s17], [sflag:$0x1] =	stream.indirect.gather [hbm4b:s1+s16], $0x80, s26, s16, $0xb8;
	[tilespmem:$0x1F400] =	vst v63  }
0x35: {  	_ =	swait.ge [sflag:s28], $0x2800  }
0x36: {  	[sflag:s28] =	ssyncset.done $0x0  }
0x37: {  	[sflag:s28] =	ssyncadd.s32 $0xFFFFD800  }
0x38: {  	[spmem:s2] =	stream.indirect.scatter.add.f32 [tilespmem:s22], [sflag:$0x6], $0x80, s29, s16, $0xb8;
	[tilespmem:$0x1F400] =	vst v63  }
0x39: {  	_ =	swait.ge [sflag:s30], $0x2800  }
0x3a: {  	[sflag:s30] =	ssyncset.done $0x0  }
0x3b: {  	s7 =	simm.s32 $0x200;
	[sflag:s30] =	ssyncadd.s32 $0xFFFFD800  }
0x3c: {  	[tilespmem:s19], [sflag:$0x2] =	stream.indirect.gather [hbm4b:s1+s16], $0x80, s7, s16, $0xb8;
	[tilespmem:$0x1F400] =	vst v63  }
0x3d: {  	_ =	swait.ge [sflag:s20], $0x2800  }
0x3e: {  	[sflag:s20] =	ssyncset.done $0x0  }
0x3f: {  	s5 =	simm.s32 $0x2180;
	[sflag:s20] =	ssyncadd.s32 $0xFFFFD800  }
0x40: {  	[spmem:s2] =	stream.indirect.scatter.add.f32 [tilespmem:s17], [sflag:$0x4], $0x80, s5, s16, $0xb8;
	[tilespmem:$0x1F400] =	vst v63  }
0x41: {  	_ =	swait.ge [sflag:s31], $0x2800  }
0x42: {  	[sflag:s31] =	ssyncset.done $0x0  }
0x43: {  	s7 =	simm.s32 $0x280;
	[sflag:s31] =	ssyncadd.s32 $0xFFFFD800  }
0x44: {  	[tilespmem:s22], [sflag:$0x3] =	stream.indirect.gather [hbm4b:s1+s16], $0x80, s7, s16, $0xb8;
	[tilespmem:$0x1F400] =	vst v63  }
0x45: {  	_ =	swait.ge [sflag:s23], $0x2800  }
0x46: {  	[sflag:s23] =	ssyncset.done $0x0  }
0x47: {  	s5 =	simm.s32 $0x2200;
	[sflag:s23] =	ssyncadd.s32 $0xFFFFD800  }
0x48: {  	[spmem:s2] =	stream.indirect.scatter.add.f32 [tilespmem:s19], [sflag:$0x5], $0x80, s5, s16, $0xb8;
	[tilespmem:$0x1F400] =	vst v63  }
0x49: {  	_ =	swait.ge [sflag:s25], $0x2800  }
0x4a: {  	[sflag:s25] =	ssyncset.done $0x0  }
0x4b: {  	s7 =	simm.s32 $0x300;
	[sflag:s25] =	ssyncadd.s32 $0xFFFFD800  }
0x4c: {  	[tilespmem:s17], [sflag:$0x1] =	stream.indirect.gather [hbm4b:s1+s16], $0x80, s7, s16, $0xb8;
	[tilespmem:$0x1F400] =	vst v63  }
0x4d: {  	_ =	swait.ge [sflag:s28], $0x2800  }
0x4e: {  	[sflag:s28] =	ssyncset.done $0x0  }
0x4f: {  	s3 =	simm.s32 $0x600;
	s5 =	simm.s32 $0x2280;
	[sflag:s28] =	ssyncadd.s32 $0xFFFFD800  }
.LBB2_2:
0x50: {  	[spmem:s2] =	stream.indirect.scatter.add.f32 [tilespmem:s22], [sflag:$0x6], $0x80, s5, s16, $0xb8;
	[tilespmem:$0x1F400] =	vst v63  }
0x51: {  	s5 =	smov.u32 s3;
	s3 =	sadd.s32 $0x600, s3;
	_ =	swait.ge [sflag:s30], $0x2800  }
0x52: {  	s5 =	sshra.s32 s5, $0x2;
	p0 =	sne.s32 s3, $0x7200;
	[sflag:s30] =	ssyncset.done $0x0  }
0x53: {  	s7 =	sadd.s32 $0x200, s5;
	[sflag:s30] =	ssyncadd.s32 $0xFFFFD800  }
0x54: {  	[tilespmem:s19], [sflag:$0x2] =	stream.indirect.gather [hbm4b:s1+s16], $0x80, s7, s16, $0xb8;
	[tilespmem:$0x1F400] =	vst v63  }
0x55: {  	_ =	swait.ge [sflag:s20], $0x2800  }
0x56: {  	[sflag:s20] =	ssyncset.done $0x0  }
0x57: {  	s7 =	sadd.s32 $0x2180, s5;
	[sflag:s20] =	ssyncadd.s32 $0xFFFFD800  }
0x58: {  	[spmem:s2] =	stream.indirect.scatter.add.f32 [tilespmem:s17], [sflag:$0x4], $0x80, s7, s16, $0xb8;
	[tilespmem:$0x1F400] =	vst v63  }
0x59: {  	_ =	swait.ge [sflag:s31], $0x2800  }
0x5a: {  	[sflag:s31] =	ssyncset.done $0x0  }
0x5b: {  	s7 =	sadd.s32 $0x280, s5;
	[sflag:s31] =	ssyncadd.s32 $0xFFFFD800  }
0x5c: {  	[tilespmem:s22], [sflag:$0x3] =	stream.indirect.gather [hbm4b:s1+s16], $0x80, s7, s16, $0xb8;
	[tilespmem:$0x1F400] =	vst v63  }
0x5d: {  	_ =	swait.ge [sflag:s23], $0x2800  }
0x5e: {  	[sflag:s23] =	ssyncset.done $0x0  }
0x5f: {  	s7 =	sadd.s32 $0x2200, s5;
	[sflag:s23] =	ssyncadd.s32 $0xFFFFD800  }
0x60: {  	[spmem:s2] =	stream.indirect.scatter.add.f32 [tilespmem:s19], [sflag:$0x5], $0x80, s7, s16, $0xb8;
	[tilespmem:$0x1F400] =	vst v63  }
0x61: {  	_ =	swait.ge [sflag:s25], $0x2800  }
0x62: {  	[sflag:s25] =	ssyncset.done $0x0  }
.Ltmp0:
0x63: {  	s7 =	sadd.s32 $0x300, s5;
	[sflag:s25] =	ssyncadd.s32 $0xFFFFD800;
	(pc) =	sbr.rel @p0 .LBB2_2-.Ltmp0, $4  }
0x64: {  	[tilespmem:s17], [sflag:$0x1] =	stream.indirect.gather [hbm4b:s1+s16], $0x80, s7, s16, $0xb8;
	[tilespmem:$0x1F400] =	vst v63  }
0x65: {  	_ =	swait.ge [sflag:s28], $0x2800  }
0x66: {  	[sflag:s28] =	ssyncset.done $0x0  }
0x67: {  	s5 =	sadd.s32 $0x2280, s5;
	[sflag:s28] =	ssyncadd.s32 $0xFFFFD800  }
0x68: {  	[spmem:s2] =	stream.indirect.scatter.add.f32 [tilespmem:s22], [sflag:$0x6], $0x80, s5, s16, $0xb8;
	[tilespmem:$0x1F400] =	vst v63  }
0x69: {  	_ =	swait.ge [sflag:s30], $0x2800  }
0x6a: {  	s3 =	sshra.s32 s3, $0x2;
	[sflag:s30] =	ssyncset.done $0x0  }
0x6b: {  	s7 =	sadd.s32 $0x200, s3;
	[sflag:s30] =	ssyncadd.s32 $0xFFFFD800  }
0x6c: {  	[tilespmem:s19], [sflag:$0x2] =	stream.indirect.gather [hbm4b:s1+s16], $0x80, s7, s16, $0xb8;
	[tilespmem:$0x1F400] =	vst v63  }
0x6d: {  	_ =	swait.ge [sflag:s20], $0x2800  }
0x6e: {  	[sflag:s20] =	ssyncset.done $0x0  }
0x6f: {  	s7 =	sadd.s32 $0x2180, s3;
	[sflag:s20] =	ssyncadd.s32 $0xFFFFD800  }
0x70: {  	[spmem:s2] =	stream.indirect.scatter.add.f32 [tilespmem:s17], [sflag:$0x4], $0x80, s7, s16, $0xb8;
	[tilespmem:$0x1F400] =	vst v63  }
0x71: {  	_ =	swait.ge [sflag:s31], $0x2800  }
0x72: {  	[sflag:s31] =	ssyncset.done $0x0  }
0x73: {  	s7 =	sadd.s32 $0x280, s3;
	[sflag:s31] =	ssyncadd.s32 $0xFFFFD800  }
0x74: {  	[tilespmem:s22], [sflag:$0x3] =	stream.indirect.gather [hbm4b:s1+s16], $0x80, s7, s16, $0xb8;
	[tilespmem:$0x1F400] =	vst v63  }
0x75: {  	_ =	swait.ge [sflag:s23], $0x2800  }
0x76: {  	[sflag:s23] =	ssyncset.done $0x0  }
0x77: {  	s7 =	sadd.s32 $0x2200, s3;
	[sflag:s23] =	ssyncadd.s32 $0xFFFFD800  }
0x78: {  	[spmem:s2] =	stream.indirect.scatter.add.f32 [tilespmem:s19], [sflag:$0x5], $0x80, s7, s16, $0xb8;
	[tilespmem:$0x1F400] =	vst v63  }
0x79: {  	_ =	swait.ge [sflag:s25], $0x2800  }
0x7a: {  	[sflag:s25] =	ssyncset.done $0x0  }
0x7b: {  	[sflag:s25] =	ssyncadd.s32 $0xFFFFD800  }
0x7c: {  	_ =	swait.ge [sflag:s28], $0x2800  }
0x7d: {  	[sflag:s28] =	ssyncset.done $0x0  }
0x7e: {  	s3 =	sadd.s32 $0x2280, s3;
	[sflag:s28] =	ssyncadd.s32 $0xFFFFD800  }
0x7f: {  	[spmem:s2] =	stream.indirect.scatter.add.f32 [tilespmem:s22], [sflag:$0x6], $0x80, s3, s16, $0xb8;
	[tilespmem:$0x1F400] =	vst v63  }
0x80: {  	_ =	swait.ge [sflag:s30], $0x2800  }
0x81: {  	[sflag:s30] =	ssyncset.done $0x0  }
0x82: {  	[sflag:s30] =	ssyncadd.s32 $0xFFFFD800  }
0x83: {  	_ =	swait.ge [sflag:s31], $0x2800  }
0x84: {  	[sflag:s31] =	ssyncset.done $0x0  }
0x85: {  	s5 =	simm.s32 $0x0;
	[sflag:s31] =	ssyncadd.s32 $0xFFFFD800  }
0x86: {  	[tilespmem:s5], [sflag:$0x7] =	stream.linear.gather [hbm4b:s9+s5], $0x1F80, $0x38;
	[tilespmem:$0x1F400] =	vst v63  }
0x87: {  	_ =	swait.ge [sflag:s14], $0x1F80  }
0x88: {  	[sflag:s14] =	ssyncset.done $0x0  }
0x89: {  	[sflag:s14] =	ssyncadd.s32 $0xFFFFE080  }
0x8a: {  	[tilespmem:s15], [sflag:$0x7] =	stream.linear.gather [hbm4b:s10+s5], $0x1F80, $0x38;
	[tilespmem:$0x1F400] =	vst v63  }
0x8b: {  	_ =	swait.ge [sflag:s14], $0x1F80  }
0x8c: {  	[sflag:s14] =	ssyncset.done $0x0  }
0x8d: {  	[sflag:s14] =	ssyncadd.s32 $0xFFFFE080  }
0x8e: {  	[tilespmem:s17], [sflag:$0x1] =	stream.indirect.gather [hbm4b:s1+s16], $0x80, s5, s16, $0xb8;
	[tilespmem:$0x1F400] =	vst v63  }
0x8f: {  	_ = 	snop  }
0x90: {  	[tilespmem:s19], [sflag:$0x2] =	stream.indirect.gather [hbm4b:s1+s16], $0x80, s18, s16, $0xb8;
	[tilespmem:$0x1F400] =	vst v63  }
0x91: {  	_ =	swait.ge [sflag:s20], $0x2800  }
0x92: {  	[sflag:s20] =	ssyncset.done $0x0  }
0x93: {  	[sflag:s20] =	ssyncadd.s32 $0xFFFFD800  }
0x94: {  	[spmem:s2] =	stream.indirect.scatter.add.f32 [tilespmem:s17], [sflag:$0x4], $0x80, s15, s16, $0xb8;
	[tilespmem:$0x1F400] =	vst v63  }
0x95: {  	_ = 	snop  }
0x96: {  	[tilespmem:s22], [sflag:$0x3] =	stream.indirect.gather [hbm4b:s1+s16], $0x80, s21, s16, $0xb8;
	[tilespmem:$0x1F400] =	vst v63  }
0x97: {  	_ =	swait.ge [sflag:s23], $0x2800  }
0x98: {  	[sflag:s23] =	ssyncset.done $0x0  }
0x99: {  	[sflag:s23] =	ssyncadd.s32 $0xFFFFD800  }
0x9a: {  	[spmem:s2] =	stream.indirect.scatter.add.f32 [tilespmem:s19], [sflag:$0x5], $0x80, s24, s16, $0xb8;
	[tilespmem:$0x1F400] =	vst v63  }
0x9b: {  	_ =	swait.ge [sflag:s25], $0x2800  }
0x9c: {  	[sflag:s25] =	ssyncset.done $0x0  }
0x9d: {  	[sflag:s25] =	ssyncadd.s32 $0xFFFFD800  }
0x9e: {  	[tilespmem:s17], [sflag:$0x1] =	stream.indirect.gather [hbm4b:s1+s16], $0x80, s26, s16, $0xb8;
	[tilespmem:$0x1F400] =	vst v63  }
0x9f: {  	_ =	swait.ge [sflag:s28], $0x2800  }
0xa0: {  	[sflag:s28] =	ssyncset.done $0x0  }
0xa1: {  	[sflag:s28] =	ssyncadd.s32 $0xFFFFD800  }
0xa2: {  	[spmem:s2] =	stream.indirect.scatter.add.f32 [tilespmem:s22], [sflag:$0x6], $0x80, s29, s16, $0xb8;
	[tilespmem:$0x1F400] =	vst v63  }
0xa3: {  	_ =	swait.ge [sflag:s30], $0x2800  }
0xa4: {  	[sflag:s30] =	ssyncset.done $0x0  }
0xa5: {  	s7 =	simm.s32 $0x200;
	[sflag:s30] =	ssyncadd.s32 $0xFFFFD800  }
0xa6: {  	[tilespmem:s19], [sflag:$0x2] =	stream.indirect.gather [hbm4b:s1+s16], $0x80, s7, s16, $0xb8;
	[tilespmem:$0x1F400] =	vst v63  }
0xa7: {  	_ =	swait.ge [sflag:s20], $0x2800  }
0xa8: {  	[sflag:s20] =	ssyncset.done $0x0  }
0xa9: {  	s5 =	simm.s32 $0x2180;
	[sflag:s20] =	ssyncadd.s32 $0xFFFFD800  }
0xaa: {  	[spmem:s2] =	stream.indirect.scatter.add.f32 [tilespmem:s17], [sflag:$0x4], $0x80, s5, s16, $0xb8;
	[tilespmem:$0x1F400] =	vst v63  }
0xab: {  	_ =	swait.ge [sflag:s31], $0x2800  }
0xac: {  	[sflag:s31] =	ssyncset.done $0x0  }
0xad: {  	s7 =	simm.s32 $0x280;
	[sflag:s31] =	ssyncadd.s32 $0xFFFFD800  }
0xae: {  	[tilespmem:s22], [sflag:$0x3] =	stream.indirect.gather [hbm4b:s1+s16], $0x80, s7, s16, $0xb8;
	[tilespmem:$0x1F400] =	vst v63  }
0xaf: {  	_ =	swait.ge [sflag:s23], $0x2800  }
0xb0: {  	[sflag:s23] =	ssyncset.done $0x0  }
0xb1: {  	s5 =	simm.s32 $0x2200;
	[sflag:s23] =	ssyncadd.s32 $0xFFFFD800  }
0xb2: {  	[spmem:s2] =	stream.indirect.scatter.add.f32 [tilespmem:s19], [sflag:$0x5], $0x80, s5, s16, $0xb8;
	[tilespmem:$0x1F400] =	vst v63  }
0xb3: {  	_ =	swait.ge [sflag:s25], $0x2800  }
0xb4: {  	[sflag:s25] =	ssyncset.done $0x0  }
0xb5: {  	s7 =	simm.s32 $0x300;
	[sflag:s25] =	ssyncadd.s32 $0xFFFFD800  }
0xb6: {  	[tilespmem:s17], [sflag:$0x1] =	stream.indirect.gather [hbm4b:s1+s16], $0x80, s7, s16, $0xb8;
	[tilespmem:$0x1F400] =	vst v63  }
0xb7: {  	_ =	swait.ge [sflag:s28], $0x2800  }
0xb8: {  	[sflag:s28] =	ssyncset.done $0x0  }
0xb9: {  	s3 =	simm.s32 $0x600;
	s5 =	simm.s32 $0x2280;
	[sflag:s28] =	ssyncadd.s32 $0xFFFFD800  }
.LBB2_4:
0xba: {  	[spmem:s2] =	stream.indirect.scatter.add.f32 [tilespmem:s22], [sflag:$0x6], $0x80, s5, s16, $0xb8;
	[tilespmem:$0x1F400] =	vst v63  }
0xbb: {  	s5 =	smov.u32 s3;
	s3 =	sadd.s32 $0x600, s3;
	_ =	swait.ge [sflag:s30], $0x2800  }
0xbc: {  	s5 =	sshra.s32 s5, $0x2;
	p0 =	sne.s32 s3, $0x7200;
	[sflag:s30] =	ssyncset.done $0x0  }
0xbd: {  	s7 =	sadd.s32 $0x200, s5;
	[sflag:s30] =	ssyncadd.s32 $0xFFFFD800  }
0xbe: {  	[tilespmem:s19], [sflag:$0x2] =	stream.indirect.gather [hbm4b:s1+s16], $0x80, s7, s16, $0xb8;
	[tilespmem:$0x1F400] =	vst v63  }
0xbf: {  	_ =	swait.ge [sflag:s20], $0x2800  }
0xc0: {  	[sflag:s20] =	ssyncset.done $0x0  }
0xc1: {  	s7 =	sadd.s32 $0x2180, s5;
	[sflag:s20] =	ssyncadd.s32 $0xFFFFD800  }
0xc2: {  	[spmem:s2] =	stream.indirect.scatter.add.f32 [tilespmem:s17], [sflag:$0x4], $0x80, s7, s16, $0xb8;
	[tilespmem:$0x1F400] =	vst v63  }
0xc3: {  	_ =	swait.ge [sflag:s31], $0x2800  }
0xc4: {  	[sflag:s31] =	ssyncset.done $0x0  }
0xc5: {  	s7 =	sadd.s32 $0x280, s5;
	[sflag:s31] =	ssyncadd.s32 $0xFFFFD800  }
0xc6: {  	[tilespmem:s22], [sflag:$0x3] =	stream.indirect.gather [hbm4b:s1+s16], $0x80, s7, s16, $0xb8;
	[tilespmem:$0x1F400] =	vst v63  }
0xc7: {  	_ =	swait.ge [sflag:s23], $0x2800  }
0xc8: {  	[sflag:s23] =	ssyncset.done $0x0  }
0xc9: {  	s7 =	sadd.s32 $0x2200, s5;
	[sflag:s23] =	ssyncadd.s32 $0xFFFFD800  }
0xca: {  	[spmem:s2] =	stream.indirect.scatter.add.f32 [tilespmem:s19], [sflag:$0x5], $0x80, s7, s16, $0xb8;
	[tilespmem:$0x1F400] =	vst v63  }
0xcb: {  	_ =	swait.ge [sflag:s25], $0x2800  }
0xcc: {  	[sflag:s25] =	ssyncset.done $0x0  }
.Ltmp1:
0xcd: {  	s7 =	sadd.s32 $0x300, s5;
	[sflag:s25] =	ssyncadd.s32 $0xFFFFD800;
	(pc) =	sbr.rel @p0 .LBB2_4-.Ltmp1, $4  }
0xce: {  	[tilespmem:s17], [sflag:$0x1] =	stream.indirect.gather [hbm4b:s1+s16], $0x80, s7, s16, $0xb8;
	[tilespmem:$0x1F400] =	vst v63  }
0xcf: {  	_ =	swait.ge [sflag:s28], $0x2800  }
0xd0: {  	[sflag:s28] =	ssyncset.done $0x0  }
0xd1: {  	s5 =	sadd.s32 $0x2280, s5;
	[sflag:s28] =	ssyncadd.s32 $0xFFFFD800  }
0xd2: {  	[spmem:s2] =	stream.indirect.scatter.add.f32 [tilespmem:s22], [sflag:$0x6], $0x80, s5, s16, $0xb8;
	[tilespmem:$0x1F400] =	vst v63  }
0xd3: {  	_ =	swait.ge [sflag:s30], $0x2800  }
0xd4: {  	s3 =	sshra.s32 s3, $0x2;
	[sflag:s30] =	ssyncset.done $0x0  }
0xd5: {  	s7 =	sadd.s32 $0x200, s3;
	[sflag:s30] =	ssyncadd.s32 $0xFFFFD800  }
0xd6: {  	[tilespmem:s19], [sflag:$0x2] =	stream.indirect.gather [hbm4b:s1+s16], $0x80, s7, s16, $0xb8;
	[tilespmem:$0x1F400] =	vst v63  }
0xd7: {  	_ =	swait.ge [sflag:s20], $0x2800  }
0xd8: {  	[sflag:s20] =	ssyncset.done $0x0  }
0xd9: {  	s7 =	sadd.s32 $0x2180, s3;
	[sflag:s20] =	ssyncadd.s32 $0xFFFFD800  }
0xda: {  	[spmem:s2] =	stream.indirect.scatter.add.f32 [tilespmem:s17], [sflag:$0x4], $0x80, s7, s16, $0xb8;
	[tilespmem:$0x1F400] =	vst v63  }
0xdb: {  	_ =	swait.ge [sflag:s31], $0x2800  }
0xdc: {  	[sflag:s31] =	ssyncset.done $0x0  }
0xdd: {  	s7 =	sadd.s32 $0x280, s3;
	[sflag:s31] =	ssyncadd.s32 $0xFFFFD800  }
0xde: {  	[tilespmem:s22], [sflag:$0x3] =	stream.indirect.gather [hbm4b:s1+s16], $0x80, s7, s16, $0xb8;
	[tilespmem:$0x1F400] =	vst v63  }
0xdf: {  	_ =	swait.ge [sflag:s23], $0x2800  }
0xe0: {  	[sflag:s23] =	ssyncset.done $0x0  }
0xe1: {  	s7 =	sadd.s32 $0x2200, s3;
	[sflag:s23] =	ssyncadd.s32 $0xFFFFD800  }
0xe2: {  	[spmem:s2] =	stream.indirect.scatter.add.f32 [tilespmem:s19], [sflag:$0x5], $0x80, s7, s16, $0xb8;
	[tilespmem:$0x1F400] =	vst v63  }
0xe3: {  	_ =	swait.ge [sflag:s25], $0x2800  }
0xe4: {  	[sflag:s25] =	ssyncset.done $0x0  }
0xe5: {  	[sflag:s25] =	ssyncadd.s32 $0xFFFFD800  }
0xe6: {  	_ =	swait.ge [sflag:s28], $0x2800  }
0xe7: {  	[sflag:s28] =	ssyncset.done $0x0  }
0xe8: {  	s3 =	sadd.s32 $0x2280, s3;
	[sflag:s28] =	ssyncadd.s32 $0xFFFFD800  }
0xe9: {  	[spmem:s2] =	stream.indirect.scatter.add.f32 [tilespmem:s22], [sflag:$0x6], $0x80, s3, s16, $0xb8;
	[tilespmem:$0x1F400] =	vst v63  }
0xea: {  	_ =	swait.ge [sflag:s30], $0x2800  }
0xeb: {  	[sflag:s30] =	ssyncset.done $0x0  }
0xec: {  	[sflag:s30] =	ssyncadd.s32 $0xFFFFD800  }
0xed: {  	_ =	swait.ge [sflag:s31], $0x2800  }
0xee: {  	s0 =	sadd.s32 $0x1, s0;
	[sflag:s31] =	ssyncset.done $0x0  }
0xef: {  	p0 =	sne.s32 s0, s12;
	[sflag:s31] =	ssyncadd.s32 $0xFFFFD800  }
.Ltmp2:
0xf0: {  	[bflag:$0x0] =	sbarrier.arrive $0xFFFF;
	(pc) =	sbr.rel @p0 .LBB2_1-.Ltmp2, $4  }
0xf1: {  	[hbm:s11], [sflag:s6] =	dma.local [spmem:s13], $0x2780  }
0xf2: {  	_ =	swait.ge [sflag:s14], $0x2780  }
0xf3: {  	[sflag:s14] =	ssyncset.done $0x0  }
0xf4: {  	[sflag:s14] =	ssyncadd.s32 $0xFFFFD880  }
0xf5: {  	_ =	sfence.sel $0x180000  }
0xf6: {  	[bflag:$0x0] =	sbarrier.arrive $0xFFFF  }
0xf7: {  	_ =	strace $0x90000047  }
0xf8: {  	s0 =	stileid.u32;
	[bflag:$0x2] =	sbarrier.arrive $0xFFFF  }
0xf9: {  	p0 =	sne.s32 s0, $0x0;
	s0 =	rddreg [dreg:$0x3]  }
0xfa: {  	s0 =	sadd.s32 @!p0 $0x100000, s0  }
0xfb: {  	[sflag:s0] =	ssyncadd.tile.s32 @!p0 $0x1;
	_ =	shalt  }
.Lfunc_end2:
_tile_overlayer_lowered:
.L_overlay_start_2:
0xfc: {  	(tag) =	ssettag $0x2  }
0xfd: {  	s0 =	rddreg [dreg:$0x0];
	s2 =	stileid.u32  }
0xfe: {  	s1 =	rddreg [dreg:$0x1];
	p0 =	sne.s32 s2, $0x0  }
0xff: {  	s3 =	rddreg [dreg:$0x2];
	[bflag:$0x3] =	sbarrier.arrive $0xFFFF;
	s2 =	simm.s32 @!p0 $0x1C07  }
0x100: {  	[timem:s3], [sflag:s2] =	dma.local @!p0 [hbm:s0], s1  }
0x101: {  	s0 =	simm.s32 @!p0 $0x7  }
0x102: {  	_ =	swait.ge @!p0 [sflag:s0], s1  }
0x103: {  	s1 =	ssub.s32 @!p0 $0x0, s1;
	[sflag:s0] =	ssyncset.done @!p0 $0x0  }
0x104: {  	[sflag:s0] =	ssyncadd.s32 @!p0 s1  }
0x105: {  	[bflag:$0x3] =	sbarrier.arrive $0xFFFF  }
0x106: {  	_ =	shalt  }

</sc_bundles>
